<compile_context>
chip_gen: v7x
topology: tpu7x:2x2x1
jax: 0.10.2.dev20260603
libtpu: 0.0.44.dev20260713+nightly
codegen_flags: <defaults>
</compile_context>

<pallas_src>
import functools

import jax
import jax.numpy as jnp
from jax import lax
from jax.experimental import pallas as pl
from jax.experimental.pallas import tpu as pltpu
from jax.experimental.pallas import tpu_sc as plsc

N = 100000
D = 128
NUM_SEGMENTS = 4096

NC = 2
NS = 16
NW = NC * NS
L = 16
VPR = D // L
SEG_PER_W = NUM_SEGMENTS // NW
CHUNK = 416

_mesh = plsc.VectorSubcoreMesh(
    core_axis_name="c", subcore_axis_name="s", num_cores=NC, num_subcores=NS
)


@functools.partial(
    pl.kernel,
    out_type=jax.ShapeDtypeStruct((NUM_SEGMENTS, D), jnp.float32),
    mesh=_mesh,
    compiler_params=pltpu.CompilerParams(needs_layout_passes=False),
    scratch_types=[
        pltpu.VMEM((CHUNK, D), jnp.float32),
        pltpu.VMEM((CHUNK, D), jnp.float32),
        pltpu.VMEM((CHUNK + 16,), jnp.int32),
        pltpu.VMEM((CHUNK + 16,), jnp.int32),
        pltpu.VMEM((SEG_PER_W, D), jnp.float32),
        pltpu.VMEM((144,), jnp.float32),
        pltpu.VMEM((64,), jnp.int32),
        pltpu.SemaphoreType.DMA,
        pltpu.SemaphoreType.DMA,
        pltpu.SemaphoreType.DMA,
        pltpu.SemaphoreType.DMA,
    ],
)
def _wsum_sc(feats_hbm, ids_hbm, params_hbm, starts_hbm, out_hbm,
             feats_b0, feats_b1, ids_b0, ids_b1, acc, params_v, starts_v,
             semf0, semf1, semi0, semi1):
    cid = lax.axis_index("c")
    sid = lax.axis_index("s")
    wid = sid * NC + cid
    seg_base = wid * SEG_PER_W

    pltpu.sync_copy(params_hbm, params_v)
    pltpu.sync_copy(starts_hbm, starts_v)

    w_vecs = [params_v[pl.ds(16 * j, 16)] for j in range(VPR)]
    b_vec = params_v[pl.ds(D, 16)]

    r0 = starts_v[pl.ds(wid, 16)][0]
    r1 = starts_v[pl.ds(wid + 1, 16)][0]

    lane_iota = lax.iota(jnp.int32, L)
    low_half = lane_iota < 8

    zv = jnp.zeros((L,), jnp.float32)

    def zero_body(i, carry):
        for j in range(VPR):
            acc[i, pl.ds(16 * j, 16)] = zv
        return carry

    lax.fori_loop(0, SEG_PER_W, zero_body, 0)

    a0 = (r0 // 8) * 8
    nchunks = (r1 - a0 + CHUNK - 1) // CHUNK

    slots = (
        (feats_b0, ids_b0, semf0, semi0),
        (feats_b1, ids_b1, semf1, semi1),
    )

    def chunk_start(k):
        return jnp.minimum(a0 + k * CHUNK, N - CHUNK)

    def copies(k, slot):
        cs = chunk_start(k)
        fbuf, ibuf, semf, semi = slots[slot]
        return (
            pltpu.make_async_copy(feats_hbm.at[pl.ds(cs, CHUNK)], fbuf, semf),
            pltpu.make_async_copy(
                ids_hbm.at[pl.ds(cs, CHUNK)], ibuf.at[pl.ds(0, CHUNK)], semi
            ),
        )

    def issue(k, slot):
        for c in copies(k, slot):
            c.start()

    def wait(k, slot):
        for c in copies(k, slot):
            c.wait()

    def process(k, slot):
        fbuf, ibuf, _, _ = slots[slot]
        cs_u = a0 + k * CHUNK
        cs = chunk_start(k)
        p_lo = jnp.maximum(r0, cs_u)
        p_hi = jnp.minimum(r1, cs_u + CHUNK)

        def load_row(li):
            return [fbuf[li, pl.ds(16 * j, 16)] for j in range(VPR)]

        def fold(row):
            part = row[0] * w_vecs[0]
            for j in range(1, VPR):
                part = part + row[j] * w_vecs[j]
            return part + lax.rev(part, (0,))

        def accumulate(seg, row, sig):
            lseg = seg - seg_base
            for j in range(VPR):
                plsc.addupdate(acc.at[lseg, pl.ds(16 * j, 16)], row[j] * sig)

        npairs = (p_hi - p_lo) // 2

        def pair_body(t, c2):
            ra = p_lo + 2 * t - cs
            rb = ra + 1
            iv = ibuf[pl.ds(ra, 16)]
            rowa = load_row(ra)
            rowb = load_row(rb)
            packed = jnp.where(low_half, fold(rowa), fold(rowb))
            cum = plsc.cumsum(packed)
            sa = cum[7]
            sab = cum[15]
            siga = 1.0 / (1.0 + jnp.exp(-(lax.broadcast(sa, (L,)) + b_vec)))
            sigb = 1.0 / (
                1.0 + jnp.exp(-(lax.broadcast(sab - sa, (L,)) + b_vec))
            )
            accumulate(iv[0], rowa, siga)
            accumulate(iv[1], rowb, sigb)
            return c2

        lax.fori_loop(0, npairs, pair_body, 0)

        @pl.when(p_lo + 2 * npairs < p_hi)
        def _():
            li = p_lo + 2 * npairs - cs
            row = load_row(li)
            cum = plsc.cumsum(fold(row))
            sig = 1.0 / (
                1.0 + jnp.exp(-(lax.broadcast(cum[7], (L,)) + b_vec))
            )
            accumulate(ibuf[pl.ds(li, 16)][0], row, sig)

    @pl.when(nchunks > 0)
    def _():
        issue(0, 0)

    def pair_body(kk, carry):
        k0 = 2 * kk
        k1 = k0 + 1

        @pl.when(k0 < nchunks)
        def _():
            wait(k0, 0)

            @pl.when(k1 < nchunks)
            def _():
                issue(k1, 1)

            process(k0, 0)

        @pl.when(k1 < nchunks)
        def _():
            wait(k1, 1)

            @pl.when(k1 + 1 < nchunks)
            def _():
                issue(k1 + 1, 0)

            process(k1, 1)

        return carry

    lax.fori_loop(0, (nchunks + 1) // 2, pair_body, 0)

    pltpu.sync_copy(acc, out_hbm.at[pl.ds(seg_base, SEG_PER_W)])


def kernel(feats, segment_ids, W, b):
    ids32 = segment_ids.astype(jnp.int32)
    bounds = jnp.arange(0, NUM_SEGMENTS + 1, SEG_PER_W, dtype=jnp.int32)
    starts = jnp.searchsorted(ids32, bounds, side="left").astype(jnp.int32)
    starts_p = jnp.zeros((64,), jnp.int32).at[: NW + 1].set(starts)
    params = jnp.concatenate(
        [W.reshape(D).astype(jnp.float32), jnp.full((16,), b[0], jnp.float32)]
    )
    return _wsum_sc(feats, ids32, params, starts_p)

# --- scband reference (transcript-rebuilt; emitter-appended) ---
"""Pipeline reference for scband-weight-and-sum-13606456394063 (READ-ONLY COPY).

The authoritative reference and input builder live on the scoring server;
editing this copy changes nothing except your own understanding.
"""

import jax, jax.numpy as jnp
import numpy as np

N = 100000
D = 128
NUM_SEGMENTS = 4096

def setup_inputs(seed: int = 0) -> dict:
    key = jax.random.key(seed)
    k1, k2, k3 = jax.random.split(key, 3)
    feats = jax.random.normal(k1, (N, D), dtype=jnp.float32)
    segment_ids = jnp.sort(jax.random.randint(k2, (N,), 0, NUM_SEGMENTS).astype(jnp.int64))
    # Linear(in_feats=128, out=1) params
    W = jax.random.normal(k3, (D, 1), dtype=jnp.float32) * (1.0 / np.sqrt(D))
    b = jnp.zeros((1,), dtype=jnp.float32)
    return {"feats": feats, "segment_ids": segment_ids, "W": W, "b": b}

def reference(feats, segment_ids, W, b):
    # atom_weighting: Linear(in_feats, 1) + Sigmoid
    w = jax.nn.sigmoid(feats @ W + b)  # [N, 1]
    h = feats * w                      # [N, D], weighted node features
    # sum_nodes: segment-sum of weighted node features per graph in the batch.
    # segment_ids (sorted) is equivalent to the offsets derived from batch_num_nodes;
    # zero-length segments yield zero rows, matching dgl segment_reduce('sum').
    h_g_sum = jax.ops.segment_sum(h, segment_ids, num_segments=NUM_SEGMENTS)
    return h_g_sum

if __name__ == "__main__":
    import jax
    _d = setup_inputs()
    print(jax.jit(kernel)(*tuple(_d.values())))

</pallas_src>

<mosaic_0001>
#map = affine_map<(d0, d1) -> (0, 0)>
#map1 = affine_map<(d0, d1) -> (0)>
module attributes {stable_mosaic.version = 14 : i64} {
  func.func @_wsum_sc(%arg0: i32, %arg1: i32, %arg2: memref<100000x128xf32, #tpu.memory_space<hbm>>, %arg3: memref<100000xi32, #tpu.memory_space<hbm>>, %arg4: memref<144xf32, #tpu.memory_space<hbm>>, %arg5: memref<64xi32, #tpu.memory_space<hbm>>, %arg6: memref<4096x128xf32, #tpu.memory_space<hbm>>, %arg7: memref<416x128xf32, #tpu.memory_space<vmem>>, %arg8: memref<416x128xf32, #tpu.memory_space<vmem>>, %arg9: memref<432xi32, #tpu.memory_space<vmem>>, %arg10: memref<432xi32, #tpu.memory_space<vmem>>, %arg11: memref<128x128xf32, #tpu.memory_space<vmem>>, %arg12: memref<144xf32, #tpu.memory_space<vmem>>, %arg13: memref<64xi32, #tpu.memory_space<vmem>>, %arg14: memref<!tpu.dma_semaphore, #tpu.memory_space<semaphore_mem>>, %arg15: memref<!tpu.dma_semaphore, #tpu.memory_space<semaphore_mem>>, %arg16: memref<!tpu.dma_semaphore, #tpu.memory_space<semaphore_mem>>, %arg17: memref<!tpu.dma_semaphore, #tpu.memory_space<semaphore_mem>>) attributes {dimension_semantics = [#tpu.dimension_semantics<core_parallel>, #tpu.dimension_semantics<subcore_parallel>], iteration_bounds = array<i64: 2, 16>, scalar_prefetch = 0 : i64, scratch_operands = 11 : i64, tpu.core_type = #tpu.core_type<sc_vector_subcore>, window_params = [{transform_indices = #map}, {transform_indices = #map1}, {transform_indices = #map1}, {transform_indices = #map1}, {transform_indices = #map}]} {
    %mul3A = arith.constant 2 : i32
    %mul3A_0 = arith.muli %arg1, %mul3A : i32
    %add3A = arith.addi %mul3A_0, %arg0 : i32
    %mul3A_1 = arith.constant 128 : i32
    %mul3A_2 = arith.muli %add3A, %mul3A_1 : i32
    "tpu.region"() ({
      %run_scoped3A = tpu.sem_alloc : memref<!tpu.dma_semaphore, #tpu.memory_space<semaphore_mem>>
      tpu.enqueue_dma source(%arg4 : memref<144xf32, #tpu.memory_space<hbm>>) target(%arg12 : memref<144xf32, #tpu.memory_space<vmem>>) target_semaphore(%run_scoped3A : memref<!tpu.dma_semaphore, #tpu.memory_space<semaphore_mem>>)
      tpu.wait_dma2 semaphore(%run_scoped3A : memref<!tpu.dma_semaphore, #tpu.memory_space<semaphore_mem>>) src(%arg4 : memref<144xf32, #tpu.memory_space<hbm>>) dst(%arg12 : memref<144xf32, #tpu.memory_space<vmem>>)
      tpu.yield
    }) : () -> ()
    "tpu.region"() ({
      %run_scoped3A = tpu.sem_alloc : memref<!tpu.dma_semaphore, #tpu.memory_space<semaphore_mem>>
      tpu.enqueue_dma source(%arg5 : memref<64xi32, #tpu.memory_space<hbm>>) target(%arg13 : memref<64xi32, #tpu.memory_space<vmem>>) target_semaphore(%run_scoped3A : memref<!tpu.dma_semaphore, #tpu.memory_space<semaphore_mem>>)
      tpu.wait_dma2 semaphore(%run_scoped3A : memref<!tpu.dma_semaphore, #tpu.memory_space<semaphore_mem>>) src(%arg5 : memref<64xi32, #tpu.memory_space<hbm>>) dst(%arg13 : memref<64xi32, #tpu.memory_space<vmem>>)
      tpu.yield
    }) : () -> ()
    %get3A = arith.constant 0 : index
    %get3A_3 = tpu.vector_load %arg12[%get3A] {strides = array<i32>} : memref<144xf32, #tpu.memory_space<vmem>>, vector<16xf32>,
    %get3A_4 = arith.constant 16 : index
    %get3A_5 = tpu.vector_load %arg12[%get3A_4] {strides = array<i32>} : memref<144xf32, #tpu.memory_space<vmem>>, vector<16xf32>,
    %get3A_6 = arith.constant 32 : index
    %get3A_7 = tpu.vector_load %arg12[%get3A_6] {strides = array<i32>} : memref<144xf32, #tpu.memory_space<vmem>>, vector<16xf32>,
    %get3A_8 = arith.constant 48 : index
    %get3A_9 = tpu.vector_load %arg12[%get3A_8] {strides = array<i32>} : memref<144xf32, #tpu.memory_space<vmem>>, vector<16xf32>,
    %get3A_10 = arith.constant 64 : index
    %get3A_11 = tpu.vector_load %arg12[%get3A_10] {strides = array<i32>} : memref<144xf32, #tpu.memory_space<vmem>>, vector<16xf32>,
    %get3A_12 = arith.constant 80 : index
    %get3A_13 = tpu.vector_load %arg12[%get3A_12] {strides = array<i32>} : memref<144xf32, #tpu.memory_space<vmem>>, vector<16xf32>,
    %get3A_14 = arith.constant 96 : index
    %get3A_15 = tpu.vector_load %arg12[%get3A_14] {strides = array<i32>} : memref<144xf32, #tpu.memory_space<vmem>>, vector<16xf32>,
    %get3A_16 = arith.constant 112 : index
    %get3A_17 = tpu.vector_load %arg12[%get3A_16] {strides = array<i32>} : memref<144xf32, #tpu.memory_space<vmem>>, vector<16xf32>,
    %get3A_18 = arith.constant 128 : index
    %get3A_19 = tpu.vector_load %arg12[%get3A_18] {strides = array<i32>} : memref<144xf32, #tpu.memory_space<vmem>>, vector<16xf32>,
    %get3A_20 = arith.index_cast %add3A : i32 to index
    %get3A_21 = tpu.vector_load %arg13[%get3A_20] {strides = array<i32>} : memref<64xi32, #tpu.memory_space<vmem>>, vector<16xi32>,
    %slice3A = vector.extract_strided_slice %get3A_21 {offsets = [0], sizes = [1], strides = [1]} : vector<16xi32> to vector<1xi32>
    %squeeze3A = vector.extract %slice3A[0] : i32 from vector<1xi32>
    %add3A_22 = arith.constant 1 : i32
    %add3A_23 = arith.addi %add3A, %add3A_22 : i32
    %get3A_24 = arith.index_cast %add3A_23 : i32 to index
    %get3A_25 = tpu.vector_load %arg13[%get3A_24] {strides = array<i32>} : memref<64xi32, #tpu.memory_space<vmem>>, vector<16xi32>,
    %slice3A_26 = vector.extract_strided_slice %get3A_25 {offsets = [0], sizes = [1], strides = [1]} : vector<16xi32> to vector<1xi32>
    %squeeze3A_27 = vector.extract %slice3A_26[0] : i32 from vector<1xi32>
    %iota3A = tpu.iota {dimensions = array<i32: 0>} : vector<16xi32>
    %lt3A = arith.constant 8 : i32
    %lt3A_28 = vector.broadcast %lt3A : i32 to vector<16xi32>
    %lt3A_29 = arith.cmpi slt, %iota3A, %lt3A_28 : vector<16xi32>
    %broadcast_in_dim3A = arith.constant 0.000000e+00 : f32
    %broadcast_in_dim3A_30 = vector.broadcast %broadcast_in_dim3A : f32 to vector<16xf32>
    %scan3A = arith.constant 0 : i32
    %scan3A_31 = arith.constant 0 : i32
    %scan3A_32 = arith.constant 128 : i32
    %scan3A_33 = arith.addi %scan3A_31, %scan3A_32 : i32
    %scan3A_34 = arith.constant 1 : i32
    scf.for %scan3A_120 = %scan3A_31 to %scan3A_33 step %scan3A_34  : i32 {
      %swap3A = arith.index_cast %scan3A_120 : i32 to index
      %swap3A_121 = arith.constant 0 : index
      %swap3A_122 = tpu.vector_load %arg11[%swap3A, %swap3A_121] {strides = array<i32>} : memref<128x128xf32, #tpu.memory_space<vmem>>, vector<16xf32>,
      tpu.vector_store %arg11[%swap3A, %swap3A_121], %broadcast_in_dim3A_30 {strides = array<i32>} : memref<128x128xf32, #tpu.memory_space<vmem>>, vector<16xf32>,
      %swap3A_123 = arith.index_cast %scan3A_120 : i32 to index
      %swap3A_124 = arith.constant 16 : index
      %swap3A_125 = tpu.vector_load %arg11[%swap3A_123, %swap3A_124] {strides = array<i32>} : memref<128x128xf32, #tpu.memory_space<vmem>>, vector<16xf32>,
      tpu.vector_store %arg11[%swap3A_123, %swap3A_124], %broadcast_in_dim3A_30 {strides = array<i32>} : memref<128x128xf32, #tpu.memory_space<vmem>>, vector<16xf32>,
      %swap3A_126 = arith.index_cast %scan3A_120 : i32 to index
      %swap3A_127 = arith.constant 32 : index
      %swap3A_128 = tpu.vector_load %arg11[%swap3A_126, %swap3A_127] {strides = array<i32>} : memref<128x128xf32, #tpu.memory_space<vmem>>, vector<16xf32>,
      tpu.vector_store %arg11[%swap3A_126, %swap3A_127], %broadcast_in_dim3A_30 {strides = array<i32>} : memref<128x128xf32, #tpu.memory_space<vmem>>, vector<16xf32>,
      %swap3A_129 = arith.index_cast %scan3A_120 : i32 to index
      %swap3A_130 = arith.constant 48 : index
      %swap3A_131 = tpu.vector_load %arg11[%swap3A_129, %swap3A_130] {strides = array<i32>} : memref<128x128xf32, #tpu.memory_space<vmem>>, vector<16xf32>,
      tpu.vector_store %arg11[%swap3A_129, %swap3A_130], %broadcast_in_dim3A_30 {strides = array<i32>} : memref<128x128xf32, #tpu.memory_space<vmem>>, vector<16xf32>,
      %swap3A_132 = arith.index_cast %scan3A_120 : i32 to index
      %swap3A_133 = arith.constant 64 : index
      %swap3A_134 = tpu.vector_load %arg11[%swap3A_132, %swap3A_133] {strides = array<i32>} : memref<128x128xf32, #tpu.memory_space<vmem>>, vector<16xf32>,
      tpu.vector_store %arg11[%swap3A_132, %swap3A_133], %broadcast_in_dim3A_30 {strides = array<i32>} : memref<128x128xf32, #tpu.memory_space<vmem>>, vector<16xf32>,
      %swap3A_135 = arith.index_cast %scan3A_120 : i32 to index
      %swap3A_136 = arith.constant 80 : index
      %swap3A_137 = tpu.vector_load %arg11[%swap3A_135, %swap3A_136] {strides = array<i32>} : memref<128x128xf32, #tpu.memory_space<vmem>>, vector<16xf32>,
      tpu.vector_store %arg11[%swap3A_135, %swap3A_136], %broadcast_in_dim3A_30 {strides = array<i32>} : memref<128x128xf32, #tpu.memory_space<vmem>>, vector<16xf32>,
      %swap3A_138 = arith.index_cast %scan3A_120 : i32 to index
      %swap3A_139 = arith.constant 96 : index
      %swap3A_140 = tpu.vector_load %arg11[%swap3A_138, %swap3A_139] {strides = array<i32>} : memref<128x128xf32, #tpu.memory_space<vmem>>, vector<16xf32>,
      tpu.vector_store %arg11[%swap3A_138, %swap3A_139], %broadcast_in_dim3A_30 {strides = array<i32>} : memref<128x128xf32, #tpu.memory_space<vmem>>, vector<16xf32>,
      %swap3A_141 = arith.index_cast %scan3A_120 : i32 to index
      %swap3A_142 = arith.constant 112 : index
      %swap3A_143 = tpu.vector_load %arg11[%swap3A_141, %swap3A_142] {strides = array<i32>} : memref<128x128xf32, #tpu.memory_space<vmem>>, vector<16xf32>,
      tpu.vector_store %arg11[%swap3A_141, %swap3A_142], %broadcast_in_dim3A_30 {strides = array<i32>} : memref<128x128xf32, #tpu.memory_space<vmem>>, vector<16xf32>,
    }
    %scan3A_35 = arith.constant 128 : i32
    %jit3A = arith.constant 8 : i32
    %div3A = arith.divsi %squeeze3A, %jit3A : i32
    %sign3A = arith.constant 0 : i32
    %sign3A_36 = arith.cmpi sgt, %squeeze3A, %sign3A : i32
    %sign3A_37 = arith.extui %sign3A_36 : i1 to i32
    %sign3A_38 = arith.constant 0 : i32
    %sign3A_39 = arith.cmpi slt, %squeeze3A, %sign3A_38 : i32
    %sign3A_40 = arith.extui %sign3A_39 : i1 to i32
    %sign3A_41 = arith.subi %sign3A_37, %sign3A_40 : i32
    %sign3A_42 = arith.constant 0 : i32
    %sign3A_43 = arith.cmpi sgt, %jit3A, %sign3A_42 : i32
    %sign3A_44 = arith.extui %sign3A_43 : i1 to i32
    %sign3A_45 = arith.constant 0 : i32
    %sign3A_46 = arith.cmpi slt, %jit3A, %sign3A_45 : i32
    %sign3A_47 = arith.extui %sign3A_46 : i1 to i32
    %sign3A_48 = arith.subi %sign3A_44, %sign3A_47 : i32
    %ne3A = arith.cmpi ne, %sign3A_41, %sign3A_48 : i32
    %rem3A = arith.remsi %squeeze3A, %jit3A : i32
    %ne3A_49 = arith.constant 0 : i32
    %ne3A_50 = arith.cmpi ne, %rem3A, %ne3A_49 : i32
    %and3A = arith.andi %ne3A, %ne3A_50 : i1
    %sub3A = arith.constant 1 : i32
    %sub3A_51 = arith.subi %div3A, %sub3A : i32
    %select_n3A = arith.select %and3A, %sub3A_51, %div3A : i32
    %mul3A_52 = arith.constant 8 : i32
    %mul3A_53 = arith.muli %select_n3A, %mul3A_52 : i32
    %sub3A_54 = arith.subi %squeeze3A_27, %mul3A_53 : i32
    %add3A_55 = arith.constant 416 : i32
    %add3A_56 = arith.addi %sub3A_54, %add3A_55 : i32
    %sub3A_57 = arith.constant 1 : i32
    %sub3A_58 = arith.subi %add3A_56, %sub3A_57 : i32
    %jit3A_59 = arith.constant 416 : i32
    %div3A_60 = arith.divsi %sub3A_58, %jit3A_59 : i32
    %sign3A_61 = arith.constant 0 : i32
    %sign3A_62 = arith.cmpi sgt, %sub3A_58, %sign3A_61 : i32
    %sign3A_63 = arith.extui %sign3A_62 : i1 to i32
    %sign3A_64 = arith.constant 0 : i32
    %sign3A_65 = arith.cmpi slt, %sub3A_58, %sign3A_64 : i32
    %sign3A_66 = arith.extui %sign3A_65 : i1 to i32
    %sign3A_67 = arith.subi %sign3A_63, %sign3A_66 : i32
    %sign3A_68 = arith.constant 0 : i32
    %sign3A_69 = arith.cmpi sgt, %jit3A_59, %sign3A_68 : i32
    %sign3A_70 = arith.extui %sign3A_69 : i1 to i32
    %sign3A_71 = arith.constant 0 : i32
    %sign3A_72 = arith.cmpi slt, %jit3A_59, %sign3A_71 : i32
    %sign3A_73 = arith.extui %sign3A_72 : i1 to i32
    %sign3A_74 = arith.subi %sign3A_70, %sign3A_73 : i32
    %ne3A_75 = arith.cmpi ne, %sign3A_67, %sign3A_74 : i32
    %rem3A_76 = arith.remsi %sub3A_58, %jit3A_59 : i32
    %ne3A_77 = arith.constant 0 : i32
    %ne3A_78 = arith.cmpi ne, %rem3A_76, %ne3A_77 : i32
    %and3A_79 = arith.andi %ne3A_75, %ne3A_78 : i1
    %sub3A_80 = arith.constant 1 : i32
    %sub3A_81 = arith.subi %div3A_60, %sub3A_80 : i32
    %select_n3A_82 = arith.select %and3A_79, %sub3A_81, %div3A_60 : i32
    %gt3A = arith.constant 0 : i32
    %gt3A_83 = arith.cmpi sgt, %select_n3A_82, %gt3A : i32
    %convert_element_type3A = arith.extui %gt3A_83 : i1 to i32
    %cond3A = arith.constant 0 : i32
    %cond3A_84 = arith.cmpi ne, %convert_element_type3A, %cond3A : i32
    scf.if %cond3A_84 {
      %add3A_120 = arith.constant 0 : i32
      %add3A_121 = arith.addi %mul3A_53, %add3A_120 : i32
      %min3A = arith.constant 99584 : i32
      %min3A_122 = arith.minsi %add3A_121, %min3A : i32
      %dma_start3A = arith.constant 0 : i32
      %dma_start3A_123 = tpu.memref_slice %arg2[%min3A_122, %dma_start3A] : memref<100000x128xf32, #tpu.memory_space<hbm>> -> memref<416x128xf32, #tpu.memory_space<hbm>>
      %dma_start3A_124 = arith.constant 0 : i32
      %dma_start3A_125 = tpu.memref_slice %arg2[%min3A_122, %dma_start3A_124] : memref<100000x128xf32, #tpu.memory_space<hbm>> -> memref<416x128xf32, #tpu.memory_space<hbm>>
      tpu.enqueue_dma source(%dma_start3A_125 : memref<416x128xf32, #tpu.memory_space<hbm>>) target(%arg7 : memref<416x128xf32, #tpu.memory_space<vmem>>) target_semaphore(%arg14 : memref<!tpu.dma_semaphore, #tpu.memory_space<semaphore_mem>>)
      %dma_start3A_126 = arith.constant 0 : i32
      %dma_start3A_127 = tpu.memref_slice %arg9[%dma_start3A_126] : memref<432xi32, #tpu.memory_space<vmem>> -> memref<416xi32, #tpu.memory_space<vmem>>
      %dma_start3A_128 = tpu.memref_slice %arg3[%min3A_122] : memref<100000xi32, #tpu.memory_space<hbm>> -> memref<416xi32, #tpu.memory_space<hbm>>
      %dma_start3A_129 = arith.constant 0 : i32
      %dma_start3A_130 = tpu.memref_slice %arg9[%dma_start3A_129] : memref<432xi32, #tpu.memory_space<vmem>> -> memref<416xi32, #tpu.memory_space<vmem>>
      %dma_start3A_131 = tpu.memref_slice %arg3[%min3A_122] : memref<100000xi32, #tpu.memory_space<hbm>> -> memref<416xi32, #tpu.memory_space<hbm>>
      tpu.enqueue_dma source(%dma_start3A_131 : memref<416xi32, #tpu.memory_space<hbm>>) target(%dma_start3A_130 : memref<416xi32, #tpu.memory_space<vmem>>) target_semaphore(%arg16 : memref<!tpu.dma_semaphore, #tpu.memory_space<semaphore_mem>>)
    } else {
    }
    %add3A_85 = arith.constant 1 : i32
    %add3A_86 = arith.addi %select_n3A_82, %add3A_85 : i32
    %jit3A_87 = arith.constant 2 : i32
    %div3A_88 = arith.divsi %add3A_86, %jit3A_87 : i32
    %sign3A_89 = arith.constant 0 : i32
    %sign3A_90 = arith.cmpi sgt, %add3A_86, %sign3A_89 : i32
    %sign3A_91 = arith.extui %sign3A_90 : i1 to i32
    %sign3A_92 = arith.constant 0 : i32
    %sign3A_93 = arith.cmpi slt, %add3A_86, %sign3A_92 : i32
    %sign3A_94 = arith.extui %sign3A_93 : i1 to i32
    %sign3A_95 = arith.subi %sign3A_91, %sign3A_94 : i32
    %sign3A_96 = arith.constant 0 : i32
    %sign3A_97 = arith.cmpi sgt, %jit3A_87, %sign3A_96 : i32
    %sign3A_98 = arith.extui %sign3A_97 : i1 to i32
    %sign3A_99 = arith.constant 0 : i32
    %sign3A_100 = arith.cmpi slt, %jit3A_87, %sign3A_99 : i32
    %sign3A_101 = arith.extui %sign3A_100 : i1 to i32
    %sign3A_102 = arith.subi %sign3A_98, %sign3A_101 : i32
    %ne3A_103 = arith.cmpi ne, %sign3A_95, %sign3A_102 : i32
    %rem3A_104 = arith.remsi %add3A_86, %jit3A_87 : i32
    %ne3A_105 = arith.constant 0 : i32
    %ne3A_106 = arith.cmpi ne, %rem3A_104, %ne3A_105 : i32
    %and3A_107 = arith.andi %ne3A_103, %ne3A_106 : i1
    %sub3A_108 = arith.constant 1 : i32
    %sub3A_109 = arith.subi %div3A_88, %sub3A_108 : i32
    %select_n3A_110 = arith.select %and3A_107, %sub3A_109, %div3A_88 : i32
    %while3A = arith.constant 0 : i32
    %while3A_111 = arith.constant 0 : i32
    %while3A_112 = arith.subi %select_n3A_110, %while3A_111 : i32
    %while3A_113 = arith.addi %while3A_111, %while3A_112 : i32
    %while3A_114 = arith.constant 1 : i32
    %while3A_115 = arith.divsi %while3A_112, %while3A_114 : i32
    %while3A_116 = arith.muli %while3A_115, %while3A_114 : i32
    %while3A_117 = arith.addi %while3A_111, %while3A_116 : i32
    %while3A_118 = arith.constant 1 : i32
    scf.for %while3A_120 = %while3A_111 to %while3A_117 step %while3A_118  : i32 {
      %mul3A_121 = arith.constant 2 : i32
      %mul3A_122 = arith.muli %mul3A_121, %while3A_120 : i32
      %add3A_123 = arith.constant 1 : i32
      %add3A_124 = arith.addi %mul3A_122, %add3A_123 : i32
      %lt3A_125 = arith.cmpi slt, %mul3A_122, %select_n3A_82 : i32
      %convert_element_type3A_126 = arith.extui %lt3A_125 : i1 to i32
      %cond3A_127 = arith.constant 0 : i32
      %cond3A_128 = arith.cmpi ne, %convert_element_type3A_126, %cond3A_127 : i32
      scf.if %cond3A_128 {
        %mul3A_133 = arith.constant 416 : i32
        %mul3A_134 = arith.muli %mul3A_122, %mul3A_133 : i32
        %add3A_135 = arith.addi %mul3A_53, %mul3A_134 : i32
        %min3A = arith.constant 99584 : i32
        %min3A_136 = arith.minsi %add3A_135, %min3A : i32
        %dma_wait3A = arith.constant 0 : i32
        %dma_wait3A_137 = tpu.memref_slice %arg2[%min3A_136, %dma_wait3A] : memref<100000x128xf32, #tpu.memory_space<hbm>> -> memref<416x128xf32, #tpu.memory_space<hbm>>
        %dma_wait3A_138 = arith.constant 0 : i32
        %dma_wait3A_139 = tpu.memref_slice %arg2[%min3A_136, %dma_wait3A_138] : memref<100000x128xf32, #tpu.memory_space<hbm>> -> memref<416x128xf32, #tpu.memory_space<hbm>>
        tpu.wait_dma2 semaphore(%arg14 : memref<!tpu.dma_semaphore, #tpu.memory_space<semaphore_mem>>) src(%dma_wait3A_139 : memref<416x128xf32, #tpu.memory_space<hbm>>) dst(%arg7 : memref<416x128xf32, #tpu.memory_space<vmem>>)
        %dma_wait3A_140 = arith.constant 0 : i32
        %dma_wait3A_141 = tpu.memref_slice %arg9[%dma_wait3A_140] : memref<432xi32, #tpu.memory_space<vmem>> -> memref<416xi32, #tpu.memory_space<vmem>>
        %dma_wait3A_142 = tpu.memref_slice %arg3[%min3A_136] : memref<100000xi32, #tpu.memory_space<hbm>> -> memref<416xi32, #tpu.memory_space<hbm>>
        %dma_wait3A_143 = arith.constant 0 : i32
        %dma_wait3A_144 = tpu.memref_slice %arg9[%dma_wait3A_143] : memref<432xi32, #tpu.memory_space<vmem>> -> memref<416xi32, #tpu.memory_space<vmem>>
        %dma_wait3A_145 = tpu.memref_slice %arg3[%min3A_136] : memref<100000xi32, #tpu.memory_space<hbm>> -> memref<416xi32, #tpu.memory_space<hbm>>
        tpu.wait_dma2 semaphore(%arg16 : memref<!tpu.dma_semaphore, #tpu.memory_space<semaphore_mem>>) src(%dma_wait3A_145 : memref<416xi32, #tpu.memory_space<hbm>>) dst(%dma_wait3A_144 : memref<416xi32, #tpu.memory_space<vmem>>)
        %lt3A_146 = arith.cmpi slt, %add3A_124, %select_n3A_82 : i32
        %convert_element_type3A_147 = arith.extui %lt3A_146 : i1 to i32
        %cond3A_148 = arith.constant 0 : i32
        %cond3A_149 = arith.cmpi ne, %convert_element_type3A_147, %cond3A_148 : i32
        scf.if %cond3A_149 {
          %mul3A_203 = arith.constant 416 : i32
          %mul3A_204 = arith.muli %add3A_124, %mul3A_203 : i32
          %add3A_205 = arith.addi %mul3A_53, %mul3A_204 : i32
          %min3A_206 = arith.constant 99584 : i32
          %min3A_207 = arith.minsi %add3A_205, %min3A_206 : i32
          %dma_start3A = arith.constant 0 : i32
          %dma_start3A_208 = tpu.memref_slice %arg2[%min3A_207, %dma_start3A] : memref<100000x128xf32, #tpu.memory_space<hbm>> -> memref<416x128xf32, #tpu.memory_space<hbm>>
          %dma_start3A_209 = arith.constant 0 : i32
          %dma_start3A_210 = tpu.memref_slice %arg2[%min3A_207, %dma_start3A_209] : memref<100000x128xf32, #tpu.memory_space<hbm>> -> memref<416x128xf32, #tpu.memory_space<hbm>>
          tpu.enqueue_dma source(%dma_start3A_210 : memref<416x128xf32, #tpu.memory_space<hbm>>) target(%arg8 : memref<416x128xf32, #tpu.memory_space<vmem>>) target_semaphore(%arg15 : memref<!tpu.dma_semaphore, #tpu.memory_space<semaphore_mem>>)
          %dma_start3A_211 = arith.constant 0 : i32
          %dma_start3A_212 = tpu.memref_slice %arg10[%dma_start3A_211] : memref<432xi32, #tpu.memory_space<vmem>> -> memref<416xi32, #tpu.memory_space<vmem>>
          %dma_start3A_213 = tpu.memref_slice %arg3[%min3A_207] : memref<100000xi32, #tpu.memory_space<hbm>> -> memref<416xi32, #tpu.memory_space<hbm>>
          %dma_start3A_214 = arith.constant 0 : i32
          %dma_start3A_215 = tpu.memref_slice %arg10[%dma_start3A_214] : memref<432xi32, #tpu.memory_space<vmem>> -> memref<416xi32, #tpu.memory_space<vmem>>
          %dma_start3A_216 = tpu.memref_slice %arg3[%min3A_207] : memref<100000xi32, #tpu.memory_space<hbm>> -> memref<416xi32, #tpu.memory_space<hbm>>
          tpu.enqueue_dma source(%dma_start3A_216 : memref<416xi32, #tpu.memory_space<hbm>>) target(%dma_start3A_215 : memref<416xi32, #tpu.memory_space<vmem>>) target_semaphore(%arg17 : memref<!tpu.dma_semaphore, #tpu.memory_space<semaphore_mem>>)
        } else {
        }
        %mul3A_150 = arith.constant 416 : i32
        %mul3A_151 = arith.muli %mul3A_122, %mul3A_150 : i32
        %add3A_152 = arith.addi %mul3A_53, %mul3A_151 : i32
        %mul3A_153 = arith.constant 416 : i32
        %mul3A_154 = arith.muli %mul3A_122, %mul3A_153 : i32
        %add3A_155 = arith.addi %mul3A_53, %mul3A_154 : i32
        %min3A_156 = arith.constant 99584 : i32
        %min3A_157 = arith.minsi %add3A_155, %min3A_156 : i32
        %max3A = arith.maxsi %squeeze3A, %add3A_152 : i32
        %add3A_158 = arith.constant 416 : i32
        %add3A_159 = arith.addi %add3A_152, %add3A_158 : i32
        %min3A_160 = arith.minsi %squeeze3A_27, %add3A_159 : i32
        %sub3A_161 = arith.subi %min3A_160, %max3A : i32
        %jit3A_162 = arith.constant 2 : i32
        %div3A_163 = arith.divsi %sub3A_161, %jit3A_162 : i32
        %sign3A_164 = arith.constant 0 : i32
        %sign3A_165 = arith.cmpi sgt, %sub3A_161, %sign3A_164 : i32
        %sign3A_166 = arith.extui %sign3A_165 : i1 to i32
        %sign3A_167 = arith.constant 0 : i32
        %sign3A_168 = arith.cmpi slt, %sub3A_161, %sign3A_167 : i32
        %sign3A_169 = arith.extui %sign3A_168 : i1 to i32
        %sign3A_170 = arith.subi %sign3A_166, %sign3A_169 : i32
        %sign3A_171 = arith.constant 0 : i32
        %sign3A_172 = arith.cmpi sgt, %jit3A_162, %sign3A_171 : i32
        %sign3A_173 = arith.extui %sign3A_172 : i1 to i32
        %sign3A_174 = arith.constant 0 : i32
        %sign3A_175 = arith.cmpi slt, %jit3A_162, %sign3A_174 : i32
        %sign3A_176 = arith.extui %sign3A_175 : i1 to i32
        %sign3A_177 = arith.subi %sign3A_173, %sign3A_176 : i32
        %ne3A_178 = arith.cmpi ne, %sign3A_170, %sign3A_177 : i32
        %rem3A_179 = arith.remsi %sub3A_161, %jit3A_162 : i32
        %ne3A_180 = arith.constant 0 : i32
        %ne3A_181 = arith.cmpi ne, %rem3A_179, %ne3A_180 : i32
        %and3A_182 = arith.andi %ne3A_178, %ne3A_181 : i1
        %sub3A_183 = arith.constant 1 : i32
        %sub3A_184 = arith.subi %div3A_163, %sub3A_183 : i32
        %select_n3A_185 = arith.select %and3A_182, %sub3A_184, %div3A_163 : i32
        %while3A_186 = arith.constant 0 : i32
        %while3A_187 = arith.constant 0 : i32
        %while3A_188 = arith.subi %select_n3A_185, %while3A_187 : i32
        %while3A_189 = arith.addi %while3A_187, %while3A_188 : i32
        %while3A_190 = arith.constant 1 : i32
        %while3A_191 = arith.divsi %while3A_188, %while3A_190 : i32
        %while3A_192 = arith.muli %while3A_191, %while3A_190 : i32
        %while3A_193 = arith.addi %while3A_187, %while3A_192 : i32
        %while3A_194 = arith.constant 1 : i32
        scf.for %while3A_203 = %while3A_187 to %while3A_193 step %while3A_194  : i32 {
          %mul3A_204 = arith.constant 2 : i32
          %mul3A_205 = arith.muli %mul3A_204, %while3A_203 : i32
          %add3A_206 = arith.addi %max3A, %mul3A_205 : i32
          %sub3A_207 = arith.subi %add3A_206, %min3A_157 : i32
          %add3A_208 = arith.constant 1 : i32
          %add3A_209 = arith.addi %sub3A_207, %add3A_208 : i32
          %get3A_210 = arith.index_cast %sub3A_207 : i32 to index
          %get3A_211 = tpu.vector_load %arg9[%get3A_210] {strides = array<i32>} : memref<432xi32, #tpu.memory_space<vmem>>, vector<16xi32>,
          %get3A_212 = arith.index_cast %sub3A_207 : i32 to index
          %get3A_213 = arith.constant 0 : index
          %get3A_214 = tpu.vector_load %arg7[%get3A_212, %get3A_213] {strides = array<i32>} : memref<416x128xf32, #tpu.memory_space<vmem>>, vector<16xf32>,
          %get3A_215 = arith.index_cast %sub3A_207 : i32 to index
          %get3A_216 = arith.constant 16 : index
          %get3A_217 = tpu.vector_load %arg7[%get3A_215, %get3A_216] {strides = array<i32>} : memref<416x128xf32, #tpu.memory_space<vmem>>, vector<16xf32>,
          %get3A_218 = arith.index_cast %sub3A_207 : i32 to index
          %get3A_219 = arith.constant 32 : index
          %get3A_220 = tpu.vector_load %arg7[%get3A_218, %get3A_219] {strides = array<i32>} : memref<416x128xf32, #tpu.memory_space<vmem>>, vector<16xf32>,
          %get3A_221 = arith.index_cast %sub3A_207 : i32 to index
          %get3A_222 = arith.constant 48 : index
          %get3A_223 = tpu.vector_load %arg7[%get3A_221, %get3A_222] {strides = array<i32>} : memref<416x128xf32, #tpu.memory_space<vmem>>, vector<16xf32>,
          %get3A_224 = arith.index_cast %sub3A_207 : i32 to index
          %get3A_225 = arith.constant 64 : index
          %get3A_226 = tpu.vector_load %arg7[%get3A_224, %get3A_225] {strides = array<i32>} : memref<416x128xf32, #tpu.memory_space<vmem>>, vector<16xf32>,
          %get3A_227 = arith.index_cast %sub3A_207 : i32 to index
          %get3A_228 = arith.constant 80 : index
          %get3A_229 = tpu.vector_load %arg7[%get3A_227, %get3A_228] {strides = array<i32>} : memref<416x128xf32, #tpu.memory_space<vmem>>, vector<16xf32>,
          %get3A_230 = arith.index_cast %sub3A_207 : i32 to index
          %get3A_231 = arith.constant 96 : index
          %get3A_232 = tpu.vector_load %arg7[%get3A_230, %get3A_231] {strides = array<i32>} : memref<416x128xf32, #tpu.memory_space<vmem>>, vector<16xf32>,
          %get3A_233 = arith.index_cast %sub3A_207 : i32 to index
          %get3A_234 = arith.constant 112 : index
          %get3A_235 = tpu.vector_load %arg7[%get3A_233, %get3A_234] {strides = array<i32>} : memref<416x128xf32, #tpu.memory_space<vmem>>, vector<16xf32>,
          %get3A_236 = arith.index_cast %add3A_209 : i32 to index
          %get3A_237 = arith.constant 0 : index
          %get3A_238 = tpu.vector_load %arg7[%get3A_236, %get3A_237] {strides = array<i32>} : memref<416x128xf32, #tpu.memory_space<vmem>>, vector<16xf32>,
          %get3A_239 = arith.index_cast %add3A_209 : i32 to index
          %get3A_240 = arith.constant 16 : index
          %get3A_241 = tpu.vector_load %arg7[%get3A_239, %get3A_240] {strides = array<i32>} : memref<416x128xf32, #tpu.memory_space<vmem>>, vector<16xf32>,
          %get3A_242 = arith.index_cast %add3A_209 : i32 to index
          %get3A_243 = arith.constant 32 : index
          %get3A_244 = tpu.vector_load %arg7[%get3A_242, %get3A_243] {strides = array<i32>} : memref<416x128xf32, #tpu.memory_space<vmem>>, vector<16xf32>,
          %get3A_245 = arith.index_cast %add3A_209 : i32 to index
          %get3A_246 = arith.constant 48 : index
          %get3A_247 = tpu.vector_load %arg7[%get3A_245, %get3A_246] {strides = array<i32>} : memref<416x128xf32, #tpu.memory_space<vmem>>, vector<16xf32>,
          %get3A_248 = arith.index_cast %add3A_209 : i32 to index
          %get3A_249 = arith.constant 64 : index
          %get3A_250 = tpu.vector_load %arg7[%get3A_248, %get3A_249] {strides = array<i32>} : memref<416x128xf32, #tpu.memory_space<vmem>>, vector<16xf32>,
          %get3A_251 = arith.index_cast %add3A_209 : i32 to index
          %get3A_252 = arith.constant 80 : index
          %get3A_253 = tpu.vector_load %arg7[%get3A_251, %get3A_252] {strides = array<i32>} : memref<416x128xf32, #tpu.memory_space<vmem>>, vector<16xf32>,
          %get3A_254 = arith.index_cast %add3A_209 : i32 to index
          %get3A_255 = arith.constant 96 : index
          %get3A_256 = tpu.vector_load %arg7[%get3A_254, %get3A_255] {strides = array<i32>} : memref<416x128xf32, #tpu.memory_space<vmem>>, vector<16xf32>,
          %get3A_257 = arith.index_cast %add3A_209 : i32 to index
          %get3A_258 = arith.constant 112 : index
          %get3A_259 = tpu.vector_load %arg7[%get3A_257, %get3A_258] {strides = array<i32>} : memref<416x128xf32, #tpu.memory_space<vmem>>, vector<16xf32>,
          %mul3A_260 = arith.mulf %get3A_214, %get3A_3 : vector<16xf32>
          %mul3A_261 = arith.mulf %get3A_217, %get3A_5 : vector<16xf32>
          %add3A_262 = arith.addf %mul3A_260, %mul3A_261 : vector<16xf32>
          %mul3A_263 = arith.mulf %get3A_220, %get3A_7 : vector<16xf32>
          %add3A_264 = arith.addf %add3A_262, %mul3A_263 : vector<16xf32>
          %mul3A_265 = arith.mulf %get3A_223, %get3A_9 : vector<16xf32>
          %add3A_266 = arith.addf %add3A_264, %mul3A_265 : vector<16xf32>
          %mul3A_267 = arith.mulf %get3A_226, %get3A_11 : vector<16xf32>
          %add3A_268 = arith.addf %add3A_266, %mul3A_267 : vector<16xf32>
          %mul3A_269 = arith.mulf %get3A_229, %get3A_13 : vector<16xf32>
          %add3A_270 = arith.addf %add3A_268, %mul3A_269 : vector<16xf32>
          %mul3A_271 = arith.mulf %get3A_232, %get3A_15 : vector<16xf32>
          %add3A_272 = arith.addf %add3A_270, %mul3A_271 : vector<16xf32>
          %mul3A_273 = arith.mulf %get3A_235, %get3A_17 : vector<16xf32>
          %add3A_274 = arith.addf %add3A_272, %mul3A_273 : vector<16xf32>
          %rev3A = arith.constant 15 : i32
          %rev3A_275 = vector.broadcast %rev3A : i32 to vector<16xi32>
          %rev3A_276 = tpu.iota {dimensions = array<i32: 0>} : vector<16xi32>
          %rev3A_277 = arith.subi %rev3A_275, %rev3A_276 : vector<16xi32>
          %rev3A_278 = tpu.dynamic_gather %add3A_274[%rev3A_277] in [0] : vector<16xf32>, vector<16xi32> -> vector<16xf32>
          %add3A_279 = arith.addf %add3A_274, %rev3A_278 : vector<16xf32>
          %mul3A_280 = arith.mulf %get3A_238, %get3A_3 : vector<16xf32>
          %mul3A_281 = arith.mulf %get3A_241, %get3A_5 : vector<16xf32>
          %add3A_282 = arith.addf %mul3A_280, %mul3A_281 : vector<16xf32>
          %mul3A_283 = arith.mulf %get3A_244, %get3A_7 : vector<16xf32>
          %add3A_284 = arith.addf %add3A_282, %mul3A_283 : vector<16xf32>
          %mul3A_285 = arith.mulf %get3A_247, %get3A_9 : vector<16xf32>
          %add3A_286 = arith.addf %add3A_284, %mul3A_285 : vector<16xf32>
          %mul3A_287 = arith.mulf %get3A_250, %get3A_11 : vector<16xf32>
          %add3A_288 = arith.addf %add3A_286, %mul3A_287 : vector<16xf32>
          %mul3A_289 = arith.mulf %get3A_253, %get3A_13 : vector<16xf32>
          %add3A_290 = arith.addf %add3A_288, %mul3A_289 : vector<16xf32>
          %mul3A_291 = arith.mulf %get3A_256, %get3A_15 : vector<16xf32>
          %add3A_292 = arith.addf %add3A_290, %mul3A_291 : vector<16xf32>
          %mul3A_293 = arith.mulf %get3A_259, %get3A_17 : vector<16xf32>
          %add3A_294 = arith.addf %add3A_292, %mul3A_293 : vector<16xf32>
          %rev3A_295 = arith.constant 15 : i32
          %rev3A_296 = vector.broadcast %rev3A_295 : i32 to vector<16xi32>
          %rev3A_297 = tpu.iota {dimensions = array<i32: 0>} : vector<16xi32>
          %rev3A_298 = arith.subi %rev3A_296, %rev3A_297 : vector<16xi32>
          %rev3A_299 = tpu.dynamic_gather %add3A_294[%rev3A_298] in [0] : vector<16xf32>, vector<16xi32> -> vector<16xf32>
          %add3A_300 = arith.addf %add3A_294, %rev3A_299 : vector<16xf32>
          %select_n3A_301 = arith.select %lt3A_29, %add3A_279, %add3A_300 : vector<16xi1>, vector<16xf32>
          %broadcast_in_dim3A_302 = arith.constant true
          %broadcast_in_dim3A_303 = vector.broadcast %broadcast_in_dim3A_302 : i1 to vector<16xi1>
          %masked_cumsum3A = tpu.scan <sum>, %select_n3A_301 masked %broadcast_in_dim3A_303 : vector<16xf32>, vector<16xi1> -> vector<16xf32>
          %slice3A_304 = vector.extract_strided_slice %masked_cumsum3A {offsets = [7], sizes = [1], strides = [1]} : vector<16xf32> to vector<1xf32>
          %squeeze3A_305 = vector.extract %slice3A_304[0] : f32 from vector<1xf32>
          %slice3A_306 = vector.extract_strided_slice %masked_cumsum3A {offsets = [15], sizes = [1], strides = [1]} : vector<16xf32> to vector<1xf32>
          %squeeze3A_307 = vector.extract %slice3A_306[0] : f32 from vector<1xf32>
          %broadcast_in_dim3A_308 = vector.broadcast %squeeze3A_305 : f32 to vector<16xf32>
          %add3A_309 = arith.addf %broadcast_in_dim3A_308, %get3A_19 : vector<16xf32>
          %neg3A = arith.constant 0.000000e+00 : f32
          %neg3A_310 = vector.broadcast %neg3A : f32 to vector<16xf32>
          %neg3A_311 = arith.subf %neg3A_310, %add3A_309 : vector<16xf32>
          %exp3A = math.exp %neg3A_311 : vector<16xf32>
          %add3A_312 = arith.constant 1.000000e+00 : f32
          %add3A_313 = vector.broadcast %add3A_312 : f32 to vector<16xf32>
          %add3A_314 = arith.addf %add3A_313, %exp3A : vector<16xf32>
          %div3A_315 = arith.constant 1.000000e+00 : f32
          %div3A_316 = vector.broadcast %div3A_315 : f32 to vector<16xf32>
          %div3A_317 = arith.divf %div3A_316, %add3A_314 : vector<16xf32>
          %sub3A_318 = arith.subf %squeeze3A_307, %squeeze3A_305 : f32
          %broadcast_in_dim3A_319 = vector.broadcast %sub3A_318 : f32 to vector<16xf32>
          %add3A_320 = arith.addf %broadcast_in_dim3A_319, %get3A_19 : vector<16xf32>
          %neg3A_321 = arith.constant 0.000000e+00 : f32
          %neg3A_322 = vector.broadcast %neg3A_321 : f32 to vector<16xf32>
          %neg3A_323 = arith.subf %neg3A_322, %add3A_320 : vector<16xf32>
          %exp3A_324 = math.exp %neg3A_323 : vector<16xf32>
          %add3A_325 = arith.constant 1.000000e+00 : f32
          %add3A_326 = vector.broadcast %add3A_325 : f32 to vector<16xf32>
          %add3A_327 = arith.addf %add3A_326, %exp3A_324 : vector<16xf32>
          %div3A_328 = arith.constant 1.000000e+00 : f32
          %div3A_329 = vector.broadcast %div3A_328 : f32 to vector<16xf32>
          %div3A_330 = arith.divf %div3A_329, %add3A_327 : vector<16xf32>
          %slice3A_331 = vector.extract_strided_slice %get3A_211 {offsets = [0], sizes = [1], strides = [1]} : vector<16xi32> to vector<1xi32>
          %squeeze3A_332 = vector.extract %slice3A_331[0] : i32 from vector<1xi32>
          %sub3A_333 = arith.subi %squeeze3A_332, %mul3A_2 : i32
          %mul3A_334 = arith.mulf %get3A_214, %div3A_317 : vector<16xf32>
          %swap3A = arith.index_cast %sub3A_333 : i32 to index
          %swap3A_335 = arith.constant 0 : index
          %swap3A_336 = tpu.vector_load %arg11[%swap3A, %swap3A_335] {strides = array<i32>} : memref<128x128xf32, #tpu.memory_space<vmem>>, vector<16xf32>,
          tpu.vector_store %arg11[%swap3A, %swap3A_335], %mul3A_334 {add = true, strides = array<i32>} : memref<128x128xf32, #tpu.memory_space<vmem>>, vector<16xf32>,
          %mul3A_337 = arith.mulf %get3A_217, %div3A_317 : vector<16xf32>
          %swap3A_338 = arith.index_cast %sub3A_333 : i32 to index
          %swap3A_339 = arith.constant 16 : index
          %swap3A_340 = tpu.vector_load %arg11[%swap3A_338, %swap3A_339] {strides = array<i32>} : memref<128x128xf32, #tpu.memory_space<vmem>>, vector<16xf32>,
          tpu.vector_store %arg11[%swap3A_338, %swap3A_339], %mul3A_337 {add = true, strides = array<i32>} : memref<128x128xf32, #tpu.memory_space<vmem>>, vector<16xf32>,
          %mul3A_341 = arith.mulf %get3A_220, %div3A_317 : vector<16xf32>
          %swap3A_342 = arith.index_cast %sub3A_333 : i32 to index
          %swap3A_343 = arith.constant 32 : index
          %swap3A_344 = tpu.vector_load %arg11[%swap3A_342, %swap3A_343] {strides = array<i32>} : memref<128x128xf32, #tpu.memory_space<vmem>>, vector<16xf32>,
          tpu.vector_store %arg11[%swap3A_342, %swap3A_343], %mul3A_341 {add = true, strides = array<i32>} : memref<128x128xf32, #tpu.memory_space<vmem>>, vector<16xf32>,
          %mul3A_345 = arith.mulf %get3A_223, %div3A_317 : vector<16xf32>
          %swap3A_346 = arith.index_cast %sub3A_333 : i32 to index
          %swap3A_347 = arith.constant 48 : index
          %swap3A_348 = tpu.vector_load %arg11[%swap3A_346, %swap3A_347] {strides = array<i32>} : memref<128x128xf32, #tpu.memory_space<vmem>>, vector<16xf32>,
          tpu.vector_store %arg11[%swap3A_346, %swap3A_347], %mul3A_345 {add = true, strides = array<i32>} : memref<128x128xf32, #tpu.memory_space<vmem>>, vector<16xf32>,
          %mul3A_349 = arith.mulf %get3A_226, %div3A_317 : vector<16xf32>
          %swap3A_350 = arith.index_cast %sub3A_333 : i32 to index
          %swap3A_351 = arith.constant 64 : index
          %swap3A_352 = tpu.vector_load %arg11[%swap3A_350, %swap3A_351] {strides = array<i32>} : memref<128x128xf32, #tpu.memory_space<vmem>>, vector<16xf32>,
          tpu.vector_store %arg11[%swap3A_350, %swap3A_351], %mul3A_349 {add = true, strides = array<i32>} : memref<128x128xf32, #tpu.memory_space<vmem>>, vector<16xf32>,
          %mul3A_353 = arith.mulf %get3A_229, %div3A_317 : vector<16xf32>
          %swap3A_354 = arith.index_cast %sub3A_333 : i32 to index
          %swap3A_355 = arith.constant 80 : index
          %swap3A_356 = tpu.vector_load %arg11[%swap3A_354, %swap3A_355] {strides = array<i32>} : memref<128x128xf32, #tpu.memory_space<vmem>>, vector<16xf32>,
          tpu.vector_store %arg11[%swap3A_354, %swap3A_355], %mul3A_353 {add = true, strides = array<i32>} : memref<128x128xf32, #tpu.memory_space<vmem>>, vector<16xf32>,
          %mul3A_357 = arith.mulf %get3A_232, %div3A_317 : vector<16xf32>
          %swap3A_358 = arith.index_cast %sub3A_333 : i32 to index
          %swap3A_359 = arith.constant 96 : index
          %swap3A_360 = tpu.vector_load %arg11[%swap3A_358, %swap3A_359] {strides = array<i32>} : memref<128x128xf32, #tpu.memory_space<vmem>>, vector<16xf32>,
          tpu.vector_store %arg11[%swap3A_358, %swap3A_359], %mul3A_357 {add = true, strides = array<i32>} : memref<128x128xf32, #tpu.memory_space<vmem>>, vector<16xf32>,
          %mul3A_361 = arith.mulf %get3A_235, %div3A_317 : vector<16xf32>
          %swap3A_362 = arith.index_cast %sub3A_333 : i32 to index
          %swap3A_363 = arith.constant 112 : index
          %swap3A_364 = tpu.vector_load %arg11[%swap3A_362, %swap3A_363] {strides = array<i32>} : memref<128x128xf32, #tpu.memory_space<vmem>>, vector<16xf32>,
          tpu.vector_store %arg11[%swap3A_362, %swap3A_363], %mul3A_361 {add = true, strides = array<i32>} : memref<128x128xf32, #tpu.memory_space<vmem>>, vector<16xf32>,
          %slice3A_365 = vector.extract_strided_slice %get3A_211 {offsets = [1], sizes = [1], strides = [1]} : vector<16xi32> to vector<1xi32>
          %squeeze3A_366 = vector.extract %slice3A_365[0] : i32 from vector<1xi32>
          %sub3A_367 = arith.subi %squeeze3A_366, %mul3A_2 : i32
          %mul3A_368 = arith.mulf %get3A_238, %div3A_330 : vector<16xf32>
          %swap3A_369 = arith.index_cast %sub3A_367 : i32 to index
          %swap3A_370 = arith.constant 0 : index
          %swap3A_371 = tpu.vector_load %arg11[%swap3A_369, %swap3A_370] {strides = array<i32>} : memref<128x128xf32, #tpu.memory_space<vmem>>, vector<16xf32>,
          tpu.vector_store %arg11[%swap3A_369, %swap3A_370], %mul3A_368 {add = true, strides = array<i32>} : memref<128x128xf32, #tpu.memory_space<vmem>>, vector<16xf32>,
          %mul3A_372 = arith.mulf %get3A_241, %div3A_330 : vector<16xf32>
          %swap3A_373 = arith.index_cast %sub3A_367 : i32 to index
          %swap3A_374 = arith.constant 16 : index
          %swap3A_375 = tpu.vector_load %arg11[%swap3A_373, %swap3A_374] {strides = array<i32>} : memref<128x128xf32, #tpu.memory_space<vmem>>, vector<16xf32>,
          tpu.vector_store %arg11[%swap3A_373, %swap3A_374], %mul3A_372 {add = true, strides = array<i32>} : memref<128x128xf32, #tpu.memory_space<vmem>>, vector<16xf32>,
          %mul3A_376 = arith.mulf %get3A_244, %div3A_330 : vector<16xf32>
          %swap3A_377 = arith.index_cast %sub3A_367 : i32 to index
          %swap3A_378 = arith.constant 32 : index
          %swap3A_379 = tpu.vector_load %arg11[%swap3A_377, %swap3A_378] {strides = array<i32>} : memref<128x128xf32, #tpu.memory_space<vmem>>, vector<16xf32>,
          tpu.vector_store %arg11[%swap3A_377, %swap3A_378], %mul3A_376 {add = true, strides = array<i32>} : memref<128x128xf32, #tpu.memory_space<vmem>>, vector<16xf32>,
          %mul3A_380 = arith.mulf %get3A_247, %div3A_330 : vector<16xf32>
          %swap3A_381 = arith.index_cast %sub3A_367 : i32 to index
          %swap3A_382 = arith.constant 48 : index
          %swap3A_383 = tpu.vector_load %arg11[%swap3A_381, %swap3A_382] {strides = array<i32>} : memref<128x128xf32, #tpu.memory_space<vmem>>, vector<16xf32>,
          tpu.vector_store %arg11[%swap3A_381, %swap3A_382], %mul3A_380 {add = true, strides = array<i32>} : memref<128x128xf32, #tpu.memory_space<vmem>>, vector<16xf32>,
          %mul3A_384 = arith.mulf %get3A_250, %div3A_330 : vector<16xf32>
          %swap3A_385 = arith.index_cast %sub3A_367 : i32 to index
          %swap3A_386 = arith.constant 64 : index
          %swap3A_387 = tpu.vector_load %arg11[%swap3A_385, %swap3A_386] {strides = array<i32>} : memref<128x128xf32, #tpu.memory_space<vmem>>, vector<16xf32>,
          tpu.vector_store %arg11[%swap3A_385, %swap3A_386], %mul3A_384 {add = true, strides = array<i32>} : memref<128x128xf32, #tpu.memory_space<vmem>>, vector<16xf32>,
          %mul3A_388 = arith.mulf %get3A_253, %div3A_330 : vector<16xf32>
          %swap3A_389 = arith.index_cast %sub3A_367 : i32 to index
          %swap3A_390 = arith.constant 80 : index
          %swap3A_391 = tpu.vector_load %arg11[%swap3A_389, %swap3A_390] {strides = array<i32>} : memref<128x128xf32, #tpu.memory_space<vmem>>, vector<16xf32>,
          tpu.vector_store %arg11[%swap3A_389, %swap3A_390], %mul3A_388 {add = true, strides = array<i32>} : memref<128x128xf32, #tpu.memory_space<vmem>>, vector<16xf32>,
          %mul3A_392 = arith.mulf %get3A_256, %div3A_330 : vector<16xf32>
          %swap3A_393 = arith.index_cast %sub3A_367 : i32 to index
          %swap3A_394 = arith.constant 96 : index
          %swap3A_395 = tpu.vector_load %arg11[%swap3A_393, %swap3A_394] {strides = array<i32>} : memref<128x128xf32, #tpu.memory_space<vmem>>, vector<16xf32>,
          tpu.vector_store %arg11[%swap3A_393, %swap3A_394], %mul3A_392 {add = true, strides = array<i32>} : memref<128x128xf32, #tpu.memory_space<vmem>>, vector<16xf32>,
          %mul3A_396 = arith.mulf %get3A_259, %div3A_330 : vector<16xf32>
          %swap3A_397 = arith.index_cast %sub3A_367 : i32 to index
          %swap3A_398 = arith.constant 112 : index
          %swap3A_399 = tpu.vector_load %arg11[%swap3A_397, %swap3A_398] {strides = array<i32>} : memref<128x128xf32, #tpu.memory_space<vmem>>, vector<16xf32>,
          tpu.vector_store %arg11[%swap3A_397, %swap3A_398], %mul3A_396 {add = true, strides = array<i32>} : memref<128x128xf32, #tpu.memory_space<vmem>>, vector<16xf32>,
        }
        %while3A_195 = arith.constant 1 : i32
        scf.for %while3A_203 = %while3A_193 to %while3A_189 step %while3A_195  : i32 {
          %mul3A_204 = arith.constant 2 : i32
          %mul3A_205 = arith.muli %mul3A_204, %while3A_203 : i32
          %add3A_206 = arith.addi %max3A, %mul3A_205 : i32
          %sub3A_207 = arith.subi %add3A_206, %min3A_157 : i32
          %add3A_208 = arith.constant 1 : i32
          %add3A_209 = arith.addi %sub3A_207, %add3A_208 : i32
          %get3A_210 = arith.index_cast %sub3A_207 : i32 to index
          %get3A_211 = tpu.vector_load %arg9[%get3A_210] {strides = array<i32>} : memref<432xi32, #tpu.memory_space<vmem>>, vector<16xi32>,
          %get3A_212 = arith.index_cast %sub3A_207 : i32 to index
          %get3A_213 = arith.constant 0 : index
          %get3A_214 = tpu.vector_load %arg7[%get3A_212, %get3A_213] {strides = array<i32>} : memref<416x128xf32, #tpu.memory_space<vmem>>, vector<16xf32>,
          %get3A_215 = arith.index_cast %sub3A_207 : i32 to index
          %get3A_216 = arith.constant 16 : index
          %get3A_217 = tpu.vector_load %arg7[%get3A_215, %get3A_216] {strides = array<i32>} : memref<416x128xf32, #tpu.memory_space<vmem>>, vector<16xf32>,
          %get3A_218 = arith.index_cast %sub3A_207 : i32 to index
          %get3A_219 = arith.constant 32 : index
          %get3A_220 = tpu.vector_load %arg7[%get3A_218, %get3A_219] {strides = array<i32>} : memref<416x128xf32, #tpu.memory_space<vmem>>, vector<16xf32>,
          %get3A_221 = arith.index_cast %sub3A_207 : i32 to index
          %get3A_222 = arith.constant 48 : index
          %get3A_223 = tpu.vector_load %arg7[%get3A_221, %get3A_222] {strides = array<i32>} : memref<416x128xf32, #tpu.memory_space<vmem>>, vector<16xf32>,
          %get3A_224 = arith.index_cast %sub3A_207 : i32 to index
          %get3A_225 = arith.constant 64 : index
          %get3A_226 = tpu.vector_load %arg7[%get3A_224, %get3A_225] {strides = array<i32>} : memref<416x128xf32, #tpu.memory_space<vmem>>, vector<16xf32>,
          %get3A_227 = arith.index_cast %sub3A_207 : i32 to index
          %get3A_228 = arith.constant 80 : index
          %get3A_229 = tpu.vector_load %arg7[%get3A_227, %get3A_228] {strides = array<i32>} : memref<416x128xf32, #tpu.memory_space<vmem>>, vector<16xf32>,
          %get3A_230 = arith.index_cast %sub3A_207 : i32 to index
          %get3A_231 = arith.constant 96 : index
          %get3A_232 = tpu.vector_load %arg7[%get3A_230, %get3A_231] {strides = array<i32>} : memref<416x128xf32, #tpu.memory_space<vmem>>, vector<16xf32>,
          %get3A_233 = arith.index_cast %sub3A_207 : i32 to index
          %get3A_234 = arith.constant 112 : index
          %get3A_235 = tpu.vector_load %arg7[%get3A_233, %get3A_234] {strides = array<i32>} : memref<416x128xf32, #tpu.memory_space<vmem>>, vector<16xf32>,
          %get3A_236 = arith.index_cast %add3A_209 : i32 to index
          %get3A_237 = arith.constant 0 : index
          %get3A_238 = tpu.vector_load %arg7[%get3A_236, %get3A_237] {strides = array<i32>} : memref<416x128xf32, #tpu.memory_space<vmem>>, vector<16xf32>,
          %get3A_239 = arith.index_cast %add3A_209 : i32 to index
          %get3A_240 = arith.constant 16 : index
          %get3A_241 = tpu.vector_load %arg7[%get3A_239, %get3A_240] {strides = array<i32>} : memref<416x128xf32, #tpu.memory_space<vmem>>, vector<16xf32>,
          %get3A_242 = arith.index_cast %add3A_209 : i32 to index
          %get3A_243 = arith.constant 32 : index
          %get3A_244 = tpu.vector_load %arg7[%get3A_242, %get3A_243] {strides = array<i32>} : memref<416x128xf32, #tpu.memory_space<vmem>>, vector<16xf32>,
          %get3A_245 = arith.index_cast %add3A_209 : i32 to index
          %get3A_246 = arith.constant 48 : index
          %get3A_247 = tpu.vector_load %arg7[%get3A_245, %get3A_246] {strides = array<i32>} : memref<416x128xf32, #tpu.memory_space<vmem>>, vector<16xf32>,
          %get3A_248 = arith.index_cast %add3A_209 : i32 to index
          %get3A_249 = arith.constant 64 : index
          %get3A_250 = tpu.vector_load %arg7[%get3A_248, %get3A_249] {strides = array<i32>} : memref<416x128xf32, #tpu.memory_space<vmem>>, vector<16xf32>,
          %get3A_251 = arith.index_cast %add3A_209 : i32 to index
          %get3A_252 = arith.constant 80 : index
          %get3A_253 = tpu.vector_load %arg7[%get3A_251, %get3A_252] {strides = array<i32>} : memref<416x128xf32, #tpu.memory_space<vmem>>, vector<16xf32>,
          %get3A_254 = arith.index_cast %add3A_209 : i32 to index
          %get3A_255 = arith.constant 96 : index
          %get3A_256 = tpu.vector_load %arg7[%get3A_254, %get3A_255] {strides = array<i32>} : memref<416x128xf32, #tpu.memory_space<vmem>>, vector<16xf32>,
          %get3A_257 = arith.index_cast %add3A_209 : i32 to index
          %get3A_258 = arith.constant 112 : index
          %get3A_259 = tpu.vector_load %arg7[%get3A_257, %get3A_258] {strides = array<i32>} : memref<416x128xf32, #tpu.memory_space<vmem>>, vector<16xf32>,
          %mul3A_260 = arith.mulf %get3A_214, %get3A_3 : vector<16xf32>
          %mul3A_261 = arith.mulf %get3A_217, %get3A_5 : vector<16xf32>
          %add3A_262 = arith.addf %mul3A_260, %mul3A_261 : vector<16xf32>
          %mul3A_263 = arith.mulf %get3A_220, %get3A_7 : vector<16xf32>
          %add3A_264 = arith.addf %add3A_262, %mul3A_263 : vector<16xf32>
          %mul3A_265 = arith.mulf %get3A_223, %get3A_9 : vector<16xf32>
          %add3A_266 = arith.addf %add3A_264, %mul3A_265 : vector<16xf32>
          %mul3A_267 = arith.mulf %get3A_226, %get3A_11 : vector<16xf32>
          %add3A_268 = arith.addf %add3A_266, %mul3A_267 : vector<16xf32>
          %mul3A_269 = arith.mulf %get3A_229, %get3A_13 : vector<16xf32>
          %add3A_270 = arith.addf %add3A_268, %mul3A_269 : vector<16xf32>
          %mul3A_271 = arith.mulf %get3A_232, %get3A_15 : vector<16xf32>
          %add3A_272 = arith.addf %add3A_270, %mul3A_271 : vector<16xf32>
          %mul3A_273 = arith.mulf %get3A_235, %get3A_17 : vector<16xf32>
          %add3A_274 = arith.addf %add3A_272, %mul3A_273 : vector<16xf32>
          %rev3A = arith.constant 15 : i32
          %rev3A_275 = vector.broadcast %rev3A : i32 to vector<16xi32>
          %rev3A_276 = tpu.iota {dimensions = array<i32: 0>} : vector<16xi32>
          %rev3A_277 = arith.subi %rev3A_275, %rev3A_276 : vector<16xi32>
          %rev3A_278 = tpu.dynamic_gather %add3A_274[%rev3A_277] in [0] : vector<16xf32>, vector<16xi32> -> vector<16xf32>
          %add3A_279 = arith.addf %add3A_274, %rev3A_278 : vector<16xf32>
          %mul3A_280 = arith.mulf %get3A_238, %get3A_3 : vector<16xf32>
          %mul3A_281 = arith.mulf %get3A_241, %get3A_5 : vector<16xf32>
          %add3A_282 = arith.addf %mul3A_280, %mul3A_281 : vector<16xf32>
          %mul3A_283 = arith.mulf %get3A_244, %get3A_7 : vector<16xf32>
          %add3A_284 = arith.addf %add3A_282, %mul3A_283 : vector<16xf32>
          %mul3A_285 = arith.mulf %get3A_247, %get3A_9 : vector<16xf32>
          %add3A_286 = arith.addf %add3A_284, %mul3A_285 : vector<16xf32>
          %mul3A_287 = arith.mulf %get3A_250, %get3A_11 : vector<16xf32>
          %add3A_288 = arith.addf %add3A_286, %mul3A_287 : vector<16xf32>
          %mul3A_289 = arith.mulf %get3A_253, %get3A_13 : vector<16xf32>
          %add3A_290 = arith.addf %add3A_288, %mul3A_289 : vector<16xf32>
          %mul3A_291 = arith.mulf %get3A_256, %get3A_15 : vector<16xf32>
          %add3A_292 = arith.addf %add3A_290, %mul3A_291 : vector<16xf32>
          %mul3A_293 = arith.mulf %get3A_259, %get3A_17 : vector<16xf32>
          %add3A_294 = arith.addf %add3A_292, %mul3A_293 : vector<16xf32>
          %rev3A_295 = arith.constant 15 : i32
          %rev3A_296 = vector.broadcast %rev3A_295 : i32 to vector<16xi32>
          %rev3A_297 = tpu.iota {dimensions = array<i32: 0>} : vector<16xi32>
          %rev3A_298 = arith.subi %rev3A_296, %rev3A_297 : vector<16xi32>
          %rev3A_299 = tpu.dynamic_gather %add3A_294[%rev3A_298] in [0] : vector<16xf32>, vector<16xi32> -> vector<16xf32>
          %add3A_300 = arith.addf %add3A_294, %rev3A_299 : vector<16xf32>
          %select_n3A_301 = arith.select %lt3A_29, %add3A_279, %add3A_300 : vector<16xi1>, vector<16xf32>
          %broadcast_in_dim3A_302 = arith.constant true
          %broadcast_in_dim3A_303 = vector.broadcast %broadcast_in_dim3A_302 : i1 to vector<16xi1>
          %masked_cumsum3A = tpu.scan <sum>, %select_n3A_301 masked %broadcast_in_dim3A_303 : vector<16xf32>, vector<16xi1> -> vector<16xf32>
          %slice3A_304 = vector.extract_strided_slice %masked_cumsum3A {offsets = [7], sizes = [1], strides = [1]} : vector<16xf32> to vector<1xf32>
          %squeeze3A_305 = vector.extract %slice3A_304[0] : f32 from vector<1xf32>
          %slice3A_306 = vector.extract_strided_slice %masked_cumsum3A {offsets = [15], sizes = [1], strides = [1]} : vector<16xf32> to vector<1xf32>
          %squeeze3A_307 = vector.extract %slice3A_306[0] : f32 from vector<1xf32>
          %broadcast_in_dim3A_308 = vector.broadcast %squeeze3A_305 : f32 to vector<16xf32>
          %add3A_309 = arith.addf %broadcast_in_dim3A_308, %get3A_19 : vector<16xf32>
          %neg3A = arith.constant 0.000000e+00 : f32
          %neg3A_310 = vector.broadcast %neg3A : f32 to vector<16xf32>
          %neg3A_311 = arith.subf %neg3A_310, %add3A_309 : vector<16xf32>
          %exp3A = math.exp %neg3A_311 : vector<16xf32>
          %add3A_312 = arith.constant 1.000000e+00 : f32
          %add3A_313 = vector.broadcast %add3A_312 : f32 to vector<16xf32>
          %add3A_314 = arith.addf %add3A_313, %exp3A : vector<16xf32>
          %div3A_315 = arith.constant 1.000000e+00 : f32
          %div3A_316 = vector.broadcast %div3A_315 : f32 to vector<16xf32>
          %div3A_317 = arith.divf %div3A_316, %add3A_314 : vector<16xf32>
          %sub3A_318 = arith.subf %squeeze3A_307, %squeeze3A_305 : f32
          %broadcast_in_dim3A_319 = vector.broadcast %sub3A_318 : f32 to vector<16xf32>
          %add3A_320 = arith.addf %broadcast_in_dim3A_319, %get3A_19 : vector<16xf32>
          %neg3A_321 = arith.constant 0.000000e+00 : f32
          %neg3A_322 = vector.broadcast %neg3A_321 : f32 to vector<16xf32>
          %neg3A_323 = arith.subf %neg3A_322, %add3A_320 : vector<16xf32>
          %exp3A_324 = math.exp %neg3A_323 : vector<16xf32>
          %add3A_325 = arith.constant 1.000000e+00 : f32
          %add3A_326 = vector.broadcast %add3A_325 : f32 to vector<16xf32>
          %add3A_327 = arith.addf %add3A_326, %exp3A_324 : vector<16xf32>
          %div3A_328 = arith.constant 1.000000e+00 : f32
          %div3A_329 = vector.broadcast %div3A_328 : f32 to vector<16xf32>
          %div3A_330 = arith.divf %div3A_329, %add3A_327 : vector<16xf32>
          %slice3A_331 = vector.extract_strided_slice %get3A_211 {offsets = [0], sizes = [1], strides = [1]} : vector<16xi32> to vector<1xi32>
          %squeeze3A_332 = vector.extract %slice3A_331[0] : i32 from vector<1xi32>
          %sub3A_333 = arith.subi %squeeze3A_332, %mul3A_2 : i32
          %mul3A_334 = arith.mulf %get3A_214, %div3A_317 : vector<16xf32>
          %swap3A = arith.index_cast %sub3A_333 : i32 to index
          %swap3A_335 = arith.constant 0 : index
          %swap3A_336 = tpu.vector_load %arg11[%swap3A, %swap3A_335] {strides = array<i32>} : memref<128x128xf32, #tpu.memory_space<vmem>>, vector<16xf32>,
          tpu.vector_store %arg11[%swap3A, %swap3A_335], %mul3A_334 {add = true, strides = array<i32>} : memref<128x128xf32, #tpu.memory_space<vmem>>, vector<16xf32>,
          %mul3A_337 = arith.mulf %get3A_217, %div3A_317 : vector<16xf32>
          %swap3A_338 = arith.index_cast %sub3A_333 : i32 to index
          %swap3A_339 = arith.constant 16 : index
          %swap3A_340 = tpu.vector_load %arg11[%swap3A_338, %swap3A_339] {strides = array<i32>} : memref<128x128xf32, #tpu.memory_space<vmem>>, vector<16xf32>,
          tpu.vector_store %arg11[%swap3A_338, %swap3A_339], %mul3A_337 {add = true, strides = array<i32>} : memref<128x128xf32, #tpu.memory_space<vmem>>, vector<16xf32>,
          %mul3A_341 = arith.mulf %get3A_220, %div3A_317 : vector<16xf32>
          %swap3A_342 = arith.index_cast %sub3A_333 : i32 to index
          %swap3A_343 = arith.constant 32 : index
          %swap3A_344 = tpu.vector_load %arg11[%swap3A_342, %swap3A_343] {strides = array<i32>} : memref<128x128xf32, #tpu.memory_space<vmem>>, vector<16xf32>,
          tpu.vector_store %arg11[%swap3A_342, %swap3A_343], %mul3A_341 {add = true, strides = array<i32>} : memref<128x128xf32, #tpu.memory_space<vmem>>, vector<16xf32>,
          %mul3A_345 = arith.mulf %get3A_223, %div3A_317 : vector<16xf32>
          %swap3A_346 = arith.index_cast %sub3A_333 : i32 to index
          %swap3A_347 = arith.constant 48 : index
          %swap3A_348 = tpu.vector_load %arg11[%swap3A_346, %swap3A_347] {strides = array<i32>} : memref<128x128xf32, #tpu.memory_space<vmem>>, vector<16xf32>,
          tpu.vector_store %arg11[%swap3A_346, %swap3A_347], %mul3A_345 {add = true, strides = array<i32>} : memref<128x128xf32, #tpu.memory_space<vmem>>, vector<16xf32>,
          %mul3A_349 = arith.mulf %get3A_226, %div3A_317 : vector<16xf32>
          %swap3A_350 = arith.index_cast %sub3A_333 : i32 to index
          %swap3A_351 = arith.constant 64 : index
          %swap3A_352 = tpu.vector_load %arg11[%swap3A_350, %swap3A_351] {strides = array<i32>} : memref<128x128xf32, #tpu.memory_space<vmem>>, vector<16xf32>,
          tpu.vector_store %arg11[%swap3A_350, %swap3A_351], %mul3A_349 {add = true, strides = array<i32>} : memref<128x128xf32, #tpu.memory_space<vmem>>, vector<16xf32>,
          %mul3A_353 = arith.mulf %get3A_229, %div3A_317 : vector<16xf32>
          %swap3A_354 = arith.index_cast %sub3A_333 : i32 to index
          %swap3A_355 = arith.constant 80 : index
          %swap3A_356 = tpu.vector_load %arg11[%swap3A_354, %swap3A_355] {strides = array<i32>} : memref<128x128xf32, #tpu.memory_space<vmem>>, vector<16xf32>,
          tpu.vector_store %arg11[%swap3A_354, %swap3A_355], %mul3A_353 {add = true, strides = array<i32>} : memref<128x128xf32, #tpu.memory_space<vmem>>, vector<16xf32>,
          %mul3A_357 = arith.mulf %get3A_232, %div3A_317 : vector<16xf32>
          %swap3A_358 = arith.index_cast %sub3A_333 : i32 to index
          %swap3A_359 = arith.constant 96 : index
          %swap3A_360 = tpu.vector_load %arg11[%swap3A_358, %swap3A_359] {strides = array<i32>} : memref<128x128xf32, #tpu.memory_space<vmem>>, vector<16xf32>,
          tpu.vector_store %arg11[%swap3A_358, %swap3A_359], %mul3A_357 {add = true, strides = array<i32>} : memref<128x128xf32, #tpu.memory_space<vmem>>, vector<16xf32>,
          %mul3A_361 = arith.mulf %get3A_235, %div3A_317 : vector<16xf32>
          %swap3A_362 = arith.index_cast %sub3A_333 : i32 to index
          %swap3A_363 = arith.constant 112 : index
          %swap3A_364 = tpu.vector_load %arg11[%swap3A_362, %swap3A_363] {strides = array<i32>} : memref<128x128xf32, #tpu.memory_space<vmem>>, vector<16xf32>,
          tpu.vector_store %arg11[%swap3A_362, %swap3A_363], %mul3A_361 {add = true, strides = array<i32>} : memref<128x128xf32, #tpu.memory_space<vmem>>, vector<16xf32>,
          %slice3A_365 = vector.extract_strided_slice %get3A_211 {offsets = [1], sizes = [1], strides = [1]} : vector<16xi32> to vector<1xi32>
          %squeeze3A_366 = vector.extract %slice3A_365[0] : i32 from vector<1xi32>
          %sub3A_367 = arith.subi %squeeze3A_366, %mul3A_2 : i32
          %mul3A_368 = arith.mulf %get3A_238, %div3A_330 : vector<16xf32>
          %swap3A_369 = arith.index_cast %sub3A_367 : i32 to index
          %swap3A_370 = arith.constant 0 : index
          %swap3A_371 = tpu.vector_load %arg11[%swap3A_369, %swap3A_370] {strides = array<i32>} : memref<128x128xf32, #tpu.memory_space<vmem>>, vector<16xf32>,
          tpu.vector_store %arg11[%swap3A_369, %swap3A_370], %mul3A_368 {add = true, strides = array<i32>} : memref<128x128xf32, #tpu.memory_space<vmem>>, vector<16xf32>,
          %mul3A_372 = arith.mulf %get3A_241, %div3A_330 : vector<16xf32>
          %swap3A_373 = arith.index_cast %sub3A_367 : i32 to index
          %swap3A_374 = arith.constant 16 : index
          %swap3A_375 = tpu.vector_load %arg11[%swap3A_373, %swap3A_374] {strides = array<i32>} : memref<128x128xf32, #tpu.memory_space<vmem>>, vector<16xf32>,
          tpu.vector_store %arg11[%swap3A_373, %swap3A_374], %mul3A_372 {add = true, strides = array<i32>} : memref<128x128xf32, #tpu.memory_space<vmem>>, vector<16xf32>,
          %mul3A_376 = arith.mulf %get3A_244, %div3A_330 : vector<16xf32>
          %swap3A_377 = arith.index_cast %sub3A_367 : i32 to index
          %swap3A_378 = arith.constant 32 : index
          %swap3A_379 = tpu.vector_load %arg11[%swap3A_377, %swap3A_378] {strides = array<i32>} : memref<128x128xf32, #tpu.memory_space<vmem>>, vector<16xf32>,
          tpu.vector_store %arg11[%swap3A_377, %swap3A_378], %mul3A_376 {add = true, strides = array<i32>} : memref<128x128xf32, #tpu.memory_space<vmem>>, vector<16xf32>,
          %mul3A_380 = arith.mulf %get3A_247, %div3A_330 : vector<16xf32>
          %swap3A_381 = arith.index_cast %sub3A_367 : i32 to index
          %swap3A_382 = arith.constant 48 : index
          %swap3A_383 = tpu.vector_load %arg11[%swap3A_381, %swap3A_382] {strides = array<i32>} : memref<128x128xf32, #tpu.memory_space<vmem>>, vector<16xf32>,
          tpu.vector_store %arg11[%swap3A_381, %swap3A_382], %mul3A_380 {add = true, strides = array<i32>} : memref<128x128xf32, #tpu.memory_space<vmem>>, vector<16xf32>,
          %mul3A_384 = arith.mulf %get3A_250, %div3A_330 : vector<16xf32>
          %swap3A_385 = arith.index_cast %sub3A_367 : i32 to index
          %swap3A_386 = arith.constant 64 : index
          %swap3A_387 = tpu.vector_load %arg11[%swap3A_385, %swap3A_386] {strides = array<i32>} : memref<128x128xf32, #tpu.memory_space<vmem>>, vector<16xf32>,
          tpu.vector_store %arg11[%swap3A_385, %swap3A_386], %mul3A_384 {add = true, strides = array<i32>} : memref<128x128xf32, #tpu.memory_space<vmem>>, vector<16xf32>,
          %mul3A_388 = arith.mulf %get3A_253, %div3A_330 : vector<16xf32>
          %swap3A_389 = arith.index_cast %sub3A_367 : i32 to index
          %swap3A_390 = arith.constant 80 : index
          %swap3A_391 = tpu.vector_load %arg11[%swap3A_389, %swap3A_390] {strides = array<i32>} : memref<128x128xf32, #tpu.memory_space<vmem>>, vector<16xf32>,
          tpu.vector_store %arg11[%swap3A_389, %swap3A_390], %mul3A_388 {add = true, strides = array<i32>} : memref<128x128xf32, #tpu.memory_space<vmem>>, vector<16xf32>,
          %mul3A_392 = arith.mulf %get3A_256, %div3A_330 : vector<16xf32>
          %swap3A_393 = arith.index_cast %sub3A_367 : i32 to index
          %swap3A_394 = arith.constant 96 : index
          %swap3A_395 = tpu.vector_load %arg11[%swap3A_393, %swap3A_394] {strides = array<i32>} : memref<128x128xf32, #tpu.memory_space<vmem>>, vector<16xf32>,
          tpu.vector_store %arg11[%swap3A_393, %swap3A_394], %mul3A_392 {add = true, strides = array<i32>} : memref<128x128xf32, #tpu.memory_space<vmem>>, vector<16xf32>,
          %mul3A_396 = arith.mulf %get3A_259, %div3A_330 : vector<16xf32>
          %swap3A_397 = arith.index_cast %sub3A_367 : i32 to index
          %swap3A_398 = arith.constant 112 : index
          %swap3A_399 = tpu.vector_load %arg11[%swap3A_397, %swap3A_398] {strides = array<i32>} : memref<128x128xf32, #tpu.memory_space<vmem>>, vector<16xf32>,
          tpu.vector_store %arg11[%swap3A_397, %swap3A_398], %mul3A_396 {add = true, strides = array<i32>} : memref<128x128xf32, #tpu.memory_space<vmem>>, vector<16xf32>,
        }
        %mul3A_196 = arith.constant 2 : i32
        %mul3A_197 = arith.muli %mul3A_196, %select_n3A_185 : i32
        %add3A_198 = arith.addi %max3A, %mul3A_197 : i32
        %lt3A_199 = arith.cmpi slt, %add3A_198, %min3A_160 : i32
        %convert_element_type3A_200 = arith.extui %lt3A_199 : i1 to i32
        %cond3A_201 = arith.constant 0 : i32
        %cond3A_202 = arith.cmpi ne, %convert_element_type3A_200, %cond3A_201 : i32
        scf.if %cond3A_202 {
          %mul3A_203 = arith.constant 2 : i32
          %mul3A_204 = arith.muli %mul3A_203, %select_n3A_185 : i32
          %add3A_205 = arith.addi %max3A, %mul3A_204 : i32
          %sub3A_206 = arith.subi %add3A_205, %min3A_157 : i32
          %get3A_207 = arith.index_cast %sub3A_206 : i32 to index
          %get3A_208 = arith.constant 0 : index
          %get3A_209 = tpu.vector_load %arg7[%get3A_207, %get3A_208] {strides = array<i32>} : memref<416x128xf32, #tpu.memory_space<vmem>>, vector<16xf32>,
          %get3A_210 = arith.index_cast %sub3A_206 : i32 to index
          %get3A_211 = arith.constant 16 : index
          %get3A_212 = tpu.vector_load %arg7[%get3A_210, %get3A_211] {strides = array<i32>} : memref<416x128xf32, #tpu.memory_space<vmem>>, vector<16xf32>,
          %get3A_213 = arith.index_cast %sub3A_206 : i32 to index
          %get3A_214 = arith.constant 32 : index
          %get3A_215 = tpu.vector_load %arg7[%get3A_213, %get3A_214] {strides = array<i32>} : memref<416x128xf32, #tpu.memory_space<vmem>>, vector<16xf32>,
          %get3A_216 = arith.index_cast %sub3A_206 : i32 to index
          %get3A_217 = arith.constant 48 : index
          %get3A_218 = tpu.vector_load %arg7[%get3A_216, %get3A_217] {strides = array<i32>} : memref<416x128xf32, #tpu.memory_space<vmem>>, vector<16xf32>,
          %get3A_219 = arith.index_cast %sub3A_206 : i32 to index
          %get3A_220 = arith.constant 64 : index
          %get3A_221 = tpu.vector_load %arg7[%get3A_219, %get3A_220] {strides = array<i32>} : memref<416x128xf32, #tpu.memory_space<vmem>>, vector<16xf32>,
          %get3A_222 = arith.index_cast %sub3A_206 : i32 to index
          %get3A_223 = arith.constant 80 : index
          %get3A_224 = tpu.vector_load %arg7[%get3A_222, %get3A_223] {strides = array<i32>} : memref<416x128xf32, #tpu.memory_space<vmem>>, vector<16xf32>,
          %get3A_225 = arith.index_cast %sub3A_206 : i32 to index
          %get3A_226 = arith.constant 96 : index
          %get3A_227 = tpu.vector_load %arg7[%get3A_225, %get3A_226] {strides = array<i32>} : memref<416x128xf32, #tpu.memory_space<vmem>>, vector<16xf32>,
          %get3A_228 = arith.index_cast %sub3A_206 : i32 to index
          %get3A_229 = arith.constant 112 : index
          %get3A_230 = tpu.vector_load %arg7[%get3A_228, %get3A_229] {strides = array<i32>} : memref<416x128xf32, #tpu.memory_space<vmem>>, vector<16xf32>,
          %mul3A_231 = arith.mulf %get3A_209, %get3A_3 : vector<16xf32>
          %mul3A_232 = arith.mulf %get3A_212, %get3A_5 : vector<16xf32>
          %add3A_233 = arith.addf %mul3A_231, %mul3A_232 : vector<16xf32>
          %mul3A_234 = arith.mulf %get3A_215, %get3A_7 : vector<16xf32>
          %add3A_235 = arith.addf %add3A_233, %mul3A_234 : vector<16xf32>
          %mul3A_236 = arith.mulf %get3A_218, %get3A_9 : vector<16xf32>
          %add3A_237 = arith.addf %add3A_235, %mul3A_236 : vector<16xf32>
          %mul3A_238 = arith.mulf %get3A_221, %get3A_11 : vector<16xf32>
          %add3A_239 = arith.addf %add3A_237, %mul3A_238 : vector<16xf32>
          %mul3A_240 = arith.mulf %get3A_224, %get3A_13 : vector<16xf32>
          %add3A_241 = arith.addf %add3A_239, %mul3A_240 : vector<16xf32>
          %mul3A_242 = arith.mulf %get3A_227, %get3A_15 : vector<16xf32>
          %add3A_243 = arith.addf %add3A_241, %mul3A_242 : vector<16xf32>
          %mul3A_244 = arith.mulf %get3A_230, %get3A_17 : vector<16xf32>
          %add3A_245 = arith.addf %add3A_243, %mul3A_244 : vector<16xf32>
          %rev3A = arith.constant 15 : i32
          %rev3A_246 = vector.broadcast %rev3A : i32 to vector<16xi32>
          %rev3A_247 = tpu.iota {dimensions = array<i32: 0>} : vector<16xi32>
          %rev3A_248 = arith.subi %rev3A_246, %rev3A_247 : vector<16xi32>
          %rev3A_249 = tpu.dynamic_gather %add3A_245[%rev3A_248] in [0] : vector<16xf32>, vector<16xi32> -> vector<16xf32>
          %add3A_250 = arith.addf %add3A_245, %rev3A_249 : vector<16xf32>
          %broadcast_in_dim3A_251 = arith.constant true
          %broadcast_in_dim3A_252 = vector.broadcast %broadcast_in_dim3A_251 : i1 to vector<16xi1>
          %masked_cumsum3A = tpu.scan <sum>, %add3A_250 masked %broadcast_in_dim3A_252 : vector<16xf32>, vector<16xi1> -> vector<16xf32>
          %slice3A_253 = vector.extract_strided_slice %masked_cumsum3A {offsets = [7], sizes = [1], strides = [1]} : vector<16xf32> to vector<1xf32>
          %squeeze3A_254 = vector.extract %slice3A_253[0] : f32 from vector<1xf32>
          %broadcast_in_dim3A_255 = vector.broadcast %squeeze3A_254 : f32 to vector<16xf32>
          %add3A_256 = arith.addf %broadcast_in_dim3A_255, %get3A_19 : vector<16xf32>
          %neg3A = arith.constant 0.000000e+00 : f32
          %neg3A_257 = vector.broadcast %neg3A : f32 to vector<16xf32>
          %neg3A_258 = arith.subf %neg3A_257, %add3A_256 : vector<16xf32>
          %exp3A = math.exp %neg3A_258 : vector<16xf32>
          %add3A_259 = arith.constant 1.000000e+00 : f32
          %add3A_260 = vector.broadcast %add3A_259 : f32 to vector<16xf32>
          %add3A_261 = arith.addf %add3A_260, %exp3A : vector<16xf32>
          %div3A_262 = arith.constant 1.000000e+00 : f32
          %div3A_263 = vector.broadcast %div3A_262 : f32 to vector<16xf32>
          %div3A_264 = arith.divf %div3A_263, %add3A_261 : vector<16xf32>
          %get3A_265 = arith.index_cast %sub3A_206 : i32 to index
          %get3A_266 = tpu.vector_load %arg9[%get3A_265] {strides = array<i32>} : memref<432xi32, #tpu.memory_space<vmem>>, vector<16xi32>,
          %slice3A_267 = vector.extract_strided_slice %get3A_266 {offsets = [0], sizes = [1], strides = [1]} : vector<16xi32> to vector<1xi32>
          %squeeze3A_268 = vector.extract %slice3A_267[0] : i32 from vector<1xi32>
          %sub3A_269 = arith.subi %squeeze3A_268, %mul3A_2 : i32
          %mul3A_270 = arith.mulf %get3A_209, %div3A_264 : vector<16xf32>
          %swap3A = arith.index_cast %sub3A_269 : i32 to index
          %swap3A_271 = arith.constant 0 : index
          %swap3A_272 = tpu.vector_load %arg11[%swap3A, %swap3A_271] {strides = array<i32>} : memref<128x128xf32, #tpu.memory_space<vmem>>, vector<16xf32>,
          tpu.vector_store %arg11[%swap3A, %swap3A_271], %mul3A_270 {add = true, strides = array<i32>} : memref<128x128xf32, #tpu.memory_space<vmem>>, vector<16xf32>,
          %mul3A_273 = arith.mulf %get3A_212, %div3A_264 : vector<16xf32>
          %swap3A_274 = arith.index_cast %sub3A_269 : i32 to index
          %swap3A_275 = arith.constant 16 : index
          %swap3A_276 = tpu.vector_load %arg11[%swap3A_274, %swap3A_275] {strides = array<i32>} : memref<128x128xf32, #tpu.memory_space<vmem>>, vector<16xf32>,
          tpu.vector_store %arg11[%swap3A_274, %swap3A_275], %mul3A_273 {add = true, strides = array<i32>} : memref<128x128xf32, #tpu.memory_space<vmem>>, vector<16xf32>,
          %mul3A_277 = arith.mulf %get3A_215, %div3A_264 : vector<16xf32>
          %swap3A_278 = arith.index_cast %sub3A_269 : i32 to index
          %swap3A_279 = arith.constant 32 : index
          %swap3A_280 = tpu.vector_load %arg11[%swap3A_278, %swap3A_279] {strides = array<i32>} : memref<128x128xf32, #tpu.memory_space<vmem>>, vector<16xf32>,
          tpu.vector_store %arg11[%swap3A_278, %swap3A_279], %mul3A_277 {add = true, strides = array<i32>} : memref<128x128xf32, #tpu.memory_space<vmem>>, vector<16xf32>,
          %mul3A_281 = arith.mulf %get3A_218, %div3A_264 : vector<16xf32>
          %swap3A_282 = arith.index_cast %sub3A_269 : i32 to index
          %swap3A_283 = arith.constant 48 : index
          %swap3A_284 = tpu.vector_load %arg11[%swap3A_282, %swap3A_283] {strides = array<i32>} : memref<128x128xf32, #tpu.memory_space<vmem>>, vector<16xf32>,
          tpu.vector_store %arg11[%swap3A_282, %swap3A_283], %mul3A_281 {add = true, strides = array<i32>} : memref<128x128xf32, #tpu.memory_space<vmem>>, vector<16xf32>,
          %mul3A_285 = arith.mulf %get3A_221, %div3A_264 : vector<16xf32>
          %swap3A_286 = arith.index_cast %sub3A_269 : i32 to index
          %swap3A_287 = arith.constant 64 : index
          %swap3A_288 = tpu.vector_load %arg11[%swap3A_286, %swap3A_287] {strides = array<i32>} : memref<128x128xf32, #tpu.memory_space<vmem>>, vector<16xf32>,
          tpu.vector_store %arg11[%swap3A_286, %swap3A_287], %mul3A_285 {add = true, strides = array<i32>} : memref<128x128xf32, #tpu.memory_space<vmem>>, vector<16xf32>,
          %mul3A_289 = arith.mulf %get3A_224, %div3A_264 : vector<16xf32>
          %swap3A_290 = arith.index_cast %sub3A_269 : i32 to index
          %swap3A_291 = arith.constant 80 : index
          %swap3A_292 = tpu.vector_load %arg11[%swap3A_290, %swap3A_291] {strides = array<i32>} : memref<128x128xf32, #tpu.memory_space<vmem>>, vector<16xf32>,
          tpu.vector_store %arg11[%swap3A_290, %swap3A_291], %mul3A_289 {add = true, strides = array<i32>} : memref<128x128xf32, #tpu.memory_space<vmem>>, vector<16xf32>,
          %mul3A_293 = arith.mulf %get3A_227, %div3A_264 : vector<16xf32>
          %swap3A_294 = arith.index_cast %sub3A_269 : i32 to index
          %swap3A_295 = arith.constant 96 : index
          %swap3A_296 = tpu.vector_load %arg11[%swap3A_294, %swap3A_295] {strides = array<i32>} : memref<128x128xf32, #tpu.memory_space<vmem>>, vector<16xf32>,
          tpu.vector_store %arg11[%swap3A_294, %swap3A_295], %mul3A_293 {add = true, strides = array<i32>} : memref<128x128xf32, #tpu.memory_space<vmem>>, vector<16xf32>,
          %mul3A_297 = arith.mulf %get3A_230, %div3A_264 : vector<16xf32>
          %swap3A_298 = arith.index_cast %sub3A_269 : i32 to index
          %swap3A_299 = arith.constant 112 : index
          %swap3A_300 = tpu.vector_load %arg11[%swap3A_298, %swap3A_299] {strides = array<i32>} : memref<128x128xf32, #tpu.memory_space<vmem>>, vector<16xf32>,
          tpu.vector_store %arg11[%swap3A_298, %swap3A_299], %mul3A_297 {add = true, strides = array<i32>} : memref<128x128xf32, #tpu.memory_space<vmem>>, vector<16xf32>,
        } else {
        }
      } else {
      }
      %lt3A_129 = arith.cmpi slt, %add3A_124, %select_n3A_82 : i32
      %convert_element_type3A_130 = arith.extui %lt3A_129 : i1 to i32
      %cond3A_131 = arith.constant 0 : i32
      %cond3A_132 = arith.cmpi ne, %convert_element_type3A_130, %cond3A_131 : i32
      scf.if %cond3A_132 {
        %mul3A_133 = arith.constant 416 : i32
        %mul3A_134 = arith.muli %add3A_124, %mul3A_133 : i32
        %add3A_135 = arith.addi %mul3A_53, %mul3A_134 : i32
        %min3A = arith.constant 99584 : i32
        %min3A_136 = arith.minsi %add3A_135, %min3A : i32
        %dma_wait3A = arith.constant 0 : i32
        %dma_wait3A_137 = tpu.memref_slice %arg2[%min3A_136, %dma_wait3A] : memref<100000x128xf32, #tpu.memory_space<hbm>> -> memref<416x128xf32, #tpu.memory_space<hbm>>
        %dma_wait3A_138 = arith.constant 0 : i32
        %dma_wait3A_139 = tpu.memref_slice %arg2[%min3A_136, %dma_wait3A_138] : memref<100000x128xf32, #tpu.memory_space<hbm>> -> memref<416x128xf32, #tpu.memory_space<hbm>>
        tpu.wait_dma2 semaphore(%arg15 : memref<!tpu.dma_semaphore, #tpu.memory_space<semaphore_mem>>) src(%dma_wait3A_139 : memref<416x128xf32, #tpu.memory_space<hbm>>) dst(%arg8 : memref<416x128xf32, #tpu.memory_space<vmem>>)
        %dma_wait3A_140 = arith.constant 0 : i32
        %dma_wait3A_141 = tpu.memref_slice %arg10[%dma_wait3A_140] : memref<432xi32, #tpu.memory_space<vmem>> -> memref<416xi32, #tpu.memory_space<vmem>>
        %dma_wait3A_142 = tpu.memref_slice %arg3[%min3A_136] : memref<100000xi32, #tpu.memory_space<hbm>> -> memref<416xi32, #tpu.memory_space<hbm>>
        %dma_wait3A_143 = arith.constant 0 : i32
        %dma_wait3A_144 = tpu.memref_slice %arg10[%dma_wait3A_143] : memref<432xi32, #tpu.memory_space<vmem>> -> memref<416xi32, #tpu.memory_space<vmem>>
        %dma_wait3A_145 = tpu.memref_slice %arg3[%min3A_136] : memref<100000xi32, #tpu.memory_space<hbm>> -> memref<416xi32, #tpu.memory_space<hbm>>
        tpu.wait_dma2 semaphore(%arg17 : memref<!tpu.dma_semaphore, #tpu.memory_space<semaphore_mem>>) src(%dma_wait3A_145 : memref<416xi32, #tpu.memory_space<hbm>>) dst(%dma_wait3A_144 : memref<416xi32, #tpu.memory_space<vmem>>)
        %add3A_146 = arith.constant 1 : i32
        %add3A_147 = arith.addi %add3A_124, %add3A_146 : i32
        %lt3A_148 = arith.cmpi slt, %add3A_147, %select_n3A_82 : i32
        %convert_element_type3A_149 = arith.extui %lt3A_148 : i1 to i32
        %cond3A_150 = arith.constant 0 : i32
        %cond3A_151 = arith.cmpi ne, %convert_element_type3A_149, %cond3A_150 : i32
        scf.if %cond3A_151 {
          %add3A_205 = arith.constant 1 : i32
          %add3A_206 = arith.addi %add3A_124, %add3A_205 : i32
          %mul3A_207 = arith.constant 416 : i32
          %mul3A_208 = arith.muli %add3A_206, %mul3A_207 : i32
          %add3A_209 = arith.addi %mul3A_53, %mul3A_208 : i32
          %min3A_210 = arith.constant 99584 : i32
          %min3A_211 = arith.minsi %add3A_209, %min3A_210 : i32
          %dma_start3A = arith.constant 0 : i32
          %dma_start3A_212 = tpu.memref_slice %arg2[%min3A_211, %dma_start3A] : memref<100000x128xf32, #tpu.memory_space<hbm>> -> memref<416x128xf32, #tpu.memory_space<hbm>>
          %dma_start3A_213 = arith.constant 0 : i32
          %dma_start3A_214 = tpu.memref_slice %arg2[%min3A_211, %dma_start3A_213] : memref<100000x128xf32, #tpu.memory_space<hbm>> -> memref<416x128xf32, #tpu.memory_space<hbm>>
          tpu.enqueue_dma source(%dma_start3A_214 : memref<416x128xf32, #tpu.memory_space<hbm>>) target(%arg7 : memref<416x128xf32, #tpu.memory_space<vmem>>) target_semaphore(%arg14 : memref<!tpu.dma_semaphore, #tpu.memory_space<semaphore_mem>>)
          %dma_start3A_215 = arith.constant 0 : i32
          %dma_start3A_216 = tpu.memref_slice %arg9[%dma_start3A_215] : memref<432xi32, #tpu.memory_space<vmem>> -> memref<416xi32, #tpu.memory_space<vmem>>
          %dma_start3A_217 = tpu.memref_slice %arg3[%min3A_211] : memref<100000xi32, #tpu.memory_space<hbm>> -> memref<416xi32, #tpu.memory_space<hbm>>
          %dma_start3A_218 = arith.constant 0 : i32
          %dma_start3A_219 = tpu.memref_slice %arg9[%dma_start3A_218] : memref<432xi32, #tpu.memory_space<vmem>> -> memref<416xi32, #tpu.memory_space<vmem>>
          %dma_start3A_220 = tpu.memref_slice %arg3[%min3A_211] : memref<100000xi32, #tpu.memory_space<hbm>> -> memref<416xi32, #tpu.memory_space<hbm>>
          tpu.enqueue_dma source(%dma_start3A_220 : memref<416xi32, #tpu.memory_space<hbm>>) target(%dma_start3A_219 : memref<416xi32, #tpu.memory_space<vmem>>) target_semaphore(%arg16 : memref<!tpu.dma_semaphore, #tpu.memory_space<semaphore_mem>>)
        } else {
        }
        %mul3A_152 = arith.constant 416 : i32
        %mul3A_153 = arith.muli %add3A_124, %mul3A_152 : i32
        %add3A_154 = arith.addi %mul3A_53, %mul3A_153 : i32
        %mul3A_155 = arith.constant 416 : i32
        %mul3A_156 = arith.muli %add3A_124, %mul3A_155 : i32
        %add3A_157 = arith.addi %mul3A_53, %mul3A_156 : i32
        %min3A_158 = arith.constant 99584 : i32
        %min3A_159 = arith.minsi %add3A_157, %min3A_158 : i32
        %max3A = arith.maxsi %squeeze3A, %add3A_154 : i32
        %add3A_160 = arith.constant 416 : i32
        %add3A_161 = arith.addi %add3A_154, %add3A_160 : i32
        %min3A_162 = arith.minsi %squeeze3A_27, %add3A_161 : i32
        %sub3A_163 = arith.subi %min3A_162, %max3A : i32
        %jit3A_164 = arith.constant 2 : i32
        %div3A_165 = arith.divsi %sub3A_163, %jit3A_164 : i32
        %sign3A_166 = arith.constant 0 : i32
        %sign3A_167 = arith.cmpi sgt, %sub3A_163, %sign3A_166 : i32
        %sign3A_168 = arith.extui %sign3A_167 : i1 to i32
        %sign3A_169 = arith.constant 0 : i32
        %sign3A_170 = arith.cmpi slt, %sub3A_163, %sign3A_169 : i32
        %sign3A_171 = arith.extui %sign3A_170 : i1 to i32
        %sign3A_172 = arith.subi %sign3A_168, %sign3A_171 : i32
        %sign3A_173 = arith.constant 0 : i32
        %sign3A_174 = arith.cmpi sgt, %jit3A_164, %sign3A_173 : i32
        %sign3A_175 = arith.extui %sign3A_174 : i1 to i32
        %sign3A_176 = arith.constant 0 : i32
        %sign3A_177 = arith.cmpi slt, %jit3A_164, %sign3A_176 : i32
        %sign3A_178 = arith.extui %sign3A_177 : i1 to i32
        %sign3A_179 = arith.subi %sign3A_175, %sign3A_178 : i32
        %ne3A_180 = arith.cmpi ne, %sign3A_172, %sign3A_179 : i32
        %rem3A_181 = arith.remsi %sub3A_163, %jit3A_164 : i32
        %ne3A_182 = arith.constant 0 : i32
        %ne3A_183 = arith.cmpi ne, %rem3A_181, %ne3A_182 : i32
        %and3A_184 = arith.andi %ne3A_180, %ne3A_183 : i1
        %sub3A_185 = arith.constant 1 : i32
        %sub3A_186 = arith.subi %div3A_165, %sub3A_185 : i32
        %select_n3A_187 = arith.select %and3A_184, %sub3A_186, %div3A_165 : i32
        %while3A_188 = arith.constant 0 : i32
        %while3A_189 = arith.constant 0 : i32
        %while3A_190 = arith.subi %select_n3A_187, %while3A_189 : i32
        %while3A_191 = arith.addi %while3A_189, %while3A_190 : i32
        %while3A_192 = arith.constant 1 : i32
        %while3A_193 = arith.divsi %while3A_190, %while3A_192 : i32
        %while3A_194 = arith.muli %while3A_193, %while3A_192 : i32
        %while3A_195 = arith.addi %while3A_189, %while3A_194 : i32
        %while3A_196 = arith.constant 1 : i32
        scf.for %while3A_205 = %while3A_189 to %while3A_195 step %while3A_196  : i32 {
          %mul3A_206 = arith.constant 2 : i32
          %mul3A_207 = arith.muli %mul3A_206, %while3A_205 : i32
          %add3A_208 = arith.addi %max3A, %mul3A_207 : i32
          %sub3A_209 = arith.subi %add3A_208, %min3A_159 : i32
          %add3A_210 = arith.constant 1 : i32
          %add3A_211 = arith.addi %sub3A_209, %add3A_210 : i32
          %get3A_212 = arith.index_cast %sub3A_209 : i32 to index
          %get3A_213 = tpu.vector_load %arg10[%get3A_212] {strides = array<i32>} : memref<432xi32, #tpu.memory_space<vmem>>, vector<16xi32>,
          %get3A_214 = arith.index_cast %sub3A_209 : i32 to index
          %get3A_215 = arith.constant 0 : index
          %get3A_216 = tpu.vector_load %arg8[%get3A_214, %get3A_215] {strides = array<i32>} : memref<416x128xf32, #tpu.memory_space<vmem>>, vector<16xf32>,
          %get3A_217 = arith.index_cast %sub3A_209 : i32 to index
          %get3A_218 = arith.constant 16 : index
          %get3A_219 = tpu.vector_load %arg8[%get3A_217, %get3A_218] {strides = array<i32>} : memref<416x128xf32, #tpu.memory_space<vmem>>, vector<16xf32>,
          %get3A_220 = arith.index_cast %sub3A_209 : i32 to index
          %get3A_221 = arith.constant 32 : index
          %get3A_222 = tpu.vector_load %arg8[%get3A_220, %get3A_221] {strides = array<i32>} : memref<416x128xf32, #tpu.memory_space<vmem>>, vector<16xf32>,
          %get3A_223 = arith.index_cast %sub3A_209 : i32 to index
          %get3A_224 = arith.constant 48 : index
          %get3A_225 = tpu.vector_load %arg8[%get3A_223, %get3A_224] {strides = array<i32>} : memref<416x128xf32, #tpu.memory_space<vmem>>, vector<16xf32>,
          %get3A_226 = arith.index_cast %sub3A_209 : i32 to index
          %get3A_227 = arith.constant 64 : index
          %get3A_228 = tpu.vector_load %arg8[%get3A_226, %get3A_227] {strides = array<i32>} : memref<416x128xf32, #tpu.memory_space<vmem>>, vector<16xf32>,
          %get3A_229 = arith.index_cast %sub3A_209 : i32 to index
          %get3A_230 = arith.constant 80 : index
          %get3A_231 = tpu.vector_load %arg8[%get3A_229, %get3A_230] {strides = array<i32>} : memref<416x128xf32, #tpu.memory_space<vmem>>, vector<16xf32>,
          %get3A_232 = arith.index_cast %sub3A_209 : i32 to index
          %get3A_233 = arith.constant 96 : index
          %get3A_234 = tpu.vector_load %arg8[%get3A_232, %get3A_233] {strides = array<i32>} : memref<416x128xf32, #tpu.memory_space<vmem>>, vector<16xf32>,
          %get3A_235 = arith.index_cast %sub3A_209 : i32 to index
          %get3A_236 = arith.constant 112 : index
          %get3A_237 = tpu.vector_load %arg8[%get3A_235, %get3A_236] {strides = array<i32>} : memref<416x128xf32, #tpu.memory_space<vmem>>, vector<16xf32>,
          %get3A_238 = arith.index_cast %add3A_211 : i32 to index
          %get3A_239 = arith.constant 0 : index
          %get3A_240 = tpu.vector_load %arg8[%get3A_238, %get3A_239] {strides = array<i32>} : memref<416x128xf32, #tpu.memory_space<vmem>>, vector<16xf32>,
          %get3A_241 = arith.index_cast %add3A_211 : i32 to index
          %get3A_242 = arith.constant 16 : index
          %get3A_243 = tpu.vector_load %arg8[%get3A_241, %get3A_242] {strides = array<i32>} : memref<416x128xf32, #tpu.memory_space<vmem>>, vector<16xf32>,
          %get3A_244 = arith.index_cast %add3A_211 : i32 to index
          %get3A_245 = arith.constant 32 : index
          %get3A_246 = tpu.vector_load %arg8[%get3A_244, %get3A_245] {strides = array<i32>} : memref<416x128xf32, #tpu.memory_space<vmem>>, vector<16xf32>,
          %get3A_247 = arith.index_cast %add3A_211 : i32 to index
          %get3A_248 = arith.constant 48 : index
          %get3A_249 = tpu.vector_load %arg8[%get3A_247, %get3A_248] {strides = array<i32>} : memref<416x128xf32, #tpu.memory_space<vmem>>, vector<16xf32>,
          %get3A_250 = arith.index_cast %add3A_211 : i32 to index
          %get3A_251 = arith.constant 64 : index
          %get3A_252 = tpu.vector_load %arg8[%get3A_250, %get3A_251] {strides = array<i32>} : memref<416x128xf32, #tpu.memory_space<vmem>>, vector<16xf32>,
          %get3A_253 = arith.index_cast %add3A_211 : i32 to index
          %get3A_254 = arith.constant 80 : index
          %get3A_255 = tpu.vector_load %arg8[%get3A_253, %get3A_254] {strides = array<i32>} : memref<416x128xf32, #tpu.memory_space<vmem>>, vector<16xf32>,
          %get3A_256 = arith.index_cast %add3A_211 : i32 to index
          %get3A_257 = arith.constant 96 : index
          %get3A_258 = tpu.vector_load %arg8[%get3A_256, %get3A_257] {strides = array<i32>} : memref<416x128xf32, #tpu.memory_space<vmem>>, vector<16xf32>,
          %get3A_259 = arith.index_cast %add3A_211 : i32 to index
          %get3A_260 = arith.constant 112 : index
          %get3A_261 = tpu.vector_load %arg8[%get3A_259, %get3A_260] {strides = array<i32>} : memref<416x128xf32, #tpu.memory_space<vmem>>, vector<16xf32>,
          %mul3A_262 = arith.mulf %get3A_216, %get3A_3 : vector<16xf32>
          %mul3A_263 = arith.mulf %get3A_219, %get3A_5 : vector<16xf32>
          %add3A_264 = arith.addf %mul3A_262, %mul3A_263 : vector<16xf32>
          %mul3A_265 = arith.mulf %get3A_222, %get3A_7 : vector<16xf32>
          %add3A_266 = arith.addf %add3A_264, %mul3A_265 : vector<16xf32>
          %mul3A_267 = arith.mulf %get3A_225, %get3A_9 : vector<16xf32>
          %add3A_268 = arith.addf %add3A_266, %mul3A_267 : vector<16xf32>
          %mul3A_269 = arith.mulf %get3A_228, %get3A_11 : vector<16xf32>
          %add3A_270 = arith.addf %add3A_268, %mul3A_269 : vector<16xf32>
          %mul3A_271 = arith.mulf %get3A_231, %get3A_13 : vector<16xf32>
          %add3A_272 = arith.addf %add3A_270, %mul3A_271 : vector<16xf32>
          %mul3A_273 = arith.mulf %get3A_234, %get3A_15 : vector<16xf32>
          %add3A_274 = arith.addf %add3A_272, %mul3A_273 : vector<16xf32>
          %mul3A_275 = arith.mulf %get3A_237, %get3A_17 : vector<16xf32>
          %add3A_276 = arith.addf %add3A_274, %mul3A_275 : vector<16xf32>
          %rev3A = arith.constant 15 : i32
          %rev3A_277 = vector.broadcast %rev3A : i32 to vector<16xi32>
          %rev3A_278 = tpu.iota {dimensions = array<i32: 0>} : vector<16xi32>
          %rev3A_279 = arith.subi %rev3A_277, %rev3A_278 : vector<16xi32>
          %rev3A_280 = tpu.dynamic_gather %add3A_276[%rev3A_279] in [0] : vector<16xf32>, vector<16xi32> -> vector<16xf32>
          %add3A_281 = arith.addf %add3A_276, %rev3A_280 : vector<16xf32>
          %mul3A_282 = arith.mulf %get3A_240, %get3A_3 : vector<16xf32>
          %mul3A_283 = arith.mulf %get3A_243, %get3A_5 : vector<16xf32>
          %add3A_284 = arith.addf %mul3A_282, %mul3A_283 : vector<16xf32>
          %mul3A_285 = arith.mulf %get3A_246, %get3A_7 : vector<16xf32>
          %add3A_286 = arith.addf %add3A_284, %mul3A_285 : vector<16xf32>
          %mul3A_287 = arith.mulf %get3A_249, %get3A_9 : vector<16xf32>
          %add3A_288 = arith.addf %add3A_286, %mul3A_287 : vector<16xf32>
          %mul3A_289 = arith.mulf %get3A_252, %get3A_11 : vector<16xf32>
          %add3A_290 = arith.addf %add3A_288, %mul3A_289 : vector<16xf32>
          %mul3A_291 = arith.mulf %get3A_255, %get3A_13 : vector<16xf32>
          %add3A_292 = arith.addf %add3A_290, %mul3A_291 : vector<16xf32>
          %mul3A_293 = arith.mulf %get3A_258, %get3A_15 : vector<16xf32>
          %add3A_294 = arith.addf %add3A_292, %mul3A_293 : vector<16xf32>
          %mul3A_295 = arith.mulf %get3A_261, %get3A_17 : vector<16xf32>
          %add3A_296 = arith.addf %add3A_294, %mul3A_295 : vector<16xf32>
          %rev3A_297 = arith.constant 15 : i32
          %rev3A_298 = vector.broadcast %rev3A_297 : i32 to vector<16xi32>
          %rev3A_299 = tpu.iota {dimensions = array<i32: 0>} : vector<16xi32>
          %rev3A_300 = arith.subi %rev3A_298, %rev3A_299 : vector<16xi32>
          %rev3A_301 = tpu.dynamic_gather %add3A_296[%rev3A_300] in [0] : vector<16xf32>, vector<16xi32> -> vector<16xf32>
          %add3A_302 = arith.addf %add3A_296, %rev3A_301 : vector<16xf32>
          %select_n3A_303 = arith.select %lt3A_29, %add3A_281, %add3A_302 : vector<16xi1>, vector<16xf32>
          %broadcast_in_dim3A_304 = arith.constant true
          %broadcast_in_dim3A_305 = vector.broadcast %broadcast_in_dim3A_304 : i1 to vector<16xi1>
          %masked_cumsum3A = tpu.scan <sum>, %select_n3A_303 masked %broadcast_in_dim3A_305 : vector<16xf32>, vector<16xi1> -> vector<16xf32>
          %slice3A_306 = vector.extract_strided_slice %masked_cumsum3A {offsets = [7], sizes = [1], strides = [1]} : vector<16xf32> to vector<1xf32>
          %squeeze3A_307 = vector.extract %slice3A_306[0] : f32 from vector<1xf32>
          %slice3A_308 = vector.extract_strided_slice %masked_cumsum3A {offsets = [15], sizes = [1], strides = [1]} : vector<16xf32> to vector<1xf32>
          %squeeze3A_309 = vector.extract %slice3A_308[0] : f32 from vector<1xf32>
          %broadcast_in_dim3A_310 = vector.broadcast %squeeze3A_307 : f32 to vector<16xf32>
          %add3A_311 = arith.addf %broadcast_in_dim3A_310, %get3A_19 : vector<16xf32>
          %neg3A = arith.constant 0.000000e+00 : f32
          %neg3A_312 = vector.broadcast %neg3A : f32 to vector<16xf32>
          %neg3A_313 = arith.subf %neg3A_312, %add3A_311 : vector<16xf32>
          %exp3A = math.exp %neg3A_313 : vector<16xf32>
          %add3A_314 = arith.constant 1.000000e+00 : f32
          %add3A_315 = vector.broadcast %add3A_314 : f32 to vector<16xf32>
          %add3A_316 = arith.addf %add3A_315, %exp3A : vector<16xf32>
          %div3A_317 = arith.constant 1.000000e+00 : f32
          %div3A_318 = vector.broadcast %div3A_317 : f32 to vector<16xf32>
          %div3A_319 = arith.divf %div3A_318, %add3A_316 : vector<16xf32>
          %sub3A_320 = arith.subf %squeeze3A_309, %squeeze3A_307 : f32
          %broadcast_in_dim3A_321 = vector.broadcast %sub3A_320 : f32 to vector<16xf32>
          %add3A_322 = arith.addf %broadcast_in_dim3A_321, %get3A_19 : vector<16xf32>
          %neg3A_323 = arith.constant 0.000000e+00 : f32
          %neg3A_324 = vector.broadcast %neg3A_323 : f32 to vector<16xf32>
          %neg3A_325 = arith.subf %neg3A_324, %add3A_322 : vector<16xf32>
          %exp3A_326 = math.exp %neg3A_325 : vector<16xf32>
          %add3A_327 = arith.constant 1.000000e+00 : f32
          %add3A_328 = vector.broadcast %add3A_327 : f32 to vector<16xf32>
          %add3A_329 = arith.addf %add3A_328, %exp3A_326 : vector<16xf32>
          %div3A_330 = arith.constant 1.000000e+00 : f32
          %div3A_331 = vector.broadcast %div3A_330 : f32 to vector<16xf32>
          %div3A_332 = arith.divf %div3A_331, %add3A_329 : vector<16xf32>
          %slice3A_333 = vector.extract_strided_slice %get3A_213 {offsets = [0], sizes = [1], strides = [1]} : vector<16xi32> to vector<1xi32>
          %squeeze3A_334 = vector.extract %slice3A_333[0] : i32 from vector<1xi32>
          %sub3A_335 = arith.subi %squeeze3A_334, %mul3A_2 : i32
          %mul3A_336 = arith.mulf %get3A_216, %div3A_319 : vector<16xf32>
          %swap3A = arith.index_cast %sub3A_335 : i32 to index
          %swap3A_337 = arith.constant 0 : index
          %swap3A_338 = tpu.vector_load %arg11[%swap3A, %swap3A_337] {strides = array<i32>} : memref<128x128xf32, #tpu.memory_space<vmem>>, vector<16xf32>,
          tpu.vector_store %arg11[%swap3A, %swap3A_337], %mul3A_336 {add = true, strides = array<i32>} : memref<128x128xf32, #tpu.memory_space<vmem>>, vector<16xf32>,
          %mul3A_339 = arith.mulf %get3A_219, %div3A_319 : vector<16xf32>
          %swap3A_340 = arith.index_cast %sub3A_335 : i32 to index
          %swap3A_341 = arith.constant 16 : index
          %swap3A_342 = tpu.vector_load %arg11[%swap3A_340, %swap3A_341] {strides = array<i32>} : memref<128x128xf32, #tpu.memory_space<vmem>>, vector<16xf32>,
          tpu.vector_store %arg11[%swap3A_340, %swap3A_341], %mul3A_339 {add = true, strides = array<i32>} : memref<128x128xf32, #tpu.memory_space<vmem>>, vector<16xf32>,
          %mul3A_343 = arith.mulf %get3A_222, %div3A_319 : vector<16xf32>
          %swap3A_344 = arith.index_cast %sub3A_335 : i32 to index
          %swap3A_345 = arith.constant 32 : index
          %swap3A_346 = tpu.vector_load %arg11[%swap3A_344, %swap3A_345] {strides = array<i32>} : memref<128x128xf32, #tpu.memory_space<vmem>>, vector<16xf32>,
          tpu.vector_store %arg11[%swap3A_344, %swap3A_345], %mul3A_343 {add = true, strides = array<i32>} : memref<128x128xf32, #tpu.memory_space<vmem>>, vector<16xf32>,
          %mul3A_347 = arith.mulf %get3A_225, %div3A_319 : vector<16xf32>
          %swap3A_348 = arith.index_cast %sub3A_335 : i32 to index
          %swap3A_349 = arith.constant 48 : index
          %swap3A_350 = tpu.vector_load %arg11[%swap3A_348, %swap3A_349] {strides = array<i32>} : memref<128x128xf32, #tpu.memory_space<vmem>>, vector<16xf32>,
          tpu.vector_store %arg11[%swap3A_348, %swap3A_349], %mul3A_347 {add = true, strides = array<i32>} : memref<128x128xf32, #tpu.memory_space<vmem>>, vector<16xf32>,
          %mul3A_351 = arith.mulf %get3A_228, %div3A_319 : vector<16xf32>
          %swap3A_352 = arith.index_cast %sub3A_335 : i32 to index
          %swap3A_353 = arith.constant 64 : index
          %swap3A_354 = tpu.vector_load %arg11[%swap3A_352, %swap3A_353] {strides = array<i32>} : memref<128x128xf32, #tpu.memory_space<vmem>>, vector<16xf32>,
          tpu.vector_store %arg11[%swap3A_352, %swap3A_353], %mul3A_351 {add = true, strides = array<i32>} : memref<128x128xf32, #tpu.memory_space<vmem>>, vector<16xf32>,
          %mul3A_355 = arith.mulf %get3A_231, %div3A_319 : vector<16xf32>
          %swap3A_356 = arith.index_cast %sub3A_335 : i32 to index
          %swap3A_357 = arith.constant 80 : index
          %swap3A_358 = tpu.vector_load %arg11[%swap3A_356, %swap3A_357] {strides = array<i32>} : memref<128x128xf32, #tpu.memory_space<vmem>>, vector<16xf32>,
          tpu.vector_store %arg11[%swap3A_356, %swap3A_357], %mul3A_355 {add = true, strides = array<i32>} : memref<128x128xf32, #tpu.memory_space<vmem>>, vector<16xf32>,
          %mul3A_359 = arith.mulf %get3A_234, %div3A_319 : vector<16xf32>
          %swap3A_360 = arith.index_cast %sub3A_335 : i32 to index
          %swap3A_361 = arith.constant 96 : index
          %swap3A_362 = tpu.vector_load %arg11[%swap3A_360, %swap3A_361] {strides = array<i32>} : memref<128x128xf32, #tpu.memory_space<vmem>>, vector<16xf32>,
          tpu.vector_store %arg11[%swap3A_360, %swap3A_361], %mul3A_359 {add = true, strides = array<i32>} : memref<128x128xf32, #tpu.memory_space<vmem>>, vector<16xf32>,
          %mul3A_363 = arith.mulf %get3A_237, %div3A_319 : vector<16xf32>
          %swap3A_364 = arith.index_cast %sub3A_335 : i32 to index
          %swap3A_365 = arith.constant 112 : index
          %swap3A_366 = tpu.vector_load %arg11[%swap3A_364, %swap3A_365] {strides = array<i32>} : memref<128x128xf32, #tpu.memory_space<vmem>>, vector<16xf32>,
          tpu.vector_store %arg11[%swap3A_364, %swap3A_365], %mul3A_363 {add = true, strides = array<i32>} : memref<128x128xf32, #tpu.memory_space<vmem>>, vector<16xf32>,
          %slice3A_367 = vector.extract_strided_slice %get3A_213 {offsets = [1], sizes = [1], strides = [1]} : vector<16xi32> to vector<1xi32>
          %squeeze3A_368 = vector.extract %slice3A_367[0] : i32 from vector<1xi32>
          %sub3A_369 = arith.subi %squeeze3A_368, %mul3A_2 : i32
          %mul3A_370 = arith.mulf %get3A_240, %div3A_332 : vector<16xf32>
          %swap3A_371 = arith.index_cast %sub3A_369 : i32 to index
          %swap3A_372 = arith.constant 0 : index
          %swap3A_373 = tpu.vector_load %arg11[%swap3A_371, %swap3A_372] {strides = array<i32>} : memref<128x128xf32, #tpu.memory_space<vmem>>, vector<16xf32>,
          tpu.vector_store %arg11[%swap3A_371, %swap3A_372], %mul3A_370 {add = true, strides = array<i32>} : memref<128x128xf32, #tpu.memory_space<vmem>>, vector<16xf32>,
          %mul3A_374 = arith.mulf %get3A_243, %div3A_332 : vector<16xf32>
          %swap3A_375 = arith.index_cast %sub3A_369 : i32 to index
          %swap3A_376 = arith.constant 16 : index
          %swap3A_377 = tpu.vector_load %arg11[%swap3A_375, %swap3A_376] {strides = array<i32>} : memref<128x128xf32, #tpu.memory_space<vmem>>, vector<16xf32>,
          tpu.vector_store %arg11[%swap3A_375, %swap3A_376], %mul3A_374 {add = true, strides = array<i32>} : memref<128x128xf32, #tpu.memory_space<vmem>>, vector<16xf32>,
          %mul3A_378 = arith.mulf %get3A_246, %div3A_332 : vector<16xf32>
          %swap3A_379 = arith.index_cast %sub3A_369 : i32 to index
          %swap3A_380 = arith.constant 32 : index
          %swap3A_381 = tpu.vector_load %arg11[%swap3A_379, %swap3A_380] {strides = array<i32>} : memref<128x128xf32, #tpu.memory_space<vmem>>, vector<16xf32>,
          tpu.vector_store %arg11[%swap3A_379, %swap3A_380], %mul3A_378 {add = true, strides = array<i32>} : memref<128x128xf32, #tpu.memory_space<vmem>>, vector<16xf32>,
          %mul3A_382 = arith.mulf %get3A_249, %div3A_332 : vector<16xf32>
          %swap3A_383 = arith.index_cast %sub3A_369 : i32 to index
          %swap3A_384 = arith.constant 48 : index
          %swap3A_385 = tpu.vector_load %arg11[%swap3A_383, %swap3A_384] {strides = array<i32>} : memref<128x128xf32, #tpu.memory_space<vmem>>, vector<16xf32>,
          tpu.vector_store %arg11[%swap3A_383, %swap3A_384], %mul3A_382 {add = true, strides = array<i32>} : memref<128x128xf32, #tpu.memory_space<vmem>>, vector<16xf32>,
          %mul3A_386 = arith.mulf %get3A_252, %div3A_332 : vector<16xf32>
          %swap3A_387 = arith.index_cast %sub3A_369 : i32 to index
          %swap3A_388 = arith.constant 64 : index
          %swap3A_389 = tpu.vector_load %arg11[%swap3A_387, %swap3A_388] {strides = array<i32>} : memref<128x128xf32, #tpu.memory_space<vmem>>, vector<16xf32>,
          tpu.vector_store %arg11[%swap3A_387, %swap3A_388], %mul3A_386 {add = true, strides = array<i32>} : memref<128x128xf32, #tpu.memory_space<vmem>>, vector<16xf32>,
          %mul3A_390 = arith.mulf %get3A_255, %div3A_332 : vector<16xf32>
          %swap3A_391 = arith.index_cast %sub3A_369 : i32 to index
          %swap3A_392 = arith.constant 80 : index
          %swap3A_393 = tpu.vector_load %arg11[%swap3A_391, %swap3A_392] {strides = array<i32>} : memref<128x128xf32, #tpu.memory_space<vmem>>, vector<16xf32>,
          tpu.vector_store %arg11[%swap3A_391, %swap3A_392], %mul3A_390 {add = true, strides = array<i32>} : memref<128x128xf32, #tpu.memory_space<vmem>>, vector<16xf32>,
          %mul3A_394 = arith.mulf %get3A_258, %div3A_332 : vector<16xf32>
          %swap3A_395 = arith.index_cast %sub3A_369 : i32 to index
          %swap3A_396 = arith.constant 96 : index
          %swap3A_397 = tpu.vector_load %arg11[%swap3A_395, %swap3A_396] {strides = array<i32>} : memref<128x128xf32, #tpu.memory_space<vmem>>, vector<16xf32>,
          tpu.vector_store %arg11[%swap3A_395, %swap3A_396], %mul3A_394 {add = true, strides = array<i32>} : memref<128x128xf32, #tpu.memory_space<vmem>>, vector<16xf32>,
          %mul3A_398 = arith.mulf %get3A_261, %div3A_332 : vector<16xf32>
          %swap3A_399 = arith.index_cast %sub3A_369 : i32 to index
          %swap3A_400 = arith.constant 112 : index
          %swap3A_401 = tpu.vector_load %arg11[%swap3A_399, %swap3A_400] {strides = array<i32>} : memref<128x128xf32, #tpu.memory_space<vmem>>, vector<16xf32>,
          tpu.vector_store %arg11[%swap3A_399, %swap3A_400], %mul3A_398 {add = true, strides = array<i32>} : memref<128x128xf32, #tpu.memory_space<vmem>>, vector<16xf32>,
        }
        %while3A_197 = arith.constant 1 : i32
        scf.for %while3A_205 = %while3A_195 to %while3A_191 step %while3A_197  : i32 {
          %mul3A_206 = arith.constant 2 : i32
          %mul3A_207 = arith.muli %mul3A_206, %while3A_205 : i32
          %add3A_208 = arith.addi %max3A, %mul3A_207 : i32
          %sub3A_209 = arith.subi %add3A_208, %min3A_159 : i32
          %add3A_210 = arith.constant 1 : i32
          %add3A_211 = arith.addi %sub3A_209, %add3A_210 : i32
          %get3A_212 = arith.index_cast %sub3A_209 : i32 to index
          %get3A_213 = tpu.vector_load %arg10[%get3A_212] {strides = array<i32>} : memref<432xi32, #tpu.memory_space<vmem>>, vector<16xi32>,
          %get3A_214 = arith.index_cast %sub3A_209 : i32 to index
          %get3A_215 = arith.constant 0 : index
          %get3A_216 = tpu.vector_load %arg8[%get3A_214, %get3A_215] {strides = array<i32>} : memref<416x128xf32, #tpu.memory_space<vmem>>, vector<16xf32>,
          %get3A_217 = arith.index_cast %sub3A_209 : i32 to index
          %get3A_218 = arith.constant 16 : index
          %get3A_219 = tpu.vector_load %arg8[%get3A_217, %get3A_218] {strides = array<i32>} : memref<416x128xf32, #tpu.memory_space<vmem>>, vector<16xf32>,
          %get3A_220 = arith.index_cast %sub3A_209 : i32 to index
          %get3A_221 = arith.constant 32 : index
          %get3A_222 = tpu.vector_load %arg8[%get3A_220, %get3A_221] {strides = array<i32>} : memref<416x128xf32, #tpu.memory_space<vmem>>, vector<16xf32>,
          %get3A_223 = arith.index_cast %sub3A_209 : i32 to index
          %get3A_224 = arith.constant 48 : index
          %get3A_225 = tpu.vector_load %arg8[%get3A_223, %get3A_224] {strides = array<i32>} : memref<416x128xf32, #tpu.memory_space<vmem>>, vector<16xf32>,
          %get3A_226 = arith.index_cast %sub3A_209 : i32 to index
          %get3A_227 = arith.constant 64 : index
          %get3A_228 = tpu.vector_load %arg8[%get3A_226, %get3A_227] {strides = array<i32>} : memref<416x128xf32, #tpu.memory_space<vmem>>, vector<16xf32>,
          %get3A_229 = arith.index_cast %sub3A_209 : i32 to index
          %get3A_230 = arith.constant 80 : index
          %get3A_231 = tpu.vector_load %arg8[%get3A_229, %get3A_230] {strides = array<i32>} : memref<416x128xf32, #tpu.memory_space<vmem>>, vector<16xf32>,
          %get3A_232 = arith.index_cast %sub3A_209 : i32 to index
          %get3A_233 = arith.constant 96 : index
          %get3A_234 = tpu.vector_load %arg8[%get3A_232, %get3A_233] {strides = array<i32>} : memref<416x128xf32, #tpu.memory_space<vmem>>, vector<16xf32>,
          %get3A_235 = arith.index_cast %sub3A_209 : i32 to index
          %get3A_236 = arith.constant 112 : index
          %get3A_237 = tpu.vector_load %arg8[%get3A_235, %get3A_236] {strides = array<i32>} : memref<416x128xf32, #tpu.memory_space<vmem>>, vector<16xf32>,
          %get3A_238 = arith.index_cast %add3A_211 : i32 to index
          %get3A_239 = arith.constant 0 : index
          %get3A_240 = tpu.vector_load %arg8[%get3A_238, %get3A_239] {strides = array<i32>} : memref<416x128xf32, #tpu.memory_space<vmem>>, vector<16xf32>,
          %get3A_241 = arith.index_cast %add3A_211 : i32 to index
          %get3A_242 = arith.constant 16 : index
          %get3A_243 = tpu.vector_load %arg8[%get3A_241, %get3A_242] {strides = array<i32>} : memref<416x128xf32, #tpu.memory_space<vmem>>, vector<16xf32>,
          %get3A_244 = arith.index_cast %add3A_211 : i32 to index
          %get3A_245 = arith.constant 32 : index
          %get3A_246 = tpu.vector_load %arg8[%get3A_244, %get3A_245] {strides = array<i32>} : memref<416x128xf32, #tpu.memory_space<vmem>>, vector<16xf32>,
          %get3A_247 = arith.index_cast %add3A_211 : i32 to index
          %get3A_248 = arith.constant 48 : index
          %get3A_249 = tpu.vector_load %arg8[%get3A_247, %get3A_248] {strides = array<i32>} : memref<416x128xf32, #tpu.memory_space<vmem>>, vector<16xf32>,
          %get3A_250 = arith.index_cast %add3A_211 : i32 to index
          %get3A_251 = arith.constant 64 : index
          %get3A_252 = tpu.vector_load %arg8[%get3A_250, %get3A_251] {strides = array<i32>} : memref<416x128xf32, #tpu.memory_space<vmem>>, vector<16xf32>,
          %get3A_253 = arith.index_cast %add3A_211 : i32 to index
          %get3A_254 = arith.constant 80 : index
          %get3A_255 = tpu.vector_load %arg8[%get3A_253, %get3A_254] {strides = array<i32>} : memref<416x128xf32, #tpu.memory_space<vmem>>, vector<16xf32>,
          %get3A_256 = arith.index_cast %add3A_211 : i32 to index
          %get3A_257 = arith.constant 96 : index
          %get3A_258 = tpu.vector_load %arg8[%get3A_256, %get3A_257] {strides = array<i32>} : memref<416x128xf32, #tpu.memory_space<vmem>>, vector<16xf32>,
          %get3A_259 = arith.index_cast %add3A_211 : i32 to index
          %get3A_260 = arith.constant 112 : index
          %get3A_261 = tpu.vector_load %arg8[%get3A_259, %get3A_260] {strides = array<i32>} : memref<416x128xf32, #tpu.memory_space<vmem>>, vector<16xf32>,
          %mul3A_262 = arith.mulf %get3A_216, %get3A_3 : vector<16xf32>
          %mul3A_263 = arith.mulf %get3A_219, %get3A_5 : vector<16xf32>
          %add3A_264 = arith.addf %mul3A_262, %mul3A_263 : vector<16xf32>
          %mul3A_265 = arith.mulf %get3A_222, %get3A_7 : vector<16xf32>
          %add3A_266 = arith.addf %add3A_264, %mul3A_265 : vector<16xf32>
          %mul3A_267 = arith.mulf %get3A_225, %get3A_9 : vector<16xf32>
          %add3A_268 = arith.addf %add3A_266, %mul3A_267 : vector<16xf32>
          %mul3A_269 = arith.mulf %get3A_228, %get3A_11 : vector<16xf32>
          %add3A_270 = arith.addf %add3A_268, %mul3A_269 : vector<16xf32>
          %mul3A_271 = arith.mulf %get3A_231, %get3A_13 : vector<16xf32>
          %add3A_272 = arith.addf %add3A_270, %mul3A_271 : vector<16xf32>
          %mul3A_273 = arith.mulf %get3A_234, %get3A_15 : vector<16xf32>
          %add3A_274 = arith.addf %add3A_272, %mul3A_273 : vector<16xf32>
          %mul3A_275 = arith.mulf %get3A_237, %get3A_17 : vector<16xf32>
          %add3A_276 = arith.addf %add3A_274, %mul3A_275 : vector<16xf32>
          %rev3A = arith.constant 15 : i32
          %rev3A_277 = vector.broadcast %rev3A : i32 to vector<16xi32>
          %rev3A_278 = tpu.iota {dimensions = array<i32: 0>} : vector<16xi32>
          %rev3A_279 = arith.subi %rev3A_277, %rev3A_278 : vector<16xi32>
          %rev3A_280 = tpu.dynamic_gather %add3A_276[%rev3A_279] in [0] : vector<16xf32>, vector<16xi32> -> vector<16xf32>
          %add3A_281 = arith.addf %add3A_276, %rev3A_280 : vector<16xf32>
          %mul3A_282 = arith.mulf %get3A_240, %get3A_3 : vector<16xf32>
          %mul3A_283 = arith.mulf %get3A_243, %get3A_5 : vector<16xf32>
          %add3A_284 = arith.addf %mul3A_282, %mul3A_283 : vector<16xf32>
          %mul3A_285 = arith.mulf %get3A_246, %get3A_7 : vector<16xf32>
          %add3A_286 = arith.addf %add3A_284, %mul3A_285 : vector<16xf32>
          %mul3A_287 = arith.mulf %get3A_249, %get3A_9 : vector<16xf32>
          %add3A_288 = arith.addf %add3A_286, %mul3A_287 : vector<16xf32>
          %mul3A_289 = arith.mulf %get3A_252, %get3A_11 : vector<16xf32>
          %add3A_290 = arith.addf %add3A_288, %mul3A_289 : vector<16xf32>
          %mul3A_291 = arith.mulf %get3A_255, %get3A_13 : vector<16xf32>
          %add3A_292 = arith.addf %add3A_290, %mul3A_291 : vector<16xf32>
          %mul3A_293 = arith.mulf %get3A_258, %get3A_15 : vector<16xf32>
          %add3A_294 = arith.addf %add3A_292, %mul3A_293 : vector<16xf32>
          %mul3A_295 = arith.mulf %get3A_261, %get3A_17 : vector<16xf32>
          %add3A_296 = arith.addf %add3A_294, %mul3A_295 : vector<16xf32>
          %rev3A_297 = arith.constant 15 : i32
          %rev3A_298 = vector.broadcast %rev3A_297 : i32 to vector<16xi32>
          %rev3A_299 = tpu.iota {dimensions = array<i32: 0>} : vector<16xi32>
          %rev3A_300 = arith.subi %rev3A_298, %rev3A_299 : vector<16xi32>
          %rev3A_301 = tpu.dynamic_gather %add3A_296[%rev3A_300] in [0] : vector<16xf32>, vector<16xi32> -> vector<16xf32>
          %add3A_302 = arith.addf %add3A_296, %rev3A_301 : vector<16xf32>
          %select_n3A_303 = arith.select %lt3A_29, %add3A_281, %add3A_302 : vector<16xi1>, vector<16xf32>
          %broadcast_in_dim3A_304 = arith.constant true
          %broadcast_in_dim3A_305 = vector.broadcast %broadcast_in_dim3A_304 : i1 to vector<16xi1>
          %masked_cumsum3A = tpu.scan <sum>, %select_n3A_303 masked %broadcast_in_dim3A_305 : vector<16xf32>, vector<16xi1> -> vector<16xf32>
          %slice3A_306 = vector.extract_strided_slice %masked_cumsum3A {offsets = [7], sizes = [1], strides = [1]} : vector<16xf32> to vector<1xf32>
          %squeeze3A_307 = vector.extract %slice3A_306[0] : f32 from vector<1xf32>
          %slice3A_308 = vector.extract_strided_slice %masked_cumsum3A {offsets = [15], sizes = [1], strides = [1]} : vector<16xf32> to vector<1xf32>
          %squeeze3A_309 = vector.extract %slice3A_308[0] : f32 from vector<1xf32>
          %broadcast_in_dim3A_310 = vector.broadcast %squeeze3A_307 : f32 to vector<16xf32>
          %add3A_311 = arith.addf %broadcast_in_dim3A_310, %get3A_19 : vector<16xf32>
          %neg3A = arith.constant 0.000000e+00 : f32
          %neg3A_312 = vector.broadcast %neg3A : f32 to vector<16xf32>
          %neg3A_313 = arith.subf %neg3A_312, %add3A_311 : vector<16xf32>
          %exp3A = math.exp %neg3A_313 : vector<16xf32>
          %add3A_314 = arith.constant 1.000000e+00 : f32
          %add3A_315 = vector.broadcast %add3A_314 : f32 to vector<16xf32>
          %add3A_316 = arith.addf %add3A_315, %exp3A : vector<16xf32>
          %div3A_317 = arith.constant 1.000000e+00 : f32
          %div3A_318 = vector.broadcast %div3A_317 : f32 to vector<16xf32>
          %div3A_319 = arith.divf %div3A_318, %add3A_316 : vector<16xf32>
          %sub3A_320 = arith.subf %squeeze3A_309, %squeeze3A_307 : f32
          %broadcast_in_dim3A_321 = vector.broadcast %sub3A_320 : f32 to vector<16xf32>
          %add3A_322 = arith.addf %broadcast_in_dim3A_321, %get3A_19 : vector<16xf32>
          %neg3A_323 = arith.constant 0.000000e+00 : f32
          %neg3A_324 = vector.broadcast %neg3A_323 : f32 to vector<16xf32>
          %neg3A_325 = arith.subf %neg3A_324, %add3A_322 : vector<16xf32>
          %exp3A_326 = math.exp %neg3A_325 : vector<16xf32>
          %add3A_327 = arith.constant 1.000000e+00 : f32
          %add3A_328 = vector.broadcast %add3A_327 : f32 to vector<16xf32>
          %add3A_329 = arith.addf %add3A_328, %exp3A_326 : vector<16xf32>
          %div3A_330 = arith.constant 1.000000e+00 : f32
          %div3A_331 = vector.broadcast %div3A_330 : f32 to vector<16xf32>
          %div3A_332 = arith.divf %div3A_331, %add3A_329 : vector<16xf32>
          %slice3A_333 = vector.extract_strided_slice %get3A_213 {offsets = [0], sizes = [1], strides = [1]} : vector<16xi32> to vector<1xi32>
          %squeeze3A_334 = vector.extract %slice3A_333[0] : i32 from vector<1xi32>
          %sub3A_335 = arith.subi %squeeze3A_334, %mul3A_2 : i32
          %mul3A_336 = arith.mulf %get3A_216, %div3A_319 : vector<16xf32>
          %swap3A = arith.index_cast %sub3A_335 : i32 to index
          %swap3A_337 = arith.constant 0 : index
          %swap3A_338 = tpu.vector_load %arg11[%swap3A, %swap3A_337] {strides = array<i32>} : memref<128x128xf32, #tpu.memory_space<vmem>>, vector<16xf32>,
          tpu.vector_store %arg11[%swap3A, %swap3A_337], %mul3A_336 {add = true, strides = array<i32>} : memref<128x128xf32, #tpu.memory_space<vmem>>, vector<16xf32>,
          %mul3A_339 = arith.mulf %get3A_219, %div3A_319 : vector<16xf32>
          %swap3A_340 = arith.index_cast %sub3A_335 : i32 to index
          %swap3A_341 = arith.constant 16 : index
          %swap3A_342 = tpu.vector_load %arg11[%swap3A_340, %swap3A_341] {strides = array<i32>} : memref<128x128xf32, #tpu.memory_space<vmem>>, vector<16xf32>,
          tpu.vector_store %arg11[%swap3A_340, %swap3A_341], %mul3A_339 {add = true, strides = array<i32>} : memref<128x128xf32, #tpu.memory_space<vmem>>, vector<16xf32>,
          %mul3A_343 = arith.mulf %get3A_222, %div3A_319 : vector<16xf32>
          %swap3A_344 = arith.index_cast %sub3A_335 : i32 to index
          %swap3A_345 = arith.constant 32 : index
          %swap3A_346 = tpu.vector_load %arg11[%swap3A_344, %swap3A_345] {strides = array<i32>} : memref<128x128xf32, #tpu.memory_space<vmem>>, vector<16xf32>,
          tpu.vector_store %arg11[%swap3A_344, %swap3A_345], %mul3A_343 {add = true, strides = array<i32>} : memref<128x128xf32, #tpu.memory_space<vmem>>, vector<16xf32>,
          %mul3A_347 = arith.mulf %get3A_225, %div3A_319 : vector<16xf32>
          %swap3A_348 = arith.index_cast %sub3A_335 : i32 to index
          %swap3A_349 = arith.constant 48 : index
          %swap3A_350 = tpu.vector_load %arg11[%swap3A_348, %swap3A_349] {strides = array<i32>} : memref<128x128xf32, #tpu.memory_space<vmem>>, vector<16xf32>,
          tpu.vector_store %arg11[%swap3A_348, %swap3A_349], %mul3A_347 {add = true, strides = array<i32>} : memref<128x128xf32, #tpu.memory_space<vmem>>, vector<16xf32>,
          %mul3A_351 = arith.mulf %get3A_228, %div3A_319 : vector<16xf32>
          %swap3A_352 = arith.index_cast %sub3A_335 : i32 to index
          %swap3A_353 = arith.constant 64 : index
          %swap3A_354 = tpu.vector_load %arg11[%swap3A_352, %swap3A_353] {strides = array<i32>} : memref<128x128xf32, #tpu.memory_space<vmem>>, vector<16xf32>,
          tpu.vector_store %arg11[%swap3A_352, %swap3A_353], %mul3A_351 {add = true, strides = array<i32>} : memref<128x128xf32, #tpu.memory_space<vmem>>, vector<16xf32>,
          %mul3A_355 = arith.mulf %get3A_231, %div3A_319 : vector<16xf32>
          %swap3A_356 = arith.index_cast %sub3A_335 : i32 to index
          %swap3A_357 = arith.constant 80 : index
          %swap3A_358 = tpu.vector_load %arg11[%swap3A_356, %swap3A_357] {strides = array<i32>} : memref<128x128xf32, #tpu.memory_space<vmem>>, vector<16xf32>,
          tpu.vector_store %arg11[%swap3A_356, %swap3A_357], %mul3A_355 {add = true, strides = array<i32>} : memref<128x128xf32, #tpu.memory_space<vmem>>, vector<16xf32>,
          %mul3A_359 = arith.mulf %get3A_234, %div3A_319 : vector<16xf32>
          %swap3A_360 = arith.index_cast %sub3A_335 : i32 to index
          %swap3A_361 = arith.constant 96 : index
          %swap3A_362 = tpu.vector_load %arg11[%swap3A_360, %swap3A_361] {strides = array<i32>} : memref<128x128xf32, #tpu.memory_space<vmem>>, vector<16xf32>,
          tpu.vector_store %arg11[%swap3A_360, %swap3A_361], %mul3A_359 {add = true, strides = array<i32>} : memref<128x128xf32, #tpu.memory_space<vmem>>, vector<16xf32>,
          %mul3A_363 = arith.mulf %get3A_237, %div3A_319 : vector<16xf32>
          %swap3A_364 = arith.index_cast %sub3A_335 : i32 to index
          %swap3A_365 = arith.constant 112 : index
          %swap3A_366 = tpu.vector_load %arg11[%swap3A_364, %swap3A_365] {strides = array<i32>} : memref<128x128xf32, #tpu.memory_space<vmem>>, vector<16xf32>,
          tpu.vector_store %arg11[%swap3A_364, %swap3A_365], %mul3A_363 {add = true, strides = array<i32>} : memref<128x128xf32, #tpu.memory_space<vmem>>, vector<16xf32>,
          %slice3A_367 = vector.extract_strided_slice %get3A_213 {offsets = [1], sizes = [1], strides = [1]} : vector<16xi32> to vector<1xi32>
          %squeeze3A_368 = vector.extract %slice3A_367[0] : i32 from vector<1xi32>
          %sub3A_369 = arith.subi %squeeze3A_368, %mul3A_2 : i32
          %mul3A_370 = arith.mulf %get3A_240, %div3A_332 : vector<16xf32>
          %swap3A_371 = arith.index_cast %sub3A_369 : i32 to index
          %swap3A_372 = arith.constant 0 : index
          %swap3A_373 = tpu.vector_load %arg11[%swap3A_371, %swap3A_372] {strides = array<i32>} : memref<128x128xf32, #tpu.memory_space<vmem>>, vector<16xf32>,
          tpu.vector_store %arg11[%swap3A_371, %swap3A_372], %mul3A_370 {add = true, strides = array<i32>} : memref<128x128xf32, #tpu.memory_space<vmem>>, vector<16xf32>,
          %mul3A_374 = arith.mulf %get3A_243, %div3A_332 : vector<16xf32>
          %swap3A_375 = arith.index_cast %sub3A_369 : i32 to index
          %swap3A_376 = arith.constant 16 : index
          %swap3A_377 = tpu.vector_load %arg11[%swap3A_375, %swap3A_376] {strides = array<i32>} : memref<128x128xf32, #tpu.memory_space<vmem>>, vector<16xf32>,
          tpu.vector_store %arg11[%swap3A_375, %swap3A_376], %mul3A_374 {add = true, strides = array<i32>} : memref<128x128xf32, #tpu.memory_space<vmem>>, vector<16xf32>,
          %mul3A_378 = arith.mulf %get3A_246, %div3A_332 : vector<16xf32>
          %swap3A_379 = arith.index_cast %sub3A_369 : i32 to index
          %swap3A_380 = arith.constant 32 : index
          %swap3A_381 = tpu.vector_load %arg11[%swap3A_379, %swap3A_380] {strides = array<i32>} : memref<128x128xf32, #tpu.memory_space<vmem>>, vector<16xf32>,
          tpu.vector_store %arg11[%swap3A_379, %swap3A_380], %mul3A_378 {add = true, strides = array<i32>} : memref<128x128xf32, #tpu.memory_space<vmem>>, vector<16xf32>,
          %mul3A_382 = arith.mulf %get3A_249, %div3A_332 : vector<16xf32>
          %swap3A_383 = arith.index_cast %sub3A_369 : i32 to index
          %swap3A_384 = arith.constant 48 : index
          %swap3A_385 = tpu.vector_load %arg11[%swap3A_383, %swap3A_384] {strides = array<i32>} : memref<128x128xf32, #tpu.memory_space<vmem>>, vector<16xf32>,
          tpu.vector_store %arg11[%swap3A_383, %swap3A_384], %mul3A_382 {add = true, strides = array<i32>} : memref<128x128xf32, #tpu.memory_space<vmem>>, vector<16xf32>,
          %mul3A_386 = arith.mulf %get3A_252, %div3A_332 : vector<16xf32>
          %swap3A_387 = arith.index_cast %sub3A_369 : i32 to index
          %swap3A_388 = arith.constant 64 : index
          %swap3A_389 = tpu.vector_load %arg11[%swap3A_387, %swap3A_388] {strides = array<i32>} : memref<128x128xf32, #tpu.memory_space<vmem>>, vector<16xf32>,
          tpu.vector_store %arg11[%swap3A_387, %swap3A_388], %mul3A_386 {add = true, strides = array<i32>} : memref<128x128xf32, #tpu.memory_space<vmem>>, vector<16xf32>,
          %mul3A_390 = arith.mulf %get3A_255, %div3A_332 : vector<16xf32>
          %swap3A_391 = arith.index_cast %sub3A_369 : i32 to index
          %swap3A_392 = arith.constant 80 : index
          %swap3A_393 = tpu.vector_load %arg11[%swap3A_391, %swap3A_392] {strides = array<i32>} : memref<128x128xf32, #tpu.memory_space<vmem>>, vector<16xf32>,
          tpu.vector_store %arg11[%swap3A_391, %swap3A_392], %mul3A_390 {add = true, strides = array<i32>} : memref<128x128xf32, #tpu.memory_space<vmem>>, vector<16xf32>,
          %mul3A_394 = arith.mulf %get3A_258, %div3A_332 : vector<16xf32>
          %swap3A_395 = arith.index_cast %sub3A_369 : i32 to index
          %swap3A_396 = arith.constant 96 : index
          %swap3A_397 = tpu.vector_load %arg11[%swap3A_395, %swap3A_396] {strides = array<i32>} : memref<128x128xf32, #tpu.memory_space<vmem>>, vector<16xf32>,
          tpu.vector_store %arg11[%swap3A_395, %swap3A_396], %mul3A_394 {add = true, strides = array<i32>} : memref<128x128xf32, #tpu.memory_space<vmem>>, vector<16xf32>,
          %mul3A_398 = arith.mulf %get3A_261, %div3A_332 : vector<16xf32>
          %swap3A_399 = arith.index_cast %sub3A_369 : i32 to index
          %swap3A_400 = arith.constant 112 : index
          %swap3A_401 = tpu.vector_load %arg11[%swap3A_399, %swap3A_400] {strides = array<i32>} : memref<128x128xf32, #tpu.memory_space<vmem>>, vector<16xf32>,
          tpu.vector_store %arg11[%swap3A_399, %swap3A_400], %mul3A_398 {add = true, strides = array<i32>} : memref<128x128xf32, #tpu.memory_space<vmem>>, vector<16xf32>,
        }
        %mul3A_198 = arith.constant 2 : i32
        %mul3A_199 = arith.muli %mul3A_198, %select_n3A_187 : i32
        %add3A_200 = arith.addi %max3A, %mul3A_199 : i32
        %lt3A_201 = arith.cmpi slt, %add3A_200, %min3A_162 : i32
        %convert_element_type3A_202 = arith.extui %lt3A_201 : i1 to i32
        %cond3A_203 = arith.constant 0 : i32
        %cond3A_204 = arith.cmpi ne, %convert_element_type3A_202, %cond3A_203 : i32
        scf.if %cond3A_204 {
          %mul3A_205 = arith.constant 2 : i32
          %mul3A_206 = arith.muli %mul3A_205, %select_n3A_187 : i32
          %add3A_207 = arith.addi %max3A, %mul3A_206 : i32
          %sub3A_208 = arith.subi %add3A_207, %min3A_159 : i32
          %get3A_209 = arith.index_cast %sub3A_208 : i32 to index
          %get3A_210 = arith.constant 0 : index
          %get3A_211 = tpu.vector_load %arg8[%get3A_209, %get3A_210] {strides = array<i32>} : memref<416x128xf32, #tpu.memory_space<vmem>>, vector<16xf32>,
          %get3A_212 = arith.index_cast %sub3A_208 : i32 to index
          %get3A_213 = arith.constant 16 : index
          %get3A_214 = tpu.vector_load %arg8[%get3A_212, %get3A_213] {strides = array<i32>} : memref<416x128xf32, #tpu.memory_space<vmem>>, vector<16xf32>,
          %get3A_215 = arith.index_cast %sub3A_208 : i32 to index
          %get3A_216 = arith.constant 32 : index
          %get3A_217 = tpu.vector_load %arg8[%get3A_215, %get3A_216] {strides = array<i32>} : memref<416x128xf32, #tpu.memory_space<vmem>>, vector<16xf32>,
          %get3A_218 = arith.index_cast %sub3A_208 : i32 to index
          %get3A_219 = arith.constant 48 : index
          %get3A_220 = tpu.vector_load %arg8[%get3A_218, %get3A_219] {strides = array<i32>} : memref<416x128xf32, #tpu.memory_space<vmem>>, vector<16xf32>,
          %get3A_221 = arith.index_cast %sub3A_208 : i32 to index
          %get3A_222 = arith.constant 64 : index
          %get3A_223 = tpu.vector_load %arg8[%get3A_221, %get3A_222] {strides = array<i32>} : memref<416x128xf32, #tpu.memory_space<vmem>>, vector<16xf32>,
          %get3A_224 = arith.index_cast %sub3A_208 : i32 to index
          %get3A_225 = arith.constant 80 : index
          %get3A_226 = tpu.vector_load %arg8[%get3A_224, %get3A_225] {strides = array<i32>} : memref<416x128xf32, #tpu.memory_space<vmem>>, vector<16xf32>,
          %get3A_227 = arith.index_cast %sub3A_208 : i32 to index
          %get3A_228 = arith.constant 96 : index
          %get3A_229 = tpu.vector_load %arg8[%get3A_227, %get3A_228] {strides = array<i32>} : memref<416x128xf32, #tpu.memory_space<vmem>>, vector<16xf32>,
          %get3A_230 = arith.index_cast %sub3A_208 : i32 to index
          %get3A_231 = arith.constant 112 : index
          %get3A_232 = tpu.vector_load %arg8[%get3A_230, %get3A_231] {strides = array<i32>} : memref<416x128xf32, #tpu.memory_space<vmem>>, vector<16xf32>,
          %mul3A_233 = arith.mulf %get3A_211, %get3A_3 : vector<16xf32>
          %mul3A_234 = arith.mulf %get3A_214, %get3A_5 : vector<16xf32>
          %add3A_235 = arith.addf %mul3A_233, %mul3A_234 : vector<16xf32>
          %mul3A_236 = arith.mulf %get3A_217, %get3A_7 : vector<16xf32>
          %add3A_237 = arith.addf %add3A_235, %mul3A_236 : vector<16xf32>
          %mul3A_238 = arith.mulf %get3A_220, %get3A_9 : vector<16xf32>
          %add3A_239 = arith.addf %add3A_237, %mul3A_238 : vector<16xf32>
          %mul3A_240 = arith.mulf %get3A_223, %get3A_11 : vector<16xf32>
          %add3A_241 = arith.addf %add3A_239, %mul3A_240 : vector<16xf32>
          %mul3A_242 = arith.mulf %get3A_226, %get3A_13 : vector<16xf32>
          %add3A_243 = arith.addf %add3A_241, %mul3A_242 : vector<16xf32>
          %mul3A_244 = arith.mulf %get3A_229, %get3A_15 : vector<16xf32>
          %add3A_245 = arith.addf %add3A_243, %mul3A_244 : vector<16xf32>
          %mul3A_246 = arith.mulf %get3A_232, %get3A_17 : vector<16xf32>
          %add3A_247 = arith.addf %add3A_245, %mul3A_246 : vector<16xf32>
          %rev3A = arith.constant 15 : i32
          %rev3A_248 = vector.broadcast %rev3A : i32 to vector<16xi32>
          %rev3A_249 = tpu.iota {dimensions = array<i32: 0>} : vector<16xi32>
          %rev3A_250 = arith.subi %rev3A_248, %rev3A_249 : vector<16xi32>
          %rev3A_251 = tpu.dynamic_gather %add3A_247[%rev3A_250] in [0] : vector<16xf32>, vector<16xi32> -> vector<16xf32>
          %add3A_252 = arith.addf %add3A_247, %rev3A_251 : vector<16xf32>
          %broadcast_in_dim3A_253 = arith.constant true
          %broadcast_in_dim3A_254 = vector.broadcast %broadcast_in_dim3A_253 : i1 to vector<16xi1>
          %masked_cumsum3A = tpu.scan <sum>, %add3A_252 masked %broadcast_in_dim3A_254 : vector<16xf32>, vector<16xi1> -> vector<16xf32>
          %slice3A_255 = vector.extract_strided_slice %masked_cumsum3A {offsets = [7], sizes = [1], strides = [1]} : vector<16xf32> to vector<1xf32>
          %squeeze3A_256 = vector.extract %slice3A_255[0] : f32 from vector<1xf32>
          %broadcast_in_dim3A_257 = vector.broadcast %squeeze3A_256 : f32 to vector<16xf32>
          %add3A_258 = arith.addf %broadcast_in_dim3A_257, %get3A_19 : vector<16xf32>
          %neg3A = arith.constant 0.000000e+00 : f32
          %neg3A_259 = vector.broadcast %neg3A : f32 to vector<16xf32>
          %neg3A_260 = arith.subf %neg3A_259, %add3A_258 : vector<16xf32>
          %exp3A = math.exp %neg3A_260 : vector<16xf32>
          %add3A_261 = arith.constant 1.000000e+00 : f32
          %add3A_262 = vector.broadcast %add3A_261 : f32 to vector<16xf32>
          %add3A_263 = arith.addf %add3A_262, %exp3A : vector<16xf32>
          %div3A_264 = arith.constant 1.000000e+00 : f32
          %div3A_265 = vector.broadcast %div3A_264 : f32 to vector<16xf32>
          %div3A_266 = arith.divf %div3A_265, %add3A_263 : vector<16xf32>
          %get3A_267 = arith.index_cast %sub3A_208 : i32 to index
          %get3A_268 = tpu.vector_load %arg10[%get3A_267] {strides = array<i32>} : memref<432xi32, #tpu.memory_space<vmem>>, vector<16xi32>,
          %slice3A_269 = vector.extract_strided_slice %get3A_268 {offsets = [0], sizes = [1], strides = [1]} : vector<16xi32> to vector<1xi32>
          %squeeze3A_270 = vector.extract %slice3A_269[0] : i32 from vector<1xi32>
          %sub3A_271 = arith.subi %squeeze3A_270, %mul3A_2 : i32
          %mul3A_272 = arith.mulf %get3A_211, %div3A_266 : vector<16xf32>
          %swap3A = arith.index_cast %sub3A_271 : i32 to index
          %swap3A_273 = arith.constant 0 : index
          %swap3A_274 = tpu.vector_load %arg11[%swap3A, %swap3A_273] {strides = array<i32>} : memref<128x128xf32, #tpu.memory_space<vmem>>, vector<16xf32>,
          tpu.vector_store %arg11[%swap3A, %swap3A_273], %mul3A_272 {add = true, strides = array<i32>} : memref<128x128xf32, #tpu.memory_space<vmem>>, vector<16xf32>,
          %mul3A_275 = arith.mulf %get3A_214, %div3A_266 : vector<16xf32>
          %swap3A_276 = arith.index_cast %sub3A_271 : i32 to index
          %swap3A_277 = arith.constant 16 : index
          %swap3A_278 = tpu.vector_load %arg11[%swap3A_276, %swap3A_277] {strides = array<i32>} : memref<128x128xf32, #tpu.memory_space<vmem>>, vector<16xf32>,
          tpu.vector_store %arg11[%swap3A_276, %swap3A_277], %mul3A_275 {add = true, strides = array<i32>} : memref<128x128xf32, #tpu.memory_space<vmem>>, vector<16xf32>,
          %mul3A_279 = arith.mulf %get3A_217, %div3A_266 : vector<16xf32>
          %swap3A_280 = arith.index_cast %sub3A_271 : i32 to index
          %swap3A_281 = arith.constant 32 : index
          %swap3A_282 = tpu.vector_load %arg11[%swap3A_280, %swap3A_281] {strides = array<i32>} : memref<128x128xf32, #tpu.memory_space<vmem>>, vector<16xf32>,
          tpu.vector_store %arg11[%swap3A_280, %swap3A_281], %mul3A_279 {add = true, strides = array<i32>} : memref<128x128xf32, #tpu.memory_space<vmem>>, vector<16xf32>,
          %mul3A_283 = arith.mulf %get3A_220, %div3A_266 : vector<16xf32>
          %swap3A_284 = arith.index_cast %sub3A_271 : i32 to index
          %swap3A_285 = arith.constant 48 : index
          %swap3A_286 = tpu.vector_load %arg11[%swap3A_284, %swap3A_285] {strides = array<i32>} : memref<128x128xf32, #tpu.memory_space<vmem>>, vector<16xf32>,
          tpu.vector_store %arg11[%swap3A_284, %swap3A_285], %mul3A_283 {add = true, strides = array<i32>} : memref<128x128xf32, #tpu.memory_space<vmem>>, vector<16xf32>,
          %mul3A_287 = arith.mulf %get3A_223, %div3A_266 : vector<16xf32>
          %swap3A_288 = arith.index_cast %sub3A_271 : i32 to index
          %swap3A_289 = arith.constant 64 : index
          %swap3A_290 = tpu.vector_load %arg11[%swap3A_288, %swap3A_289] {strides = array<i32>} : memref<128x128xf32, #tpu.memory_space<vmem>>, vector<16xf32>,
          tpu.vector_store %arg11[%swap3A_288, %swap3A_289], %mul3A_287 {add = true, strides = array<i32>} : memref<128x128xf32, #tpu.memory_space<vmem>>, vector<16xf32>,
          %mul3A_291 = arith.mulf %get3A_226, %div3A_266 : vector<16xf32>
          %swap3A_292 = arith.index_cast %sub3A_271 : i32 to index
          %swap3A_293 = arith.constant 80 : index
          %swap3A_294 = tpu.vector_load %arg11[%swap3A_292, %swap3A_293] {strides = array<i32>} : memref<128x128xf32, #tpu.memory_space<vmem>>, vector<16xf32>,
          tpu.vector_store %arg11[%swap3A_292, %swap3A_293], %mul3A_291 {add = true, strides = array<i32>} : memref<128x128xf32, #tpu.memory_space<vmem>>, vector<16xf32>,
          %mul3A_295 = arith.mulf %get3A_229, %div3A_266 : vector<16xf32>
          %swap3A_296 = arith.index_cast %sub3A_271 : i32 to index
          %swap3A_297 = arith.constant 96 : index
          %swap3A_298 = tpu.vector_load %arg11[%swap3A_296, %swap3A_297] {strides = array<i32>} : memref<128x128xf32, #tpu.memory_space<vmem>>, vector<16xf32>,
          tpu.vector_store %arg11[%swap3A_296, %swap3A_297], %mul3A_295 {add = true, strides = array<i32>} : memref<128x128xf32, #tpu.memory_space<vmem>>, vector<16xf32>,
          %mul3A_299 = arith.mulf %get3A_232, %div3A_266 : vector<16xf32>
          %swap3A_300 = arith.index_cast %sub3A_271 : i32 to index
          %swap3A_301 = arith.constant 112 : index
          %swap3A_302 = tpu.vector_load %arg11[%swap3A_300, %swap3A_301] {strides = array<i32>} : memref<128x128xf32, #tpu.memory_space<vmem>>, vector<16xf32>,
          tpu.vector_store %arg11[%swap3A_300, %swap3A_301], %mul3A_299 {add = true, strides = array<i32>} : memref<128x128xf32, #tpu.memory_space<vmem>>, vector<16xf32>,
        } else {
        }
      } else {
      }
    }
    %while3A_119 = arith.constant 1 : i32
    scf.for %while3A_120 = %while3A_117 to %while3A_113 step %while3A_119  : i32 {
      %mul3A_121 = arith.constant 2 : i32
      %mul3A_122 = arith.muli %mul3A_121, %while3A_120 : i32
      %add3A_123 = arith.constant 1 : i32
      %add3A_124 = arith.addi %mul3A_122, %add3A_123 : i32
      %lt3A_125 = arith.cmpi slt, %mul3A_122, %select_n3A_82 : i32
      %convert_element_type3A_126 = arith.extui %lt3A_125 : i1 to i32
      %cond3A_127 = arith.constant 0 : i32
      %cond3A_128 = arith.cmpi ne, %convert_element_type3A_126, %cond3A_127 : i32
      scf.if %cond3A_128 {
        %mul3A_133 = arith.constant 416 : i32
        %mul3A_134 = arith.muli %mul3A_122, %mul3A_133 : i32
        %add3A_135 = arith.addi %mul3A_53, %mul3A_134 : i32
        %min3A = arith.constant 99584 : i32
        %min3A_136 = arith.minsi %add3A_135, %min3A : i32
        %dma_wait3A = arith.constant 0 : i32
        %dma_wait3A_137 = tpu.memref_slice %arg2[%min3A_136, %dma_wait3A] : memref<100000x128xf32, #tpu.memory_space<hbm>> -> memref<416x128xf32, #tpu.memory_space<hbm>>
        %dma_wait3A_138 = arith.constant 0 : i32
        %dma_wait3A_139 = tpu.memref_slice %arg2[%min3A_136, %dma_wait3A_138] : memref<100000x128xf32, #tpu.memory_space<hbm>> -> memref<416x128xf32, #tpu.memory_space<hbm>>
        tpu.wait_dma2 semaphore(%arg14 : memref<!tpu.dma_semaphore, #tpu.memory_space<semaphore_mem>>) src(%dma_wait3A_139 : memref<416x128xf32, #tpu.memory_space<hbm>>) dst(%arg7 : memref<416x128xf32, #tpu.memory_space<vmem>>)
        %dma_wait3A_140 = arith.constant 0 : i32
        %dma_wait3A_141 = tpu.memref_slice %arg9[%dma_wait3A_140] : memref<432xi32, #tpu.memory_space<vmem>> -> memref<416xi32, #tpu.memory_space<vmem>>
        %dma_wait3A_142 = tpu.memref_slice %arg3[%min3A_136] : memref<100000xi32, #tpu.memory_space<hbm>> -> memref<416xi32, #tpu.memory_space<hbm>>
        %dma_wait3A_143 = arith.constant 0 : i32
        %dma_wait3A_144 = tpu.memref_slice %arg9[%dma_wait3A_143] : memref<432xi32, #tpu.memory_space<vmem>> -> memref<416xi32, #tpu.memory_space<vmem>>
        %dma_wait3A_145 = tpu.memref_slice %arg3[%min3A_136] : memref<100000xi32, #tpu.memory_space<hbm>> -> memref<416xi32, #tpu.memory_space<hbm>>
        tpu.wait_dma2 semaphore(%arg16 : memref<!tpu.dma_semaphore, #tpu.memory_space<semaphore_mem>>) src(%dma_wait3A_145 : memref<416xi32, #tpu.memory_space<hbm>>) dst(%dma_wait3A_144 : memref<416xi32, #tpu.memory_space<vmem>>)
        %lt3A_146 = arith.cmpi slt, %add3A_124, %select_n3A_82 : i32
        %convert_element_type3A_147 = arith.extui %lt3A_146 : i1 to i32
        %cond3A_148 = arith.constant 0 : i32
        %cond3A_149 = arith.cmpi ne, %convert_element_type3A_147, %cond3A_148 : i32
        scf.if %cond3A_149 {
          %mul3A_203 = arith.constant 416 : i32
          %mul3A_204 = arith.muli %add3A_124, %mul3A_203 : i32
          %add3A_205 = arith.addi %mul3A_53, %mul3A_204 : i32
          %min3A_206 = arith.constant 99584 : i32
          %min3A_207 = arith.minsi %add3A_205, %min3A_206 : i32
          %dma_start3A = arith.constant 0 : i32
          %dma_start3A_208 = tpu.memref_slice %arg2[%min3A_207, %dma_start3A] : memref<100000x128xf32, #tpu.memory_space<hbm>> -> memref<416x128xf32, #tpu.memory_space<hbm>>
          %dma_start3A_209 = arith.constant 0 : i32
          %dma_start3A_210 = tpu.memref_slice %arg2[%min3A_207, %dma_start3A_209] : memref<100000x128xf32, #tpu.memory_space<hbm>> -> memref<416x128xf32, #tpu.memory_space<hbm>>
          tpu.enqueue_dma source(%dma_start3A_210 : memref<416x128xf32, #tpu.memory_space<hbm>>) target(%arg8 : memref<416x128xf32, #tpu.memory_space<vmem>>) target_semaphore(%arg15 : memref<!tpu.dma_semaphore, #tpu.memory_space<semaphore_mem>>)
          %dma_start3A_211 = arith.constant 0 : i32
          %dma_start3A_212 = tpu.memref_slice %arg10[%dma_start3A_211] : memref<432xi32, #tpu.memory_space<vmem>> -> memref<416xi32, #tpu.memory_space<vmem>>
          %dma_start3A_213 = tpu.memref_slice %arg3[%min3A_207] : memref<100000xi32, #tpu.memory_space<hbm>> -> memref<416xi32, #tpu.memory_space<hbm>>
          %dma_start3A_214 = arith.constant 0 : i32
          %dma_start3A_215 = tpu.memref_slice %arg10[%dma_start3A_214] : memref<432xi32, #tpu.memory_space<vmem>> -> memref<416xi32, #tpu.memory_space<vmem>>
          %dma_start3A_216 = tpu.memref_slice %arg3[%min3A_207] : memref<100000xi32, #tpu.memory_space<hbm>> -> memref<416xi32, #tpu.memory_space<hbm>>
          tpu.enqueue_dma source(%dma_start3A_216 : memref<416xi32, #tpu.memory_space<hbm>>) target(%dma_start3A_215 : memref<416xi32, #tpu.memory_space<vmem>>) target_semaphore(%arg17 : memref<!tpu.dma_semaphore, #tpu.memory_space<semaphore_mem>>)
        } else {
        }
        %mul3A_150 = arith.constant 416 : i32
        %mul3A_151 = arith.muli %mul3A_122, %mul3A_150 : i32
        %add3A_152 = arith.addi %mul3A_53, %mul3A_151 : i32
        %mul3A_153 = arith.constant 416 : i32
        %mul3A_154 = arith.muli %mul3A_122, %mul3A_153 : i32
        %add3A_155 = arith.addi %mul3A_53, %mul3A_154 : i32
        %min3A_156 = arith.constant 99584 : i32
        %min3A_157 = arith.minsi %add3A_155, %min3A_156 : i32
        %max3A = arith.maxsi %squeeze3A, %add3A_152 : i32
        %add3A_158 = arith.constant 416 : i32
        %add3A_159 = arith.addi %add3A_152, %add3A_158 : i32
        %min3A_160 = arith.minsi %squeeze3A_27, %add3A_159 : i32
        %sub3A_161 = arith.subi %min3A_160, %max3A : i32
        %jit3A_162 = arith.constant 2 : i32
        %div3A_163 = arith.divsi %sub3A_161, %jit3A_162 : i32
        %sign3A_164 = arith.constant 0 : i32
        %sign3A_165 = arith.cmpi sgt, %sub3A_161, %sign3A_164 : i32
        %sign3A_166 = arith.extui %sign3A_165 : i1 to i32
        %sign3A_167 = arith.constant 0 : i32
        %sign3A_168 = arith.cmpi slt, %sub3A_161, %sign3A_167 : i32
        %sign3A_169 = arith.extui %sign3A_168 : i1 to i32
        %sign3A_170 = arith.subi %sign3A_166, %sign3A_169 : i32
        %sign3A_171 = arith.constant 0 : i32
        %sign3A_172 = arith.cmpi sgt, %jit3A_162, %sign3A_171 : i32
        %sign3A_173 = arith.extui %sign3A_172 : i1 to i32
        %sign3A_174 = arith.constant 0 : i32
        %sign3A_175 = arith.cmpi slt, %jit3A_162, %sign3A_174 : i32
        %sign3A_176 = arith.extui %sign3A_175 : i1 to i32
        %sign3A_177 = arith.subi %sign3A_173, %sign3A_176 : i32
        %ne3A_178 = arith.cmpi ne, %sign3A_170, %sign3A_177 : i32
        %rem3A_179 = arith.remsi %sub3A_161, %jit3A_162 : i32
        %ne3A_180 = arith.constant 0 : i32
        %ne3A_181 = arith.cmpi ne, %rem3A_179, %ne3A_180 : i32
        %and3A_182 = arith.andi %ne3A_178, %ne3A_181 : i1
        %sub3A_183 = arith.constant 1 : i32
        %sub3A_184 = arith.subi %div3A_163, %sub3A_183 : i32
        %select_n3A_185 = arith.select %and3A_182, %sub3A_184, %div3A_163 : i32
        %while3A_186 = arith.constant 0 : i32
        %while3A_187 = arith.constant 0 : i32
        %while3A_188 = arith.subi %select_n3A_185, %while3A_187 : i32
        %while3A_189 = arith.addi %while3A_187, %while3A_188 : i32
        %while3A_190 = arith.constant 1 : i32
        %while3A_191 = arith.divsi %while3A_188, %while3A_190 : i32
        %while3A_192 = arith.muli %while3A_191, %while3A_190 : i32
        %while3A_193 = arith.addi %while3A_187, %while3A_192 : i32
        %while3A_194 = arith.constant 1 : i32
        scf.for %while3A_203 = %while3A_187 to %while3A_193 step %while3A_194  : i32 {
          %mul3A_204 = arith.constant 2 : i32
          %mul3A_205 = arith.muli %mul3A_204, %while3A_203 : i32
          %add3A_206 = arith.addi %max3A, %mul3A_205 : i32
          %sub3A_207 = arith.subi %add3A_206, %min3A_157 : i32
          %add3A_208 = arith.constant 1 : i32
          %add3A_209 = arith.addi %sub3A_207, %add3A_208 : i32
          %get3A_210 = arith.index_cast %sub3A_207 : i32 to index
          %get3A_211 = tpu.vector_load %arg9[%get3A_210] {strides = array<i32>} : memref<432xi32, #tpu.memory_space<vmem>>, vector<16xi32>,
          %get3A_212 = arith.index_cast %sub3A_207 : i32 to index
          %get3A_213 = arith.constant 0 : index
          %get3A_214 = tpu.vector_load %arg7[%get3A_212, %get3A_213] {strides = array<i32>} : memref<416x128xf32, #tpu.memory_space<vmem>>, vector<16xf32>,
          %get3A_215 = arith.index_cast %sub3A_207 : i32 to index
          %get3A_216 = arith.constant 16 : index
          %get3A_217 = tpu.vector_load %arg7[%get3A_215, %get3A_216] {strides = array<i32>} : memref<416x128xf32, #tpu.memory_space<vmem>>, vector<16xf32>,
          %get3A_218 = arith.index_cast %sub3A_207 : i32 to index
          %get3A_219 = arith.constant 32 : index
          %get3A_220 = tpu.vector_load %arg7[%get3A_218, %get3A_219] {strides = array<i32>} : memref<416x128xf32, #tpu.memory_space<vmem>>, vector<16xf32>,
          %get3A_221 = arith.index_cast %sub3A_207 : i32 to index
          %get3A_222 = arith.constant 48 : index
          %get3A_223 = tpu.vector_load %arg7[%get3A_221, %get3A_222] {strides = array<i32>} : memref<416x128xf32, #tpu.memory_space<vmem>>, vector<16xf32>,
          %get3A_224 = arith.index_cast %sub3A_207 : i32 to index
          %get3A_225 = arith.constant 64 : index
          %get3A_226 = tpu.vector_load %arg7[%get3A_224, %get3A_225] {strides = array<i32>} : memref<416x128xf32, #tpu.memory_space<vmem>>, vector<16xf32>,
          %get3A_227 = arith.index_cast %sub3A_207 : i32 to index
          %get3A_228 = arith.constant 80 : index
          %get3A_229 = tpu.vector_load %arg7[%get3A_227, %get3A_228] {strides = array<i32>} : memref<416x128xf32, #tpu.memory_space<vmem>>, vector<16xf32>,
          %get3A_230 = arith.index_cast %sub3A_207 : i32 to index
          %get3A_231 = arith.constant 96 : index
          %get3A_232 = tpu.vector_load %arg7[%get3A_230, %get3A_231] {strides = array<i32>} : memref<416x128xf32, #tpu.memory_space<vmem>>, vector<16xf32>,
          %get3A_233 = arith.index_cast %sub3A_207 : i32 to index
          %get3A_234 = arith.constant 112 : index
          %get3A_235 = tpu.vector_load %arg7[%get3A_233, %get3A_234] {strides = array<i32>} : memref<416x128xf32, #tpu.memory_space<vmem>>, vector<16xf32>,
          %get3A_236 = arith.index_cast %add3A_209 : i32 to index
          %get3A_237 = arith.constant 0 : index
          %get3A_238 = tpu.vector_load %arg7[%get3A_236, %get3A_237] {strides = array<i32>} : memref<416x128xf32, #tpu.memory_space<vmem>>, vector<16xf32>,
          %get3A_239 = arith.index_cast %add3A_209 : i32 to index
          %get3A_240 = arith.constant 16 : index
          %get3A_241 = tpu.vector_load %arg7[%get3A_239, %get3A_240] {strides = array<i32>} : memref<416x128xf32, #tpu.memory_space<vmem>>, vector<16xf32>,
          %get3A_242 = arith.index_cast %add3A_209 : i32 to index
          %get3A_243 = arith.constant 32 : index
          %get3A_244 = tpu.vector_load %arg7[%get3A_242, %get3A_243] {strides = array<i32>} : memref<416x128xf32, #tpu.memory_space<vmem>>, vector<16xf32>,
          %get3A_245 = arith.index_cast %add3A_209 : i32 to index
          %get3A_246 = arith.constant 48 : index
          %get3A_247 = tpu.vector_load %arg7[%get3A_245, %get3A_246] {strides = array<i32>} : memref<416x128xf32, #tpu.memory_space<vmem>>, vector<16xf32>,
          %get3A_248 = arith.index_cast %add3A_209 : i32 to index
          %get3A_249 = arith.constant 64 : index
          %get3A_250 = tpu.vector_load %arg7[%get3A_248, %get3A_249] {strides = array<i32>} : memref<416x128xf32, #tpu.memory_space<vmem>>, vector<16xf32>,
          %get3A_251 = arith.index_cast %add3A_209 : i32 to index
          %get3A_252 = arith.constant 80 : index
          %get3A_253 = tpu.vector_load %arg7[%get3A_251, %get3A_252] {strides = array<i32>} : memref<416x128xf32, #tpu.memory_space<vmem>>, vector<16xf32>,
          %get3A_254 = arith.index_cast %add3A_209 : i32 to index
          %get3A_255 = arith.constant 96 : index
          %get3A_256 = tpu.vector_load %arg7[%get3A_254, %get3A_255] {strides = array<i32>} : memref<416x128xf32, #tpu.memory_space<vmem>>, vector<16xf32>,
          %get3A_257 = arith.index_cast %add3A_209 : i32 to index
          %get3A_258 = arith.constant 112 : index
          %get3A_259 = tpu.vector_load %arg7[%get3A_257, %get3A_258] {strides = array<i32>} : memref<416x128xf32, #tpu.memory_space<vmem>>, vector<16xf32>,
          %mul3A_260 = arith.mulf %get3A_214, %get3A_3 : vector<16xf32>
          %mul3A_261 = arith.mulf %get3A_217, %get3A_5 : vector<16xf32>
          %add3A_262 = arith.addf %mul3A_260, %mul3A_261 : vector<16xf32>
          %mul3A_263 = arith.mulf %get3A_220, %get3A_7 : vector<16xf32>
          %add3A_264 = arith.addf %add3A_262, %mul3A_263 : vector<16xf32>
          %mul3A_265 = arith.mulf %get3A_223, %get3A_9 : vector<16xf32>
          %add3A_266 = arith.addf %add3A_264, %mul3A_265 : vector<16xf32>
          %mul3A_267 = arith.mulf %get3A_226, %get3A_11 : vector<16xf32>
          %add3A_268 = arith.addf %add3A_266, %mul3A_267 : vector<16xf32>
          %mul3A_269 = arith.mulf %get3A_229, %get3A_13 : vector<16xf32>
          %add3A_270 = arith.addf %add3A_268, %mul3A_269 : vector<16xf32>
          %mul3A_271 = arith.mulf %get3A_232, %get3A_15 : vector<16xf32>
          %add3A_272 = arith.addf %add3A_270, %mul3A_271 : vector<16xf32>
          %mul3A_273 = arith.mulf %get3A_235, %get3A_17 : vector<16xf32>
          %add3A_274 = arith.addf %add3A_272, %mul3A_273 : vector<16xf32>
          %rev3A = arith.constant 15 : i32
          %rev3A_275 = vector.broadcast %rev3A : i32 to vector<16xi32>
          %rev3A_276 = tpu.iota {dimensions = array<i32: 0>} : vector<16xi32>
          %rev3A_277 = arith.subi %rev3A_275, %rev3A_276 : vector<16xi32>
          %rev3A_278 = tpu.dynamic_gather %add3A_274[%rev3A_277] in [0] : vector<16xf32>, vector<16xi32> -> vector<16xf32>
          %add3A_279 = arith.addf %add3A_274, %rev3A_278 : vector<16xf32>
          %mul3A_280 = arith.mulf %get3A_238, %get3A_3 : vector<16xf32>
          %mul3A_281 = arith.mulf %get3A_241, %get3A_5 : vector<16xf32>
          %add3A_282 = arith.addf %mul3A_280, %mul3A_281 : vector<16xf32>
          %mul3A_283 = arith.mulf %get3A_244, %get3A_7 : vector<16xf32>
          %add3A_284 = arith.addf %add3A_282, %mul3A_283 : vector<16xf32>
          %mul3A_285 = arith.mulf %get3A_247, %get3A_9 : vector<16xf32>
          %add3A_286 = arith.addf %add3A_284, %mul3A_285 : vector<16xf32>
          %mul3A_287 = arith.mulf %get3A_250, %get3A_11 : vector<16xf32>
          %add3A_288 = arith.addf %add3A_286, %mul3A_287 : vector<16xf32>
          %mul3A_289 = arith.mulf %get3A_253, %get3A_13 : vector<16xf32>
          %add3A_290 = arith.addf %add3A_288, %mul3A_289 : vector<16xf32>
          %mul3A_291 = arith.mulf %get3A_256, %get3A_15 : vector<16xf32>
          %add3A_292 = arith.addf %add3A_290, %mul3A_291 : vector<16xf32>
          %mul3A_293 = arith.mulf %get3A_259, %get3A_17 : vector<16xf32>
          %add3A_294 = arith.addf %add3A_292, %mul3A_293 : vector<16xf32>
          %rev3A_295 = arith.constant 15 : i32
          %rev3A_296 = vector.broadcast %rev3A_295 : i32 to vector<16xi32>
          %rev3A_297 = tpu.iota {dimensions = array<i32: 0>} : vector<16xi32>
          %rev3A_298 = arith.subi %rev3A_296, %rev3A_297 : vector<16xi32>
          %rev3A_299 = tpu.dynamic_gather %add3A_294[%rev3A_298] in [0] : vector<16xf32>, vector<16xi32> -> vector<16xf32>
          %add3A_300 = arith.addf %add3A_294, %rev3A_299 : vector<16xf32>
          %select_n3A_301 = arith.select %lt3A_29, %add3A_279, %add3A_300 : vector<16xi1>, vector<16xf32>
          %broadcast_in_dim3A_302 = arith.constant true
          %broadcast_in_dim3A_303 = vector.broadcast %broadcast_in_dim3A_302 : i1 to vector<16xi1>
          %masked_cumsum3A = tpu.scan <sum>, %select_n3A_301 masked %broadcast_in_dim3A_303 : vector<16xf32>, vector<16xi1> -> vector<16xf32>
          %slice3A_304 = vector.extract_strided_slice %masked_cumsum3A {offsets = [7], sizes = [1], strides = [1]} : vector<16xf32> to vector<1xf32>
          %squeeze3A_305 = vector.extract %slice3A_304[0] : f32 from vector<1xf32>
          %slice3A_306 = vector.extract_strided_slice %masked_cumsum3A {offsets = [15], sizes = [1], strides = [1]} : vector<16xf32> to vector<1xf32>
          %squeeze3A_307 = vector.extract %slice3A_306[0] : f32 from vector<1xf32>
          %broadcast_in_dim3A_308 = vector.broadcast %squeeze3A_305 : f32 to vector<16xf32>
          %add3A_309 = arith.addf %broadcast_in_dim3A_308, %get3A_19 : vector<16xf32>
          %neg3A = arith.constant 0.000000e+00 : f32
          %neg3A_310 = vector.broadcast %neg3A : f32 to vector<16xf32>
          %neg3A_311 = arith.subf %neg3A_310, %add3A_309 : vector<16xf32>
          %exp3A = math.exp %neg3A_311 : vector<16xf32>
          %add3A_312 = arith.constant 1.000000e+00 : f32
          %add3A_313 = vector.broadcast %add3A_312 : f32 to vector<16xf32>
          %add3A_314 = arith.addf %add3A_313, %exp3A : vector<16xf32>
          %div3A_315 = arith.constant 1.000000e+00 : f32
          %div3A_316 = vector.broadcast %div3A_315 : f32 to vector<16xf32>
          %div3A_317 = arith.divf %div3A_316, %add3A_314 : vector<16xf32>
          %sub3A_318 = arith.subf %squeeze3A_307, %squeeze3A_305 : f32
          %broadcast_in_dim3A_319 = vector.broadcast %sub3A_318 : f32 to vector<16xf32>
          %add3A_320 = arith.addf %broadcast_in_dim3A_319, %get3A_19 : vector<16xf32>
          %neg3A_321 = arith.constant 0.000000e+00 : f32
          %neg3A_322 = vector.broadcast %neg3A_321 : f32 to vector<16xf32>
          %neg3A_323 = arith.subf %neg3A_322, %add3A_320 : vector<16xf32>
          %exp3A_324 = math.exp %neg3A_323 : vector<16xf32>
          %add3A_325 = arith.constant 1.000000e+00 : f32
          %add3A_326 = vector.broadcast %add3A_325 : f32 to vector<16xf32>
          %add3A_327 = arith.addf %add3A_326, %exp3A_324 : vector<16xf32>
          %div3A_328 = arith.constant 1.000000e+00 : f32
          %div3A_329 = vector.broadcast %div3A_328 : f32 to vector<16xf32>
          %div3A_330 = arith.divf %div3A_329, %add3A_327 : vector<16xf32>
          %slice3A_331 = vector.extract_strided_slice %get3A_211 {offsets = [0], sizes = [1], strides = [1]} : vector<16xi32> to vector<1xi32>
          %squeeze3A_332 = vector.extract %slice3A_331[0] : i32 from vector<1xi32>
          %sub3A_333 = arith.subi %squeeze3A_332, %mul3A_2 : i32
          %mul3A_334 = arith.mulf %get3A_214, %div3A_317 : vector<16xf32>
          %swap3A = arith.index_cast %sub3A_333 : i32 to index
          %swap3A_335 = arith.constant 0 : index
          %swap3A_336 = tpu.vector_load %arg11[%swap3A, %swap3A_335] {strides = array<i32>} : memref<128x128xf32, #tpu.memory_space<vmem>>, vector<16xf32>,
          tpu.vector_store %arg11[%swap3A, %swap3A_335], %mul3A_334 {add = true, strides = array<i32>} : memref<128x128xf32, #tpu.memory_space<vmem>>, vector<16xf32>,
          %mul3A_337 = arith.mulf %get3A_217, %div3A_317 : vector<16xf32>
          %swap3A_338 = arith.index_cast %sub3A_333 : i32 to index
          %swap3A_339 = arith.constant 16 : index
          %swap3A_340 = tpu.vector_load %arg11[%swap3A_338, %swap3A_339] {strides = array<i32>} : memref<128x128xf32, #tpu.memory_space<vmem>>, vector<16xf32>,
          tpu.vector_store %arg11[%swap3A_338, %swap3A_339], %mul3A_337 {add = true, strides = array<i32>} : memref<128x128xf32, #tpu.memory_space<vmem>>, vector<16xf32>,
          %mul3A_341 = arith.mulf %get3A_220, %div3A_317 : vector<16xf32>
          %swap3A_342 = arith.index_cast %sub3A_333 : i32 to index
          %swap3A_343 = arith.constant 32 : index
          %swap3A_344 = tpu.vector_load %arg11[%swap3A_342, %swap3A_343] {strides = array<i32>} : memref<128x128xf32, #tpu.memory_space<vmem>>, vector<16xf32>,
          tpu.vector_store %arg11[%swap3A_342, %swap3A_343], %mul3A_341 {add = true, strides = array<i32>} : memref<128x128xf32, #tpu.memory_space<vmem>>, vector<16xf32>,
          %mul3A_345 = arith.mulf %get3A_223, %div3A_317 : vector<16xf32>
          %swap3A_346 = arith.index_cast %sub3A_333 : i32 to index
          %swap3A_347 = arith.constant 48 : index
          %swap3A_348 = tpu.vector_load %arg11[%swap3A_346, %swap3A_347] {strides = array<i32>} : memref<128x128xf32, #tpu.memory_space<vmem>>, vector<16xf32>,
          tpu.vector_store %arg11[%swap3A_346, %swap3A_347], %mul3A_345 {add = true, strides = array<i32>} : memref<128x128xf32, #tpu.memory_space<vmem>>, vector<16xf32>,
          %mul3A_349 = arith.mulf %get3A_226, %div3A_317 : vector<16xf32>
          %swap3A_350 = arith.index_cast %sub3A_333 : i32 to index
          %swap3A_351 = arith.constant 64 : index
          %swap3A_352 = tpu.vector_load %arg11[%swap3A_350, %swap3A_351] {strides = array<i32>} : memref<128x128xf32, #tpu.memory_space<vmem>>, vector<16xf32>,
          tpu.vector_store %arg11[%swap3A_350, %swap3A_351], %mul3A_349 {add = true, strides = array<i32>} : memref<128x128xf32, #tpu.memory_space<vmem>>, vector<16xf32>,
          %mul3A_353 = arith.mulf %get3A_229, %div3A_317 : vector<16xf32>
          %swap3A_354 = arith.index_cast %sub3A_333 : i32 to index
          %swap3A_355 = arith.constant 80 : index
          %swap3A_356 = tpu.vector_load %arg11[%swap3A_354, %swap3A_355] {strides = array<i32>} : memref<128x128xf32, #tpu.memory_space<vmem>>, vector<16xf32>,
          tpu.vector_store %arg11[%swap3A_354, %swap3A_355], %mul3A_353 {add = true, strides = array<i32>} : memref<128x128xf32, #tpu.memory_space<vmem>>, vector<16xf32>,
          %mul3A_357 = arith.mulf %get3A_232, %div3A_317 : vector<16xf32>
          %swap3A_358 = arith.index_cast %sub3A_333 : i32 to index
          %swap3A_359 = arith.constant 96 : index
          %swap3A_360 = tpu.vector_load %arg11[%swap3A_358, %swap3A_359] {strides = array<i32>} : memref<128x128xf32, #tpu.memory_space<vmem>>, vector<16xf32>,
          tpu.vector_store %arg11[%swap3A_358, %swap3A_359], %mul3A_357 {add = true, strides = array<i32>} : memref<128x128xf32, #tpu.memory_space<vmem>>, vector<16xf32>,
          %mul3A_361 = arith.mulf %get3A_235, %div3A_317 : vector<16xf32>
          %swap3A_362 = arith.index_cast %sub3A_333 : i32 to index
          %swap3A_363 = arith.constant 112 : index
          %swap3A_364 = tpu.vector_load %arg11[%swap3A_362, %swap3A_363] {strides = array<i32>} : memref<128x128xf32, #tpu.memory_space<vmem>>, vector<16xf32>,
          tpu.vector_store %arg11[%swap3A_362, %swap3A_363], %mul3A_361 {add = true, strides = array<i32>} : memref<128x128xf32, #tpu.memory_space<vmem>>, vector<16xf32>,
          %slice3A_365 = vector.extract_strided_slice %get3A_211 {offsets = [1], sizes = [1], strides = [1]} : vector<16xi32> to vector<1xi32>
          %squeeze3A_366 = vector.extract %slice3A_365[0] : i32 from vector<1xi32>
          %sub3A_367 = arith.subi %squeeze3A_366, %mul3A_2 : i32
          %mul3A_368 = arith.mulf %get3A_238, %div3A_330 : vector<16xf32>
          %swap3A_369 = arith.index_cast %sub3A_367 : i32 to index
          %swap3A_370 = arith.constant 0 : index
          %swap3A_371 = tpu.vector_load %arg11[%swap3A_369, %swap3A_370] {strides = array<i32>} : memref<128x128xf32, #tpu.memory_space<vmem>>, vector<16xf32>,
          tpu.vector_store %arg11[%swap3A_369, %swap3A_370], %mul3A_368 {add = true, strides = array<i32>} : memref<128x128xf32, #tpu.memory_space<vmem>>, vector<16xf32>,
          %mul3A_372 = arith.mulf %get3A_241, %div3A_330 : vector<16xf32>
          %swap3A_373 = arith.index_cast %sub3A_367 : i32 to index
          %swap3A_374 = arith.constant 16 : index
          %swap3A_375 = tpu.vector_load %arg11[%swap3A_373, %swap3A_374] {strides = array<i32>} : memref<128x128xf32, #tpu.memory_space<vmem>>, vector<16xf32>,
          tpu.vector_store %arg11[%swap3A_373, %swap3A_374], %mul3A_372 {add = true, strides = array<i32>} : memref<128x128xf32, #tpu.memory_space<vmem>>, vector<16xf32>,
          %mul3A_376 = arith.mulf %get3A_244, %div3A_330 : vector<16xf32>
          %swap3A_377 = arith.index_cast %sub3A_367 : i32 to index
          %swap3A_378 = arith.constant 32 : index
          %swap3A_379 = tpu.vector_load %arg11[%swap3A_377, %swap3A_378] {strides = array<i32>} : memref<128x128xf32, #tpu.memory_space<vmem>>, vector<16xf32>,
          tpu.vector_store %arg11[%swap3A_377, %swap3A_378], %mul3A_376 {add = true, strides = array<i32>} : memref<128x128xf32, #tpu.memory_space<vmem>>, vector<16xf32>,
          %mul3A_380 = arith.mulf %get3A_247, %div3A_330 : vector<16xf32>
          %swap3A_381 = arith.index_cast %sub3A_367 : i32 to index
          %swap3A_382 = arith.constant 48 : index
          %swap3A_383 = tpu.vector_load %arg11[%swap3A_381, %swap3A_382] {strides = array<i32>} : memref<128x128xf32, #tpu.memory_space<vmem>>, vector<16xf32>,
          tpu.vector_store %arg11[%swap3A_381, %swap3A_382], %mul3A_380 {add = true, strides = array<i32>} : memref<128x128xf32, #tpu.memory_space<vmem>>, vector<16xf32>,
          %mul3A_384 = arith.mulf %get3A_250, %div3A_330 : vector<16xf32>
          %swap3A_385 = arith.index_cast %sub3A_367 : i32 to index
          %swap3A_386 = arith.constant 64 : index
          %swap3A_387 = tpu.vector_load %arg11[%swap3A_385, %swap3A_386] {strides = array<i32>} : memref<128x128xf32, #tpu.memory_space<vmem>>, vector<16xf32>,
          tpu.vector_store %arg11[%swap3A_385, %swap3A_386], %mul3A_384 {add = true, strides = array<i32>} : memref<128x128xf32, #tpu.memory_space<vmem>>, vector<16xf32>,
          %mul3A_388 = arith.mulf %get3A_253, %div3A_330 : vector<16xf32>
          %swap3A_389 = arith.index_cast %sub3A_367 : i32 to index
          %swap3A_390 = arith.constant 80 : index
          %swap3A_391 = tpu.vector_load %arg11[%swap3A_389, %swap3A_390] {strides = array<i32>} : memref<128x128xf32, #tpu.memory_space<vmem>>, vector<16xf32>,
          tpu.vector_store %arg11[%swap3A_389, %swap3A_390], %mul3A_388 {add = true, strides = array<i32>} : memref<128x128xf32, #tpu.memory_space<vmem>>, vector<16xf32>,
          %mul3A_392 = arith.mulf %get3A_256, %div3A_330 : vector<16xf32>
          %swap3A_393 = arith.index_cast %sub3A_367 : i32 to index
          %swap3A_394 = arith.constant 96 : index
          %swap3A_395 = tpu.vector_load %arg11[%swap3A_393, %swap3A_394] {strides = array<i32>} : memref<128x128xf32, #tpu.memory_space<vmem>>, vector<16xf32>,
          tpu.vector_store %arg11[%swap3A_393, %swap3A_394], %mul3A_392 {add = true, strides = array<i32>} : memref<128x128xf32, #tpu.memory_space<vmem>>, vector<16xf32>,
          %mul3A_396 = arith.mulf %get3A_259, %div3A_330 : vector<16xf32>
          %swap3A_397 = arith.index_cast %sub3A_367 : i32 to index
          %swap3A_398 = arith.constant 112 : index
          %swap3A_399 = tpu.vector_load %arg11[%swap3A_397, %swap3A_398] {strides = array<i32>} : memref<128x128xf32, #tpu.memory_space<vmem>>, vector<16xf32>,
          tpu.vector_store %arg11[%swap3A_397, %swap3A_398], %mul3A_396 {add = true, strides = array<i32>} : memref<128x128xf32, #tpu.memory_space<vmem>>, vector<16xf32>,
        }
        %while3A_195 = arith.constant 1 : i32
        scf.for %while3A_203 = %while3A_193 to %while3A_189 step %while3A_195  : i32 {
          %mul3A_204 = arith.constant 2 : i32
          %mul3A_205 = arith.muli %mul3A_204, %while3A_203 : i32
          %add3A_206 = arith.addi %max3A, %mul3A_205 : i32
          %sub3A_207 = arith.subi %add3A_206, %min3A_157 : i32
          %add3A_208 = arith.constant 1 : i32
          %add3A_209 = arith.addi %sub3A_207, %add3A_208 : i32
          %get3A_210 = arith.index_cast %sub3A_207 : i32 to index
          %get3A_211 = tpu.vector_load %arg9[%get3A_210] {strides = array<i32>} : memref<432xi32, #tpu.memory_space<vmem>>, vector<16xi32>,
          %get3A_212 = arith.index_cast %sub3A_207 : i32 to index
          %get3A_213 = arith.constant 0 : index
          %get3A_214 = tpu.vector_load %arg7[%get3A_212, %get3A_213] {strides = array<i32>} : memref<416x128xf32, #tpu.memory_space<vmem>>, vector<16xf32>,
          %get3A_215 = arith.index_cast %sub3A_207 : i32 to index
          %get3A_216 = arith.constant 16 : index
          %get3A_217 = tpu.vector_load %arg7[%get3A_215, %get3A_216] {strides = array<i32>} : memref<416x128xf32, #tpu.memory_space<vmem>>, vector<16xf32>,
          %get3A_218 = arith.index_cast %sub3A_207 : i32 to index
          %get3A_219 = arith.constant 32 : index
          %get3A_220 = tpu.vector_load %arg7[%get3A_218, %get3A_219] {strides = array<i32>} : memref<416x128xf32, #tpu.memory_space<vmem>>, vector<16xf32>,
          %get3A_221 = arith.index_cast %sub3A_207 : i32 to index
          %get3A_222 = arith.constant 48 : index
          %get3A_223 = tpu.vector_load %arg7[%get3A_221, %get3A_222] {strides = array<i32>} : memref<416x128xf32, #tpu.memory_space<vmem>>, vector<16xf32>,
          %get3A_224 = arith.index_cast %sub3A_207 : i32 to index
          %get3A_225 = arith.constant 64 : index
          %get3A_226 = tpu.vector_load %arg7[%get3A_224, %get3A_225] {strides = array<i32>} : memref<416x128xf32, #tpu.memory_space<vmem>>, vector<16xf32>,
          %get3A_227 = arith.index_cast %sub3A_207 : i32 to index
          %get3A_228 = arith.constant 80 : index
          %get3A_229 = tpu.vector_load %arg7[%get3A_227, %get3A_228] {strides = array<i32>} : memref<416x128xf32, #tpu.memory_space<vmem>>, vector<16xf32>,
          %get3A_230 = arith.index_cast %sub3A_207 : i32 to index
          %get3A_231 = arith.constant 96 : index
          %get3A_232 = tpu.vector_load %arg7[%get3A_230, %get3A_231] {strides = array<i32>} : memref<416x128xf32, #tpu.memory_space<vmem>>, vector<16xf32>,
          %get3A_233 = arith.index_cast %sub3A_207 : i32 to index
          %get3A_234 = arith.constant 112 : index
          %get3A_235 = tpu.vector_load %arg7[%get3A_233, %get3A_234] {strides = array<i32>} : memref<416x128xf32, #tpu.memory_space<vmem>>, vector<16xf32>,
          %get3A_236 = arith.index_cast %add3A_209 : i32 to index
          %get3A_237 = arith.constant 0 : index
          %get3A_238 = tpu.vector_load %arg7[%get3A_236, %get3A_237] {strides = array<i32>} : memref<416x128xf32, #tpu.memory_space<vmem>>, vector<16xf32>,
          %get3A_239 = arith.index_cast %add3A_209 : i32 to index
          %get3A_240 = arith.constant 16 : index
          %get3A_241 = tpu.vector_load %arg7[%get3A_239, %get3A_240] {strides = array<i32>} : memref<416x128xf32, #tpu.memory_space<vmem>>, vector<16xf32>,
          %get3A_242 = arith.index_cast %add3A_209 : i32 to index
          %get3A_243 = arith.constant 32 : index
          %get3A_244 = tpu.vector_load %arg7[%get3A_242, %get3A_243] {strides = array<i32>} : memref<416x128xf32, #tpu.memory_space<vmem>>, vector<16xf32>,
          %get3A_245 = arith.index_cast %add3A_209 : i32 to index
          %get3A_246 = arith.constant 48 : index
          %get3A_247 = tpu.vector_load %arg7[%get3A_245, %get3A_246] {strides = array<i32>} : memref<416x128xf32, #tpu.memory_space<vmem>>, vector<16xf32>,
          %get3A_248 = arith.index_cast %add3A_209 : i32 to index
          %get3A_249 = arith.constant 64 : index
          %get3A_250 = tpu.vector_load %arg7[%get3A_248, %get3A_249] {strides = array<i32>} : memref<416x128xf32, #tpu.memory_space<vmem>>, vector<16xf32>,
          %get3A_251 = arith.index_cast %add3A_209 : i32 to index
          %get3A_252 = arith.constant 80 : index
          %get3A_253 = tpu.vector_load %arg7[%get3A_251, %get3A_252] {strides = array<i32>} : memref<416x128xf32, #tpu.memory_space<vmem>>, vector<16xf32>,
          %get3A_254 = arith.index_cast %add3A_209 : i32 to index
          %get3A_255 = arith.constant 96 : index
          %get3A_256 = tpu.vector_load %arg7[%get3A_254, %get3A_255] {strides = array<i32>} : memref<416x128xf32, #tpu.memory_space<vmem>>, vector<16xf32>,
          %get3A_257 = arith.index_cast %add3A_209 : i32 to index
          %get3A_258 = arith.constant 112 : index
          %get3A_259 = tpu.vector_load %arg7[%get3A_257, %get3A_258] {strides = array<i32>} : memref<416x128xf32, #tpu.memory_space<vmem>>, vector<16xf32>,
          %mul3A_260 = arith.mulf %get3A_214, %get3A_3 : vector<16xf32>
          %mul3A_261 = arith.mulf %get3A_217, %get3A_5 : vector<16xf32>
          %add3A_262 = arith.addf %mul3A_260, %mul3A_261 : vector<16xf32>
          %mul3A_263 = arith.mulf %get3A_220, %get3A_7 : vector<16xf32>
          %add3A_264 = arith.addf %add3A_262, %mul3A_263 : vector<16xf32>
          %mul3A_265 = arith.mulf %get3A_223, %get3A_9 : vector<16xf32>
          %add3A_266 = arith.addf %add3A_264, %mul3A_265 : vector<16xf32>
          %mul3A_267 = arith.mulf %get3A_226, %get3A_11 : vector<16xf32>
          %add3A_268 = arith.addf %add3A_266, %mul3A_267 : vector<16xf32>
          %mul3A_269 = arith.mulf %get3A_229, %get3A_13 : vector<16xf32>
          %add3A_270 = arith.addf %add3A_268, %mul3A_269 : vector<16xf32>
          %mul3A_271 = arith.mulf %get3A_232, %get3A_15 : vector<16xf32>
          %add3A_272 = arith.addf %add3A_270, %mul3A_271 : vector<16xf32>
          %mul3A_273 = arith.mulf %get3A_235, %get3A_17 : vector<16xf32>
          %add3A_274 = arith.addf %add3A_272, %mul3A_273 : vector<16xf32>
          %rev3A = arith.constant 15 : i32
          %rev3A_275 = vector.broadcast %rev3A : i32 to vector<16xi32>
          %rev3A_276 = tpu.iota {dimensions = array<i32: 0>} : vector<16xi32>
          %rev3A_277 = arith.subi %rev3A_275, %rev3A_276 : vector<16xi32>
          %rev3A_278 = tpu.dynamic_gather %add3A_274[%rev3A_277] in [0] : vector<16xf32>, vector<16xi32> -> vector<16xf32>
          %add3A_279 = arith.addf %add3A_274, %rev3A_278 : vector<16xf32>
          %mul3A_280 = arith.mulf %get3A_238, %get3A_3 : vector<16xf32>
          %mul3A_281 = arith.mulf %get3A_241, %get3A_5 : vector<16xf32>
          %add3A_282 = arith.addf %mul3A_280, %mul3A_281 : vector<16xf32>
          %mul3A_283 = arith.mulf %get3A_244, %get3A_7 : vector<16xf32>
          %add3A_284 = arith.addf %add3A_282, %mul3A_283 : vector<16xf32>
          %mul3A_285 = arith.mulf %get3A_247, %get3A_9 : vector<16xf32>
          %add3A_286 = arith.addf %add3A_284, %mul3A_285 : vector<16xf32>
          %mul3A_287 = arith.mulf %get3A_250, %get3A_11 : vector<16xf32>
          %add3A_288 = arith.addf %add3A_286, %mul3A_287 : vector<16xf32>
          %mul3A_289 = arith.mulf %get3A_253, %get3A_13 : vector<16xf32>
          %add3A_290 = arith.addf %add3A_288, %mul3A_289 : vector<16xf32>
          %mul3A_291 = arith.mulf %get3A_256, %get3A_15 : vector<16xf32>
          %add3A_292 = arith.addf %add3A_290, %mul3A_291 : vector<16xf32>
          %mul3A_293 = arith.mulf %get3A_259, %get3A_17 : vector<16xf32>
          %add3A_294 = arith.addf %add3A_292, %mul3A_293 : vector<16xf32>
          %rev3A_295 = arith.constant 15 : i32
          %rev3A_296 = vector.broadcast %rev3A_295 : i32 to vector<16xi32>
          %rev3A_297 = tpu.iota {dimensions = array<i32: 0>} : vector<16xi32>
          %rev3A_298 = arith.subi %rev3A_296, %rev3A_297 : vector<16xi32>
          %rev3A_299 = tpu.dynamic_gather %add3A_294[%rev3A_298] in [0] : vector<16xf32>, vector<16xi32> -> vector<16xf32>
          %add3A_300 = arith.addf %add3A_294, %rev3A_299 : vector<16xf32>
          %select_n3A_301 = arith.select %lt3A_29, %add3A_279, %add3A_300 : vector<16xi1>, vector<16xf32>
          %broadcast_in_dim3A_302 = arith.constant true
          %broadcast_in_dim3A_303 = vector.broadcast %broadcast_in_dim3A_302 : i1 to vector<16xi1>
          %masked_cumsum3A = tpu.scan <sum>, %select_n3A_301 masked %broadcast_in_dim3A_303 : vector<16xf32>, vector<16xi1> -> vector<16xf32>
          %slice3A_304 = vector.extract_strided_slice %masked_cumsum3A {offsets = [7], sizes = [1], strides = [1]} : vector<16xf32> to vector<1xf32>
          %squeeze3A_305 = vector.extract %slice3A_304[0] : f32 from vector<1xf32>
          %slice3A_306 = vector.extract_strided_slice %masked_cumsum3A {offsets = [15], sizes = [1], strides = [1]} : vector<16xf32> to vector<1xf32>
          %squeeze3A_307 = vector.extract %slice3A_306[0] : f32 from vector<1xf32>
          %broadcast_in_dim3A_308 = vector.broadcast %squeeze3A_305 : f32 to vector<16xf32>
          %add3A_309 = arith.addf %broadcast_in_dim3A_308, %get3A_19 : vector<16xf32>
          %neg3A = arith.constant 0.000000e+00 : f32
          %neg3A_310 = vector.broadcast %neg3A : f32 to vector<16xf32>
          %neg3A_311 = arith.subf %neg3A_310, %add3A_309 : vector<16xf32>
          %exp3A = math.exp %neg3A_311 : vector<16xf32>
          %add3A_312 = arith.constant 1.000000e+00 : f32
          %add3A_313 = vector.broadcast %add3A_312 : f32 to vector<16xf32>
          %add3A_314 = arith.addf %add3A_313, %exp3A : vector<16xf32>
          %div3A_315 = arith.constant 1.000000e+00 : f32
          %div3A_316 = vector.broadcast %div3A_315 : f32 to vector<16xf32>
          %div3A_317 = arith.divf %div3A_316, %add3A_314 : vector<16xf32>
          %sub3A_318 = arith.subf %squeeze3A_307, %squeeze3A_305 : f32
          %broadcast_in_dim3A_319 = vector.broadcast %sub3A_318 : f32 to vector<16xf32>
          %add3A_320 = arith.addf %broadcast_in_dim3A_319, %get3A_19 : vector<16xf32>
          %neg3A_321 = arith.constant 0.000000e+00 : f32
          %neg3A_322 = vector.broadcast %neg3A_321 : f32 to vector<16xf32>
          %neg3A_323 = arith.subf %neg3A_322, %add3A_320 : vector<16xf32>
          %exp3A_324 = math.exp %neg3A_323 : vector<16xf32>
          %add3A_325 = arith.constant 1.000000e+00 : f32
          %add3A_326 = vector.broadcast %add3A_325 : f32 to vector<16xf32>
          %add3A_327 = arith.addf %add3A_326, %exp3A_324 : vector<16xf32>
          %div3A_328 = arith.constant 1.000000e+00 : f32
          %div3A_329 = vector.broadcast %div3A_328 : f32 to vector<16xf32>
          %div3A_330 = arith.divf %div3A_329, %add3A_327 : vector<16xf32>
          %slice3A_331 = vector.extract_strided_slice %get3A_211 {offsets = [0], sizes = [1], strides = [1]} : vector<16xi32> to vector<1xi32>
          %squeeze3A_332 = vector.extract %slice3A_331[0] : i32 from vector<1xi32>
          %sub3A_333 = arith.subi %squeeze3A_332, %mul3A_2 : i32
          %mul3A_334 = arith.mulf %get3A_214, %div3A_317 : vector<16xf32>
          %swap3A = arith.index_cast %sub3A_333 : i32 to index
          %swap3A_335 = arith.constant 0 : index
          %swap3A_336 = tpu.vector_load %arg11[%swap3A, %swap3A_335] {strides = array<i32>} : memref<128x128xf32, #tpu.memory_space<vmem>>, vector<16xf32>,
          tpu.vector_store %arg11[%swap3A, %swap3A_335], %mul3A_334 {add = true, strides = array<i32>} : memref<128x128xf32, #tpu.memory_space<vmem>>, vector<16xf32>,
          %mul3A_337 = arith.mulf %get3A_217, %div3A_317 : vector<16xf32>
          %swap3A_338 = arith.index_cast %sub3A_333 : i32 to index
          %swap3A_339 = arith.constant 16 : index
          %swap3A_340 = tpu.vector_load %arg11[%swap3A_338, %swap3A_339] {strides = array<i32>} : memref<128x128xf32, #tpu.memory_space<vmem>>, vector<16xf32>,
          tpu.vector_store %arg11[%swap3A_338, %swap3A_339], %mul3A_337 {add = true, strides = array<i32>} : memref<128x128xf32, #tpu.memory_space<vmem>>, vector<16xf32>,
          %mul3A_341 = arith.mulf %get3A_220, %div3A_317 : vector<16xf32>
          %swap3A_342 = arith.index_cast %sub3A_333 : i32 to index
          %swap3A_343 = arith.constant 32 : index
          %swap3A_344 = tpu.vector_load %arg11[%swap3A_342, %swap3A_343] {strides = array<i32>} : memref<128x128xf32, #tpu.memory_space<vmem>>, vector<16xf32>,
          tpu.vector_store %arg11[%swap3A_342, %swap3A_343], %mul3A_341 {add = true, strides = array<i32>} : memref<128x128xf32, #tpu.memory_space<vmem>>, vector<16xf32>,
          %mul3A_345 = arith.mulf %get3A_223, %div3A_317 : vector<16xf32>
          %swap3A_346 = arith.index_cast %sub3A_333 : i32 to index
          %swap3A_347 = arith.constant 48 : index
          %swap3A_348 = tpu.vector_load %arg11[%swap3A_346, %swap3A_347] {strides = array<i32>} : memref<128x128xf32, #tpu.memory_space<vmem>>, vector<16xf32>,
          tpu.vector_store %arg11[%swap3A_346, %swap3A_347], %mul3A_345 {add = true, strides = array<i32>} : memref<128x128xf32, #tpu.memory_space<vmem>>, vector<16xf32>,
          %mul3A_349 = arith.mulf %get3A_226, %div3A_317 : vector<16xf32>
          %swap3A_350 = arith.index_cast %sub3A_333 : i32 to index
          %swap3A_351 = arith.constant 64 : index
          %swap3A_352 = tpu.vector_load %arg11[%swap3A_350, %swap3A_351] {strides = array<i32>} : memref<128x128xf32, #tpu.memory_space<vmem>>, vector<16xf32>,
          tpu.vector_store %arg11[%swap3A_350, %swap3A_351], %mul3A_349 {add = true, strides = array<i32>} : memref<128x128xf32, #tpu.memory_space<vmem>>, vector<16xf32>,
          %mul3A_353 = arith.mulf %get3A_229, %div3A_317 : vector<16xf32>
          %swap3A_354 = arith.index_cast %sub3A_333 : i32 to index
          %swap3A_355 = arith.constant 80 : index
          %swap3A_356 = tpu.vector_load %arg11[%swap3A_354, %swap3A_355] {strides = array<i32>} : memref<128x128xf32, #tpu.memory_space<vmem>>, vector<16xf32>,
          tpu.vector_store %arg11[%swap3A_354, %swap3A_355], %mul3A_353 {add = true, strides = array<i32>} : memref<128x128xf32, #tpu.memory_space<vmem>>, vector<16xf32>,
          %mul3A_357 = arith.mulf %get3A_232, %div3A_317 : vector<16xf32>
          %swap3A_358 = arith.index_cast %sub3A_333 : i32 to index
          %swap3A_359 = arith.constant 96 : index
          %swap3A_360 = tpu.vector_load %arg11[%swap3A_358, %swap3A_359] {strides = array<i32>} : memref<128x128xf32, #tpu.memory_space<vmem>>, vector<16xf32>,
          tpu.vector_store %arg11[%swap3A_358, %swap3A_359], %mul3A_357 {add = true, strides = array<i32>} : memref<128x128xf32, #tpu.memory_space<vmem>>, vector<16xf32>,
          %mul3A_361 = arith.mulf %get3A_235, %div3A_317 : vector<16xf32>
          %swap3A_362 = arith.index_cast %sub3A_333 : i32 to index
          %swap3A_363 = arith.constant 112 : index
          %swap3A_364 = tpu.vector_load %arg11[%swap3A_362, %swap3A_363] {strides = array<i32>} : memref<128x128xf32, #tpu.memory_space<vmem>>, vector<16xf32>,
          tpu.vector_store %arg11[%swap3A_362, %swap3A_363], %mul3A_361 {add = true, strides = array<i32>} : memref<128x128xf32, #tpu.memory_space<vmem>>, vector<16xf32>,
          %slice3A_365 = vector.extract_strided_slice %get3A_211 {offsets = [1], sizes = [1], strides = [1]} : vector<16xi32> to vector<1xi32>
          %squeeze3A_366 = vector.extract %slice3A_365[0] : i32 from vector<1xi32>
          %sub3A_367 = arith.subi %squeeze3A_366, %mul3A_2 : i32
          %mul3A_368 = arith.mulf %get3A_238, %div3A_330 : vector<16xf32>
          %swap3A_369 = arith.index_cast %sub3A_367 : i32 to index
          %swap3A_370 = arith.constant 0 : index
          %swap3A_371 = tpu.vector_load %arg11[%swap3A_369, %swap3A_370] {strides = array<i32>} : memref<128x128xf32, #tpu.memory_space<vmem>>, vector<16xf32>,
          tpu.vector_store %arg11[%swap3A_369, %swap3A_370], %mul3A_368 {add = true, strides = array<i32>} : memref<128x128xf32, #tpu.memory_space<vmem>>, vector<16xf32>,
          %mul3A_372 = arith.mulf %get3A_241, %div3A_330 : vector<16xf32>
          %swap3A_373 = arith.index_cast %sub3A_367 : i32 to index
          %swap3A_374 = arith.constant 16 : index
          %swap3A_375 = tpu.vector_load %arg11[%swap3A_373, %swap3A_374] {strides = array<i32>} : memref<128x128xf32, #tpu.memory_space<vmem>>, vector<16xf32>,
          tpu.vector_store %arg11[%swap3A_373, %swap3A_374], %mul3A_372 {add = true, strides = array<i32>} : memref<128x128xf32, #tpu.memory_space<vmem>>, vector<16xf32>,
          %mul3A_376 = arith.mulf %get3A_244, %div3A_330 : vector<16xf32>
          %swap3A_377 = arith.index_cast %sub3A_367 : i32 to index
          %swap3A_378 = arith.constant 32 : index
          %swap3A_379 = tpu.vector_load %arg11[%swap3A_377, %swap3A_378] {strides = array<i32>} : memref<128x128xf32, #tpu.memory_space<vmem>>, vector<16xf32>,
          tpu.vector_store %arg11[%swap3A_377, %swap3A_378], %mul3A_376 {add = true, strides = array<i32>} : memref<128x128xf32, #tpu.memory_space<vmem>>, vector<16xf32>,
          %mul3A_380 = arith.mulf %get3A_247, %div3A_330 : vector<16xf32>
          %swap3A_381 = arith.index_cast %sub3A_367 : i32 to index
          %swap3A_382 = arith.constant 48 : index
          %swap3A_383 = tpu.vector_load %arg11[%swap3A_381, %swap3A_382] {strides = array<i32>} : memref<128x128xf32, #tpu.memory_space<vmem>>, vector<16xf32>,
          tpu.vector_store %arg11[%swap3A_381, %swap3A_382], %mul3A_380 {add = true, strides = array<i32>} : memref<128x128xf32, #tpu.memory_space<vmem>>, vector<16xf32>,
          %mul3A_384 = arith.mulf %get3A_250, %div3A_330 : vector<16xf32>
          %swap3A_385 = arith.index_cast %sub3A_367 : i32 to index
          %swap3A_386 = arith.constant 64 : index
          %swap3A_387 = tpu.vector_load %arg11[%swap3A_385, %swap3A_386] {strides = array<i32>} : memref<128x128xf32, #tpu.memory_space<vmem>>, vector<16xf32>,
          tpu.vector_store %arg11[%swap3A_385, %swap3A_386], %mul3A_384 {add = true, strides = array<i32>} : memref<128x128xf32, #tpu.memory_space<vmem>>, vector<16xf32>,
          %mul3A_388 = arith.mulf %get3A_253, %div3A_330 : vector<16xf32>
          %swap3A_389 = arith.index_cast %sub3A_367 : i32 to index
          %swap3A_390 = arith.constant 80 : index
          %swap3A_391 = tpu.vector_load %arg11[%swap3A_389, %swap3A_390] {strides = array<i32>} : memref<128x128xf32, #tpu.memory_space<vmem>>, vector<16xf32>,
          tpu.vector_store %arg11[%swap3A_389, %swap3A_390], %mul3A_388 {add = true, strides = array<i32>} : memref<128x128xf32, #tpu.memory_space<vmem>>, vector<16xf32>,
          %mul3A_392 = arith.mulf %get3A_256, %div3A_330 : vector<16xf32>
          %swap3A_393 = arith.index_cast %sub3A_367 : i32 to index
          %swap3A_394 = arith.constant 96 : index
          %swap3A_395 = tpu.vector_load %arg11[%swap3A_393, %swap3A_394] {strides = array<i32>} : memref<128x128xf32, #tpu.memory_space<vmem>>, vector<16xf32>,
          tpu.vector_store %arg11[%swap3A_393, %swap3A_394], %mul3A_392 {add = true, strides = array<i32>} : memref<128x128xf32, #tpu.memory_space<vmem>>, vector<16xf32>,
          %mul3A_396 = arith.mulf %get3A_259, %div3A_330 : vector<16xf32>
          %swap3A_397 = arith.index_cast %sub3A_367 : i32 to index
          %swap3A_398 = arith.constant 112 : index
          %swap3A_399 = tpu.vector_load %arg11[%swap3A_397, %swap3A_398] {strides = array<i32>} : memref<128x128xf32, #tpu.memory_space<vmem>>, vector<16xf32>,
          tpu.vector_store %arg11[%swap3A_397, %swap3A_398], %mul3A_396 {add = true, strides = array<i32>} : memref<128x128xf32, #tpu.memory_space<vmem>>, vector<16xf32>,
        }
        %mul3A_196 = arith.constant 2 : i32
        %mul3A_197 = arith.muli %mul3A_196, %select_n3A_185 : i32
        %add3A_198 = arith.addi %max3A, %mul3A_197 : i32
        %lt3A_199 = arith.cmpi slt, %add3A_198, %min3A_160 : i32
        %convert_element_type3A_200 = arith.extui %lt3A_199 : i1 to i32
        %cond3A_201 = arith.constant 0 : i32
        %cond3A_202 = arith.cmpi ne, %convert_element_type3A_200, %cond3A_201 : i32
        scf.if %cond3A_202 {
          %mul3A_203 = arith.constant 2 : i32
          %mul3A_204 = arith.muli %mul3A_203, %select_n3A_185 : i32
          %add3A_205 = arith.addi %max3A, %mul3A_204 : i32
          %sub3A_206 = arith.subi %add3A_205, %min3A_157 : i32
          %get3A_207 = arith.index_cast %sub3A_206 : i32 to index
          %get3A_208 = arith.constant 0 : index
          %get3A_209 = tpu.vector_load %arg7[%get3A_207, %get3A_208] {strides = array<i32>} : memref<416x128xf32, #tpu.memory_space<vmem>>, vector<16xf32>,
          %get3A_210 = arith.index_cast %sub3A_206 : i32 to index
          %get3A_211 = arith.constant 16 : index
          %get3A_212 = tpu.vector_load %arg7[%get3A_210, %get3A_211] {strides = array<i32>} : memref<416x128xf32, #tpu.memory_space<vmem>>, vector<16xf32>,
          %get3A_213 = arith.index_cast %sub3A_206 : i32 to index
          %get3A_214 = arith.constant 32 : index
          %get3A_215 = tpu.vector_load %arg7[%get3A_213, %get3A_214] {strides = array<i32>} : memref<416x128xf32, #tpu.memory_space<vmem>>, vector<16xf32>,
          %get3A_216 = arith.index_cast %sub3A_206 : i32 to index
          %get3A_217 = arith.constant 48 : index
          %get3A_218 = tpu.vector_load %arg7[%get3A_216, %get3A_217] {strides = array<i32>} : memref<416x128xf32, #tpu.memory_space<vmem>>, vector<16xf32>,
          %get3A_219 = arith.index_cast %sub3A_206 : i32 to index
          %get3A_220 = arith.constant 64 : index
          %get3A_221 = tpu.vector_load %arg7[%get3A_219, %get3A_220] {strides = array<i32>} : memref<416x128xf32, #tpu.memory_space<vmem>>, vector<16xf32>,
          %get3A_222 = arith.index_cast %sub3A_206 : i32 to index
          %get3A_223 = arith.constant 80 : index
          %get3A_224 = tpu.vector_load %arg7[%get3A_222, %get3A_223] {strides = array<i32>} : memref<416x128xf32, #tpu.memory_space<vmem>>, vector<16xf32>,
          %get3A_225 = arith.index_cast %sub3A_206 : i32 to index
          %get3A_226 = arith.constant 96 : index
          %get3A_227 = tpu.vector_load %arg7[%get3A_225, %get3A_226] {strides = array<i32>} : memref<416x128xf32, #tpu.memory_space<vmem>>, vector<16xf32>,
          %get3A_228 = arith.index_cast %sub3A_206 : i32 to index
          %get3A_229 = arith.constant 112 : index
          %get3A_230 = tpu.vector_load %arg7[%get3A_228, %get3A_229] {strides = array<i32>} : memref<416x128xf32, #tpu.memory_space<vmem>>, vector<16xf32>,
          %mul3A_231 = arith.mulf %get3A_209, %get3A_3 : vector<16xf32>
          %mul3A_232 = arith.mulf %get3A_212, %get3A_5 : vector<16xf32>
          %add3A_233 = arith.addf %mul3A_231, %mul3A_232 : vector<16xf32>
          %mul3A_234 = arith.mulf %get3A_215, %get3A_7 : vector<16xf32>
          %add3A_235 = arith.addf %add3A_233, %mul3A_234 : vector<16xf32>
          %mul3A_236 = arith.mulf %get3A_218, %get3A_9 : vector<16xf32>
          %add3A_237 = arith.addf %add3A_235, %mul3A_236 : vector<16xf32>
          %mul3A_238 = arith.mulf %get3A_221, %get3A_11 : vector<16xf32>
          %add3A_239 = arith.addf %add3A_237, %mul3A_238 : vector<16xf32>
          %mul3A_240 = arith.mulf %get3A_224, %get3A_13 : vector<16xf32>
          %add3A_241 = arith.addf %add3A_239, %mul3A_240 : vector<16xf32>
          %mul3A_242 = arith.mulf %get3A_227, %get3A_15 : vector<16xf32>
          %add3A_243 = arith.addf %add3A_241, %mul3A_242 : vector<16xf32>
          %mul3A_244 = arith.mulf %get3A_230, %get3A_17 : vector<16xf32>
          %add3A_245 = arith.addf %add3A_243, %mul3A_244 : vector<16xf32>
          %rev3A = arith.constant 15 : i32
          %rev3A_246 = vector.broadcast %rev3A : i32 to vector<16xi32>
          %rev3A_247 = tpu.iota {dimensions = array<i32: 0>} : vector<16xi32>
          %rev3A_248 = arith.subi %rev3A_246, %rev3A_247 : vector<16xi32>
          %rev3A_249 = tpu.dynamic_gather %add3A_245[%rev3A_248] in [0] : vector<16xf32>, vector<16xi32> -> vector<16xf32>
          %add3A_250 = arith.addf %add3A_245, %rev3A_249 : vector<16xf32>
          %broadcast_in_dim3A_251 = arith.constant true
          %broadcast_in_dim3A_252 = vector.broadcast %broadcast_in_dim3A_251 : i1 to vector<16xi1>
          %masked_cumsum3A = tpu.scan <sum>, %add3A_250 masked %broadcast_in_dim3A_252 : vector<16xf32>, vector<16xi1> -> vector<16xf32>
          %slice3A_253 = vector.extract_strided_slice %masked_cumsum3A {offsets = [7], sizes = [1], strides = [1]} : vector<16xf32> to vector<1xf32>
          %squeeze3A_254 = vector.extract %slice3A_253[0] : f32 from vector<1xf32>
          %broadcast_in_dim3A_255 = vector.broadcast %squeeze3A_254 : f32 to vector<16xf32>
          %add3A_256 = arith.addf %broadcast_in_dim3A_255, %get3A_19 : vector<16xf32>
          %neg3A = arith.constant 0.000000e+00 : f32
          %neg3A_257 = vector.broadcast %neg3A : f32 to vector<16xf32>
          %neg3A_258 = arith.subf %neg3A_257, %add3A_256 : vector<16xf32>
          %exp3A = math.exp %neg3A_258 : vector<16xf32>
          %add3A_259 = arith.constant 1.000000e+00 : f32
          %add3A_260 = vector.broadcast %add3A_259 : f32 to vector<16xf32>
          %add3A_261 = arith.addf %add3A_260, %exp3A : vector<16xf32>
          %div3A_262 = arith.constant 1.000000e+00 : f32
          %div3A_263 = vector.broadcast %div3A_262 : f32 to vector<16xf32>
          %div3A_264 = arith.divf %div3A_263, %add3A_261 : vector<16xf32>
          %get3A_265 = arith.index_cast %sub3A_206 : i32 to index
          %get3A_266 = tpu.vector_load %arg9[%get3A_265] {strides = array<i32>} : memref<432xi32, #tpu.memory_space<vmem>>, vector<16xi32>,
          %slice3A_267 = vector.extract_strided_slice %get3A_266 {offsets = [0], sizes = [1], strides = [1]} : vector<16xi32> to vector<1xi32>
          %squeeze3A_268 = vector.extract %slice3A_267[0] : i32 from vector<1xi32>
          %sub3A_269 = arith.subi %squeeze3A_268, %mul3A_2 : i32
          %mul3A_270 = arith.mulf %get3A_209, %div3A_264 : vector<16xf32>
          %swap3A = arith.index_cast %sub3A_269 : i32 to index
          %swap3A_271 = arith.constant 0 : index
          %swap3A_272 = tpu.vector_load %arg11[%swap3A, %swap3A_271] {strides = array<i32>} : memref<128x128xf32, #tpu.memory_space<vmem>>, vector<16xf32>,
          tpu.vector_store %arg11[%swap3A, %swap3A_271], %mul3A_270 {add = true, strides = array<i32>} : memref<128x128xf32, #tpu.memory_space<vmem>>, vector<16xf32>,
          %mul3A_273 = arith.mulf %get3A_212, %div3A_264 : vector<16xf32>
          %swap3A_274 = arith.index_cast %sub3A_269 : i32 to index
          %swap3A_275 = arith.constant 16 : index
          %swap3A_276 = tpu.vector_load %arg11[%swap3A_274, %swap3A_275] {strides = array<i32>} : memref<128x128xf32, #tpu.memory_space<vmem>>, vector<16xf32>,
          tpu.vector_store %arg11[%swap3A_274, %swap3A_275], %mul3A_273 {add = true, strides = array<i32>} : memref<128x128xf32, #tpu.memory_space<vmem>>, vector<16xf32>,
          %mul3A_277 = arith.mulf %get3A_215, %div3A_264 : vector<16xf32>
          %swap3A_278 = arith.index_cast %sub3A_269 : i32 to index
          %swap3A_279 = arith.constant 32 : index
          %swap3A_280 = tpu.vector_load %arg11[%swap3A_278, %swap3A_279] {strides = array<i32>} : memref<128x128xf32, #tpu.memory_space<vmem>>, vector<16xf32>,
          tpu.vector_store %arg11[%swap3A_278, %swap3A_279], %mul3A_277 {add = true, strides = array<i32>} : memref<128x128xf32, #tpu.memory_space<vmem>>, vector<16xf32>,
          %mul3A_281 = arith.mulf %get3A_218, %div3A_264 : vector<16xf32>
          %swap3A_282 = arith.index_cast %sub3A_269 : i32 to index
          %swap3A_283 = arith.constant 48 : index
          %swap3A_284 = tpu.vector_load %arg11[%swap3A_282, %swap3A_283] {strides = array<i32>} : memref<128x128xf32, #tpu.memory_space<vmem>>, vector<16xf32>,
          tpu.vector_store %arg11[%swap3A_282, %swap3A_283], %mul3A_281 {add = true, strides = array<i32>} : memref<128x128xf32, #tpu.memory_space<vmem>>, vector<16xf32>,
          %mul3A_285 = arith.mulf %get3A_221, %div3A_264 : vector<16xf32>
          %swap3A_286 = arith.index_cast %sub3A_269 : i32 to index
          %swap3A_287 = arith.constant 64 : index
          %swap3A_288 = tpu.vector_load %arg11[%swap3A_286, %swap3A_287] {strides = array<i32>} : memref<128x128xf32, #tpu.memory_space<vmem>>, vector<16xf32>,
          tpu.vector_store %arg11[%swap3A_286, %swap3A_287], %mul3A_285 {add = true, strides = array<i32>} : memref<128x128xf32, #tpu.memory_space<vmem>>, vector<16xf32>,
          %mul3A_289 = arith.mulf %get3A_224, %div3A_264 : vector<16xf32>
          %swap3A_290 = arith.index_cast %sub3A_269 : i32 to index
          %swap3A_291 = arith.constant 80 : index
          %swap3A_292 = tpu.vector_load %arg11[%swap3A_290, %swap3A_291] {strides = array<i32>} : memref<128x128xf32, #tpu.memory_space<vmem>>, vector<16xf32>,
          tpu.vector_store %arg11[%swap3A_290, %swap3A_291], %mul3A_289 {add = true, strides = array<i32>} : memref<128x128xf32, #tpu.memory_space<vmem>>, vector<16xf32>,
          %mul3A_293 = arith.mulf %get3A_227, %div3A_264 : vector<16xf32>
          %swap3A_294 = arith.index_cast %sub3A_269 : i32 to index
          %swap3A_295 = arith.constant 96 : index
          %swap3A_296 = tpu.vector_load %arg11[%swap3A_294, %swap3A_295] {strides = array<i32>} : memref<128x128xf32, #tpu.memory_space<vmem>>, vector<16xf32>,
          tpu.vector_store %arg11[%swap3A_294, %swap3A_295], %mul3A_293 {add = true, strides = array<i32>} : memref<128x128xf32, #tpu.memory_space<vmem>>, vector<16xf32>,
          %mul3A_297 = arith.mulf %get3A_230, %div3A_264 : vector<16xf32>
          %swap3A_298 = arith.index_cast %sub3A_269 : i32 to index
          %swap3A_299 = arith.constant 112 : index
          %swap3A_300 = tpu.vector_load %arg11[%swap3A_298, %swap3A_299] {strides = array<i32>} : memref<128x128xf32, #tpu.memory_space<vmem>>, vector<16xf32>,
          tpu.vector_store %arg11[%swap3A_298, %swap3A_299], %mul3A_297 {add = true, strides = array<i32>} : memref<128x128xf32, #tpu.memory_space<vmem>>, vector<16xf32>,
        } else {
        }
      } else {
      }
      %lt3A_129 = arith.cmpi slt, %add3A_124, %select_n3A_82 : i32
      %convert_element_type3A_130 = arith.extui %lt3A_129 : i1 to i32
      %cond3A_131 = arith.constant 0 : i32
      %cond3A_132 = arith.cmpi ne, %convert_element_type3A_130, %cond3A_131 : i32
      scf.if %cond3A_132 {
        %mul3A_133 = arith.constant 416 : i32
        %mul3A_134 = arith.muli %add3A_124, %mul3A_133 : i32
        %add3A_135 = arith.addi %mul3A_53, %mul3A_134 : i32
        %min3A = arith.constant 99584 : i32
        %min3A_136 = arith.minsi %add3A_135, %min3A : i32
        %dma_wait3A = arith.constant 0 : i32
        %dma_wait3A_137 = tpu.memref_slice %arg2[%min3A_136, %dma_wait3A] : memref<100000x128xf32, #tpu.memory_space<hbm>> -> memref<416x128xf32, #tpu.memory_space<hbm>>
        %dma_wait3A_138 = arith.constant 0 : i32
        %dma_wait3A_139 = tpu.memref_slice %arg2[%min3A_136, %dma_wait3A_138] : memref<100000x128xf32, #tpu.memory_space<hbm>> -> memref<416x128xf32, #tpu.memory_space<hbm>>
        tpu.wait_dma2 semaphore(%arg15 : memref<!tpu.dma_semaphore, #tpu.memory_space<semaphore_mem>>) src(%dma_wait3A_139 : memref<416x128xf32, #tpu.memory_space<hbm>>) dst(%arg8 : memref<416x128xf32, #tpu.memory_space<vmem>>)
        %dma_wait3A_140 = arith.constant 0 : i32
        %dma_wait3A_141 = tpu.memref_slice %arg10[%dma_wait3A_140] : memref<432xi32, #tpu.memory_space<vmem>> -> memref<416xi32, #tpu.memory_space<vmem>>
        %dma_wait3A_142 = tpu.memref_slice %arg3[%min3A_136] : memref<100000xi32, #tpu.memory_space<hbm>> -> memref<416xi32, #tpu.memory_space<hbm>>
        %dma_wait3A_143 = arith.constant 0 : i32
        %dma_wait3A_144 = tpu.memref_slice %arg10[%dma_wait3A_143] : memref<432xi32, #tpu.memory_space<vmem>> -> memref<416xi32, #tpu.memory_space<vmem>>
        %dma_wait3A_145 = tpu.memref_slice %arg3[%min3A_136] : memref<100000xi32, #tpu.memory_space<hbm>> -> memref<416xi32, #tpu.memory_space<hbm>>
        tpu.wait_dma2 semaphore(%arg17 : memref<!tpu.dma_semaphore, #tpu.memory_space<semaphore_mem>>) src(%dma_wait3A_145 : memref<416xi32, #tpu.memory_space<hbm>>) dst(%dma_wait3A_144 : memref<416xi32, #tpu.memory_space<vmem>>)
        %add3A_146 = arith.constant 1 : i32
        %add3A_147 = arith.addi %add3A_124, %add3A_146 : i32
        %lt3A_148 = arith.cmpi slt, %add3A_147, %select_n3A_82 : i32
        %convert_element_type3A_149 = arith.extui %lt3A_148 : i1 to i32
        %cond3A_150 = arith.constant 0 : i32
        %cond3A_151 = arith.cmpi ne, %convert_element_type3A_149, %cond3A_150 : i32
        scf.if %cond3A_151 {
          %add3A_205 = arith.constant 1 : i32
          %add3A_206 = arith.addi %add3A_124, %add3A_205 : i32
          %mul3A_207 = arith.constant 416 : i32
          %mul3A_208 = arith.muli %add3A_206, %mul3A_207 : i32
          %add3A_209 = arith.addi %mul3A_53, %mul3A_208 : i32
          %min3A_210 = arith.constant 99584 : i32
          %min3A_211 = arith.minsi %add3A_209, %min3A_210 : i32
          %dma_start3A = arith.constant 0 : i32
          %dma_start3A_212 = tpu.memref_slice %arg2[%min3A_211, %dma_start3A] : memref<100000x128xf32, #tpu.memory_space<hbm>> -> memref<416x128xf32, #tpu.memory_space<hbm>>
          %dma_start3A_213 = arith.constant 0 : i32
          %dma_start3A_214 = tpu.memref_slice %arg2[%min3A_211, %dma_start3A_213] : memref<100000x128xf32, #tpu.memory_space<hbm>> -> memref<416x128xf32, #tpu.memory_space<hbm>>
          tpu.enqueue_dma source(%dma_start3A_214 : memref<416x128xf32, #tpu.memory_space<hbm>>) target(%arg7 : memref<416x128xf32, #tpu.memory_space<vmem>>) target_semaphore(%arg14 : memref<!tpu.dma_semaphore, #tpu.memory_space<semaphore_mem>>)
          %dma_start3A_215 = arith.constant 0 : i32
          %dma_start3A_216 = tpu.memref_slice %arg9[%dma_start3A_215] : memref<432xi32, #tpu.memory_space<vmem>> -> memref<416xi32, #tpu.memory_space<vmem>>
          %dma_start3A_217 = tpu.memref_slice %arg3[%min3A_211] : memref<100000xi32, #tpu.memory_space<hbm>> -> memref<416xi32, #tpu.memory_space<hbm>>
          %dma_start3A_218 = arith.constant 0 : i32
          %dma_start3A_219 = tpu.memref_slice %arg9[%dma_start3A_218] : memref<432xi32, #tpu.memory_space<vmem>> -> memref<416xi32, #tpu.memory_space<vmem>>
          %dma_start3A_220 = tpu.memref_slice %arg3[%min3A_211] : memref<100000xi32, #tpu.memory_space<hbm>> -> memref<416xi32, #tpu.memory_space<hbm>>
          tpu.enqueue_dma source(%dma_start3A_220 : memref<416xi32, #tpu.memory_space<hbm>>) target(%dma_start3A_219 : memref<416xi32, #tpu.memory_space<vmem>>) target_semaphore(%arg16 : memref<!tpu.dma_semaphore, #tpu.memory_space<semaphore_mem>>)
        } else {
        }
        %mul3A_152 = arith.constant 416 : i32
        %mul3A_153 = arith.muli %add3A_124, %mul3A_152 : i32
        %add3A_154 = arith.addi %mul3A_53, %mul3A_153 : i32
        %mul3A_155 = arith.constant 416 : i32
        %mul3A_156 = arith.muli %add3A_124, %mul3A_155 : i32
        %add3A_157 = arith.addi %mul3A_53, %mul3A_156 : i32
        %min3A_158 = arith.constant 99584 : i32
        %min3A_159 = arith.minsi %add3A_157, %min3A_158 : i32
        %max3A = arith.maxsi %squeeze3A, %add3A_154 : i32
        %add3A_160 = arith.constant 416 : i32
        %add3A_161 = arith.addi %add3A_154, %add3A_160 : i32
        %min3A_162 = arith.minsi %squeeze3A_27, %add3A_161 : i32
        %sub3A_163 = arith.subi %min3A_162, %max3A : i32
        %jit3A_164 = arith.constant 2 : i32
        %div3A_165 = arith.divsi %sub3A_163, %jit3A_164 : i32
        %sign3A_166 = arith.constant 0 : i32
        %sign3A_167 = arith.cmpi sgt, %sub3A_163, %sign3A_166 : i32
        %sign3A_168 = arith.extui %sign3A_167 : i1 to i32
        %sign3A_169 = arith.constant 0 : i32
        %sign3A_170 = arith.cmpi slt, %sub3A_163, %sign3A_169 : i32
        %sign3A_171 = arith.extui %sign3A_170 : i1 to i32
        %sign3A_172 = arith.subi %sign3A_168, %sign3A_171 : i32
        %sign3A_173 = arith.constant 0 : i32
        %sign3A_174 = arith.cmpi sgt, %jit3A_164, %sign3A_173 : i32
        %sign3A_175 = arith.extui %sign3A_174 : i1 to i32
        %sign3A_176 = arith.constant 0 : i32
        %sign3A_177 = arith.cmpi slt, %jit3A_164, %sign3A_176 : i32
        %sign3A_178 = arith.extui %sign3A_177 : i1 to i32
        %sign3A_179 = arith.subi %sign3A_175, %sign3A_178 : i32
        %ne3A_180 = arith.cmpi ne, %sign3A_172, %sign3A_179 : i32
        %rem3A_181 = arith.remsi %sub3A_163, %jit3A_164 : i32
        %ne3A_182 = arith.constant 0 : i32
        %ne3A_183 = arith.cmpi ne, %rem3A_181, %ne3A_182 : i32
        %and3A_184 = arith.andi %ne3A_180, %ne3A_183 : i1
        %sub3A_185 = arith.constant 1 : i32
        %sub3A_186 = arith.subi %div3A_165, %sub3A_185 : i32
        %select_n3A_187 = arith.select %and3A_184, %sub3A_186, %div3A_165 : i32
        %while3A_188 = arith.constant 0 : i32
        %while3A_189 = arith.constant 0 : i32
        %while3A_190 = arith.subi %select_n3A_187, %while3A_189 : i32
        %while3A_191 = arith.addi %while3A_189, %while3A_190 : i32
        %while3A_192 = arith.constant 1 : i32
        %while3A_193 = arith.divsi %while3A_190, %while3A_192 : i32
        %while3A_194 = arith.muli %while3A_193, %while3A_192 : i32
        %while3A_195 = arith.addi %while3A_189, %while3A_194 : i32
        %while3A_196 = arith.constant 1 : i32
        scf.for %while3A_205 = %while3A_189 to %while3A_195 step %while3A_196  : i32 {
          %mul3A_206 = arith.constant 2 : i32
          %mul3A_207 = arith.muli %mul3A_206, %while3A_205 : i32
          %add3A_208 = arith.addi %max3A, %mul3A_207 : i32
          %sub3A_209 = arith.subi %add3A_208, %min3A_159 : i32
          %add3A_210 = arith.constant 1 : i32
          %add3A_211 = arith.addi %sub3A_209, %add3A_210 : i32
          %get3A_212 = arith.index_cast %sub3A_209 : i32 to index
          %get3A_213 = tpu.vector_load %arg10[%get3A_212] {strides = array<i32>} : memref<432xi32, #tpu.memory_space<vmem>>, vector<16xi32>,
          %get3A_214 = arith.index_cast %sub3A_209 : i32 to index
          %get3A_215 = arith.constant 0 : index
          %get3A_216 = tpu.vector_load %arg8[%get3A_214, %get3A_215] {strides = array<i32>} : memref<416x128xf32, #tpu.memory_space<vmem>>, vector<16xf32>,
          %get3A_217 = arith.index_cast %sub3A_209 : i32 to index
          %get3A_218 = arith.constant 16 : index
          %get3A_219 = tpu.vector_load %arg8[%get3A_217, %get3A_218] {strides = array<i32>} : memref<416x128xf32, #tpu.memory_space<vmem>>, vector<16xf32>,
          %get3A_220 = arith.index_cast %sub3A_209 : i32 to index
          %get3A_221 = arith.constant 32 : index
          %get3A_222 = tpu.vector_load %arg8[%get3A_220, %get3A_221] {strides = array<i32>} : memref<416x128xf32, #tpu.memory_space<vmem>>, vector<16xf32>,
          %get3A_223 = arith.index_cast %sub3A_209 : i32 to index
          %get3A_224 = arith.constant 48 : index
          %get3A_225 = tpu.vector_load %arg8[%get3A_223, %get3A_224] {strides = array<i32>} : memref<416x128xf32, #tpu.memory_space<vmem>>, vector<16xf32>,
          %get3A_226 = arith.index_cast %sub3A_209 : i32 to index
          %get3A_227 = arith.constant 64 : index
          %get3A_228 = tpu.vector_load %arg8[%get3A_226, %get3A_227] {strides = array<i32>} : memref<416x128xf32, #tpu.memory_space<vmem>>, vector<16xf32>,
          %get3A_229 = arith.index_cast %sub3A_209 : i32 to index
          %get3A_230 = arith.constant 80 : index
          %get3A_231 = tpu.vector_load %arg8[%get3A_229, %get3A_230] {strides = array<i32>} : memref<416x128xf32, #tpu.memory_space<vmem>>, vector<16xf32>,
          %get3A_232 = arith.index_cast %sub3A_209 : i32 to index
          %get3A_233 = arith.constant 96 : index
          %get3A_234 = tpu.vector_load %arg8[%get3A_232, %get3A_233] {strides = array<i32>} : memref<416x128xf32, #tpu.memory_space<vmem>>, vector<16xf32>,
          %get3A_235 = arith.index_cast %sub3A_209 : i32 to index
          %get3A_236 = arith.constant 112 : index
          %get3A_237 = tpu.vector_load %arg8[%get3A_235, %get3A_236] {strides = array<i32>} : memref<416x128xf32, #tpu.memory_space<vmem>>, vector<16xf32>,
          %get3A_238 = arith.index_cast %add3A_211 : i32 to index
          %get3A_239 = arith.constant 0 : index
          %get3A_240 = tpu.vector_load %arg8[%get3A_238, %get3A_239] {strides = array<i32>} : memref<416x128xf32, #tpu.memory_space<vmem>>, vector<16xf32>,
          %get3A_241 = arith.index_cast %add3A_211 : i32 to index
          %get3A_242 = arith.constant 16 : index
          %get3A_243 = tpu.vector_load %arg8[%get3A_241, %get3A_242] {strides = array<i32>} : memref<416x128xf32, #tpu.memory_space<vmem>>, vector<16xf32>,
          %get3A_244 = arith.index_cast %add3A_211 : i32 to index
          %get3A_245 = arith.constant 32 : index
          %get3A_246 = tpu.vector_load %arg8[%get3A_244, %get3A_245] {strides = array<i32>} : memref<416x128xf32, #tpu.memory_space<vmem>>, vector<16xf32>,
          %get3A_247 = arith.index_cast %add3A_211 : i32 to index
          %get3A_248 = arith.constant 48 : index
          %get3A_249 = tpu.vector_load %arg8[%get3A_247, %get3A_248] {strides = array<i32>} : memref<416x128xf32, #tpu.memory_space<vmem>>, vector<16xf32>,
          %get3A_250 = arith.index_cast %add3A_211 : i32 to index
          %get3A_251 = arith.constant 64 : index
          %get3A_252 = tpu.vector_load %arg8[%get3A_250, %get3A_251] {strides = array<i32>} : memref<416x128xf32, #tpu.memory_space<vmem>>, vector<16xf32>,
          %get3A_253 = arith.index_cast %add3A_211 : i32 to index
          %get3A_254 = arith.constant 80 : index
          %get3A_255 = tpu.vector_load %arg8[%get3A_253, %get3A_254] {strides = array<i32>} : memref<416x128xf32, #tpu.memory_space<vmem>>, vector<16xf32>,
          %get3A_256 = arith.index_cast %add3A_211 : i32 to index
          %get3A_257 = arith.constant 96 : index
          %get3A_258 = tpu.vector_load %arg8[%get3A_256, %get3A_257] {strides = array<i32>} : memref<416x128xf32, #tpu.memory_space<vmem>>, vector<16xf32>,
          %get3A_259 = arith.index_cast %add3A_211 : i32 to index
          %get3A_260 = arith.constant 112 : index
          %get3A_261 = tpu.vector_load %arg8[%get3A_259, %get3A_260] {strides = array<i32>} : memref<416x128xf32, #tpu.memory_space<vmem>>, vector<16xf32>,
          %mul3A_262 = arith.mulf %get3A_216, %get3A_3 : vector<16xf32>
          %mul3A_263 = arith.mulf %get3A_219, %get3A_5 : vector<16xf32>
          %add3A_264 = arith.addf %mul3A_262, %mul3A_263 : vector<16xf32>
          %mul3A_265 = arith.mulf %get3A_222, %get3A_7 : vector<16xf32>
          %add3A_266 = arith.addf %add3A_264, %mul3A_265 : vector<16xf32>
          %mul3A_267 = arith.mulf %get3A_225, %get3A_9 : vector<16xf32>
          %add3A_268 = arith.addf %add3A_266, %mul3A_267 : vector<16xf32>
          %mul3A_269 = arith.mulf %get3A_228, %get3A_11 : vector<16xf32>
          %add3A_270 = arith.addf %add3A_268, %mul3A_269 : vector<16xf32>
          %mul3A_271 = arith.mulf %get3A_231, %get3A_13 : vector<16xf32>
          %add3A_272 = arith.addf %add3A_270, %mul3A_271 : vector<16xf32>
          %mul3A_273 = arith.mulf %get3A_234, %get3A_15 : vector<16xf32>
          %add3A_274 = arith.addf %add3A_272, %mul3A_273 : vector<16xf32>
          %mul3A_275 = arith.mulf %get3A_237, %get3A_17 : vector<16xf32>
          %add3A_276 = arith.addf %add3A_274, %mul3A_275 : vector<16xf32>
          %rev3A = arith.constant 15 : i32
          %rev3A_277 = vector.broadcast %rev3A : i32 to vector<16xi32>
          %rev3A_278 = tpu.iota {dimensions = array<i32: 0>} : vector<16xi32>
          %rev3A_279 = arith.subi %rev3A_277, %rev3A_278 : vector<16xi32>
          %rev3A_280 = tpu.dynamic_gather %add3A_276[%rev3A_279] in [0] : vector<16xf32>, vector<16xi32> -> vector<16xf32>
          %add3A_281 = arith.addf %add3A_276, %rev3A_280 : vector<16xf32>
          %mul3A_282 = arith.mulf %get3A_240, %get3A_3 : vector<16xf32>
          %mul3A_283 = arith.mulf %get3A_243, %get3A_5 : vector<16xf32>
          %add3A_284 = arith.addf %mul3A_282, %mul3A_283 : vector<16xf32>
          %mul3A_285 = arith.mulf %get3A_246, %get3A_7 : vector<16xf32>
          %add3A_286 = arith.addf %add3A_284, %mul3A_285 : vector<16xf32>
          %mul3A_287 = arith.mulf %get3A_249, %get3A_9 : vector<16xf32>
          %add3A_288 = arith.addf %add3A_286, %mul3A_287 : vector<16xf32>
          %mul3A_289 = arith.mulf %get3A_252, %get3A_11 : vector<16xf32>
          %add3A_290 = arith.addf %add3A_288, %mul3A_289 : vector<16xf32>
          %mul3A_291 = arith.mulf %get3A_255, %get3A_13 : vector<16xf32>
          %add3A_292 = arith.addf %add3A_290, %mul3A_291 : vector<16xf32>
          %mul3A_293 = arith.mulf %get3A_258, %get3A_15 : vector<16xf32>
          %add3A_294 = arith.addf %add3A_292, %mul3A_293 : vector<16xf32>
          %mul3A_295 = arith.mulf %get3A_261, %get3A_17 : vector<16xf32>
          %add3A_296 = arith.addf %add3A_294, %mul3A_295 : vector<16xf32>
          %rev3A_297 = arith.constant 15 : i32
          %rev3A_298 = vector.broadcast %rev3A_297 : i32 to vector<16xi32>
          %rev3A_299 = tpu.iota {dimensions = array<i32: 0>} : vector<16xi32>
          %rev3A_300 = arith.subi %rev3A_298, %rev3A_299 : vector<16xi32>
          %rev3A_301 = tpu.dynamic_gather %add3A_296[%rev3A_300] in [0] : vector<16xf32>, vector<16xi32> -> vector<16xf32>
          %add3A_302 = arith.addf %add3A_296, %rev3A_301 : vector<16xf32>
          %select_n3A_303 = arith.select %lt3A_29, %add3A_281, %add3A_302 : vector<16xi1>, vector<16xf32>
          %broadcast_in_dim3A_304 = arith.constant true
          %broadcast_in_dim3A_305 = vector.broadcast %broadcast_in_dim3A_304 : i1 to vector<16xi1>
          %masked_cumsum3A = tpu.scan <sum>, %select_n3A_303 masked %broadcast_in_dim3A_305 : vector<16xf32>, vector<16xi1> -> vector<16xf32>
          %slice3A_306 = vector.extract_strided_slice %masked_cumsum3A {offsets = [7], sizes = [1], strides = [1]} : vector<16xf32> to vector<1xf32>
          %squeeze3A_307 = vector.extract %slice3A_306[0] : f32 from vector<1xf32>
          %slice3A_308 = vector.extract_strided_slice %masked_cumsum3A {offsets = [15], sizes = [1], strides = [1]} : vector<16xf32> to vector<1xf32>
          %squeeze3A_309 = vector.extract %slice3A_308[0] : f32 from vector<1xf32>
          %broadcast_in_dim3A_310 = vector.broadcast %squeeze3A_307 : f32 to vector<16xf32>
          %add3A_311 = arith.addf %broadcast_in_dim3A_310, %get3A_19 : vector<16xf32>
          %neg3A = arith.constant 0.000000e+00 : f32
          %neg3A_312 = vector.broadcast %neg3A : f32 to vector<16xf32>
          %neg3A_313 = arith.subf %neg3A_312, %add3A_311 : vector<16xf32>
          %exp3A = math.exp %neg3A_313 : vector<16xf32>
          %add3A_314 = arith.constant 1.000000e+00 : f32
          %add3A_315 = vector.broadcast %add3A_314 : f32 to vector<16xf32>
          %add3A_316 = arith.addf %add3A_315, %exp3A : vector<16xf32>
          %div3A_317 = arith.constant 1.000000e+00 : f32
          %div3A_318 = vector.broadcast %div3A_317 : f32 to vector<16xf32>
          %div3A_319 = arith.divf %div3A_318, %add3A_316 : vector<16xf32>
          %sub3A_320 = arith.subf %squeeze3A_309, %squeeze3A_307 : f32
          %broadcast_in_dim3A_321 = vector.broadcast %sub3A_320 : f32 to vector<16xf32>
          %add3A_322 = arith.addf %broadcast_in_dim3A_321, %get3A_19 : vector<16xf32>
          %neg3A_323 = arith.constant 0.000000e+00 : f32
          %neg3A_324 = vector.broadcast %neg3A_323 : f32 to vector<16xf32>
          %neg3A_325 = arith.subf %neg3A_324, %add3A_322 : vector<16xf32>
          %exp3A_326 = math.exp %neg3A_325 : vector<16xf32>
          %add3A_327 = arith.constant 1.000000e+00 : f32
          %add3A_328 = vector.broadcast %add3A_327 : f32 to vector<16xf32>
          %add3A_329 = arith.addf %add3A_328, %exp3A_326 : vector<16xf32>
          %div3A_330 = arith.constant 1.000000e+00 : f32
          %div3A_331 = vector.broadcast %div3A_330 : f32 to vector<16xf32>
          %div3A_332 = arith.divf %div3A_331, %add3A_329 : vector<16xf32>
          %slice3A_333 = vector.extract_strided_slice %get3A_213 {offsets = [0], sizes = [1], strides = [1]} : vector<16xi32> to vector<1xi32>
          %squeeze3A_334 = vector.extract %slice3A_333[0] : i32 from vector<1xi32>
          %sub3A_335 = arith.subi %squeeze3A_334, %mul3A_2 : i32
          %mul3A_336 = arith.mulf %get3A_216, %div3A_319 : vector<16xf32>
          %swap3A = arith.index_cast %sub3A_335 : i32 to index
          %swap3A_337 = arith.constant 0 : index
          %swap3A_338 = tpu.vector_load %arg11[%swap3A, %swap3A_337] {strides = array<i32>} : memref<128x128xf32, #tpu.memory_space<vmem>>, vector<16xf32>,
          tpu.vector_store %arg11[%swap3A, %swap3A_337], %mul3A_336 {add = true, strides = array<i32>} : memref<128x128xf32, #tpu.memory_space<vmem>>, vector<16xf32>,
          %mul3A_339 = arith.mulf %get3A_219, %div3A_319 : vector<16xf32>
          %swap3A_340 = arith.index_cast %sub3A_335 : i32 to index
          %swap3A_341 = arith.constant 16 : index
          %swap3A_342 = tpu.vector_load %arg11[%swap3A_340, %swap3A_341] {strides = array<i32>} : memref<128x128xf32, #tpu.memory_space<vmem>>, vector<16xf32>,
          tpu.vector_store %arg11[%swap3A_340, %swap3A_341], %mul3A_339 {add = true, strides = array<i32>} : memref<128x128xf32, #tpu.memory_space<vmem>>, vector<16xf32>,
          %mul3A_343 = arith.mulf %get3A_222, %div3A_319 : vector<16xf32>
          %swap3A_344 = arith.index_cast %sub3A_335 : i32 to index
          %swap3A_345 = arith.constant 32 : index
          %swap3A_346 = tpu.vector_load %arg11[%swap3A_344, %swap3A_345] {strides = array<i32>} : memref<128x128xf32, #tpu.memory_space<vmem>>, vector<16xf32>,
          tpu.vector_store %arg11[%swap3A_344, %swap3A_345], %mul3A_343 {add = true, strides = array<i32>} : memref<128x128xf32, #tpu.memory_space<vmem>>, vector<16xf32>,
          %mul3A_347 = arith.mulf %get3A_225, %div3A_319 : vector<16xf32>
          %swap3A_348 = arith.index_cast %sub3A_335 : i32 to index
          %swap3A_349 = arith.constant 48 : index
          %swap3A_350 = tpu.vector_load %arg11[%swap3A_348, %swap3A_349] {strides = array<i32>} : memref<128x128xf32, #tpu.memory_space<vmem>>, vector<16xf32>,
          tpu.vector_store %arg11[%swap3A_348, %swap3A_349], %mul3A_347 {add = true, strides = array<i32>} : memref<128x128xf32, #tpu.memory_space<vmem>>, vector<16xf32>,
          %mul3A_351 = arith.mulf %get3A_228, %div3A_319 : vector<16xf32>
          %swap3A_352 = arith.index_cast %sub3A_335 : i32 to index
          %swap3A_353 = arith.constant 64 : index
          %swap3A_354 = tpu.vector_load %arg11[%swap3A_352, %swap3A_353] {strides = array<i32>} : memref<128x128xf32, #tpu.memory_space<vmem>>, vector<16xf32>,
          tpu.vector_store %arg11[%swap3A_352, %swap3A_353], %mul3A_351 {add = true, strides = array<i32>} : memref<128x128xf32, #tpu.memory_space<vmem>>, vector<16xf32>,
          %mul3A_355 = arith.mulf %get3A_231, %div3A_319 : vector<16xf32>
          %swap3A_356 = arith.index_cast %sub3A_335 : i32 to index
          %swap3A_357 = arith.constant 80 : index
          %swap3A_358 = tpu.vector_load %arg11[%swap3A_356, %swap3A_357] {strides = array<i32>} : memref<128x128xf32, #tpu.memory_space<vmem>>, vector<16xf32>,
          tpu.vector_store %arg11[%swap3A_356, %swap3A_357], %mul3A_355 {add = true, strides = array<i32>} : memref<128x128xf32, #tpu.memory_space<vmem>>, vector<16xf32>,
          %mul3A_359 = arith.mulf %get3A_234, %div3A_319 : vector<16xf32>
          %swap3A_360 = arith.index_cast %sub3A_335 : i32 to index
          %swap3A_361 = arith.constant 96 : index
          %swap3A_362 = tpu.vector_load %arg11[%swap3A_360, %swap3A_361] {strides = array<i32>} : memref<128x128xf32, #tpu.memory_space<vmem>>, vector<16xf32>,
          tpu.vector_store %arg11[%swap3A_360, %swap3A_361], %mul3A_359 {add = true, strides = array<i32>} : memref<128x128xf32, #tpu.memory_space<vmem>>, vector<16xf32>,
          %mul3A_363 = arith.mulf %get3A_237, %div3A_319 : vector<16xf32>
          %swap3A_364 = arith.index_cast %sub3A_335 : i32 to index
          %swap3A_365 = arith.constant 112 : index
          %swap3A_366 = tpu.vector_load %arg11[%swap3A_364, %swap3A_365] {strides = array<i32>} : memref<128x128xf32, #tpu.memory_space<vmem>>, vector<16xf32>,
          tpu.vector_store %arg11[%swap3A_364, %swap3A_365], %mul3A_363 {add = true, strides = array<i32>} : memref<128x128xf32, #tpu.memory_space<vmem>>, vector<16xf32>,
          %slice3A_367 = vector.extract_strided_slice %get3A_213 {offsets = [1], sizes = [1], strides = [1]} : vector<16xi32> to vector<1xi32>
          %squeeze3A_368 = vector.extract %slice3A_367[0] : i32 from vector<1xi32>
          %sub3A_369 = arith.subi %squeeze3A_368, %mul3A_2 : i32
          %mul3A_370 = arith.mulf %get3A_240, %div3A_332 : vector<16xf32>
          %swap3A_371 = arith.index_cast %sub3A_369 : i32 to index
          %swap3A_372 = arith.constant 0 : index
          %swap3A_373 = tpu.vector_load %arg11[%swap3A_371, %swap3A_372] {strides = array<i32>} : memref<128x128xf32, #tpu.memory_space<vmem>>, vector<16xf32>,
          tpu.vector_store %arg11[%swap3A_371, %swap3A_372], %mul3A_370 {add = true, strides = array<i32>} : memref<128x128xf32, #tpu.memory_space<vmem>>, vector<16xf32>,
          %mul3A_374 = arith.mulf %get3A_243, %div3A_332 : vector<16xf32>
          %swap3A_375 = arith.index_cast %sub3A_369 : i32 to index
          %swap3A_376 = arith.constant 16 : index
          %swap3A_377 = tpu.vector_load %arg11[%swap3A_375, %swap3A_376] {strides = array<i32>} : memref<128x128xf32, #tpu.memory_space<vmem>>, vector<16xf32>,
          tpu.vector_store %arg11[%swap3A_375, %swap3A_376], %mul3A_374 {add = true, strides = array<i32>} : memref<128x128xf32, #tpu.memory_space<vmem>>, vector<16xf32>,
          %mul3A_378 = arith.mulf %get3A_246, %div3A_332 : vector<16xf32>
          %swap3A_379 = arith.index_cast %sub3A_369 : i32 to index
          %swap3A_380 = arith.constant 32 : index
          %swap3A_381 = tpu.vector_load %arg11[%swap3A_379, %swap3A_380] {strides = array<i32>} : memref<128x128xf32, #tpu.memory_space<vmem>>, vector<16xf32>,
          tpu.vector_store %arg11[%swap3A_379, %swap3A_380], %mul3A_378 {add = true, strides = array<i32>} : memref<128x128xf32, #tpu.memory_space<vmem>>, vector<16xf32>,
          %mul3A_382 = arith.mulf %get3A_249, %div3A_332 : vector<16xf32>
          %swap3A_383 = arith.index_cast %sub3A_369 : i32 to index
          %swap3A_384 = arith.constant 48 : index
          %swap3A_385 = tpu.vector_load %arg11[%swap3A_383, %swap3A_384] {strides = array<i32>} : memref<128x128xf32, #tpu.memory_space<vmem>>, vector<16xf32>,
          tpu.vector_store %arg11[%swap3A_383, %swap3A_384], %mul3A_382 {add = true, strides = array<i32>} : memref<128x128xf32, #tpu.memory_space<vmem>>, vector<16xf32>,
          %mul3A_386 = arith.mulf %get3A_252, %div3A_332 : vector<16xf32>
          %swap3A_387 = arith.index_cast %sub3A_369 : i32 to index
          %swap3A_388 = arith.constant 64 : index
          %swap3A_389 = tpu.vector_load %arg11[%swap3A_387, %swap3A_388] {strides = array<i32>} : memref<128x128xf32, #tpu.memory_space<vmem>>, vector<16xf32>,
          tpu.vector_store %arg11[%swap3A_387, %swap3A_388], %mul3A_386 {add = true, strides = array<i32>} : memref<128x128xf32, #tpu.memory_space<vmem>>, vector<16xf32>,
          %mul3A_390 = arith.mulf %get3A_255, %div3A_332 : vector<16xf32>
          %swap3A_391 = arith.index_cast %sub3A_369 : i32 to index
          %swap3A_392 = arith.constant 80 : index
          %swap3A_393 = tpu.vector_load %arg11[%swap3A_391, %swap3A_392] {strides = array<i32>} : memref<128x128xf32, #tpu.memory_space<vmem>>, vector<16xf32>,
          tpu.vector_store %arg11[%swap3A_391, %swap3A_392], %mul3A_390 {add = true, strides = array<i32>} : memref<128x128xf32, #tpu.memory_space<vmem>>, vector<16xf32>,
          %mul3A_394 = arith.mulf %get3A_258, %div3A_332 : vector<16xf32>
          %swap3A_395 = arith.index_cast %sub3A_369 : i32 to index
          %swap3A_396 = arith.constant 96 : index
          %swap3A_397 = tpu.vector_load %arg11[%swap3A_395, %swap3A_396] {strides = array<i32>} : memref<128x128xf32, #tpu.memory_space<vmem>>, vector<16xf32>,
          tpu.vector_store %arg11[%swap3A_395, %swap3A_396], %mul3A_394 {add = true, strides = array<i32>} : memref<128x128xf32, #tpu.memory_space<vmem>>, vector<16xf32>,
          %mul3A_398 = arith.mulf %get3A_261, %div3A_332 : vector<16xf32>
          %swap3A_399 = arith.index_cast %sub3A_369 : i32 to index
          %swap3A_400 = arith.constant 112 : index
          %swap3A_401 = tpu.vector_load %arg11[%swap3A_399, %swap3A_400] {strides = array<i32>} : memref<128x128xf32, #tpu.memory_space<vmem>>, vector<16xf32>,
          tpu.vector_store %arg11[%swap3A_399, %swap3A_400], %mul3A_398 {add = true, strides = array<i32>} : memref<128x128xf32, #tpu.memory_space<vmem>>, vector<16xf32>,
        }
        %while3A_197 = arith.constant 1 : i32
        scf.for %while3A_205 = %while3A_195 to %while3A_191 step %while3A_197  : i32 {
          %mul3A_206 = arith.constant 2 : i32
          %mul3A_207 = arith.muli %mul3A_206, %while3A_205 : i32
          %add3A_208 = arith.addi %max3A, %mul3A_207 : i32
          %sub3A_209 = arith.subi %add3A_208, %min3A_159 : i32
          %add3A_210 = arith.constant 1 : i32
          %add3A_211 = arith.addi %sub3A_209, %add3A_210 : i32
          %get3A_212 = arith.index_cast %sub3A_209 : i32 to index
          %get3A_213 = tpu.vector_load %arg10[%get3A_212] {strides = array<i32>} : memref<432xi32, #tpu.memory_space<vmem>>, vector<16xi32>,
          %get3A_214 = arith.index_cast %sub3A_209 : i32 to index
          %get3A_215 = arith.constant 0 : index
          %get3A_216 = tpu.vector_load %arg8[%get3A_214, %get3A_215] {strides = array<i32>} : memref<416x128xf32, #tpu.memory_space<vmem>>, vector<16xf32>,
          %get3A_217 = arith.index_cast %sub3A_209 : i32 to index
          %get3A_218 = arith.constant 16 : index
          %get3A_219 = tpu.vector_load %arg8[%get3A_217, %get3A_218] {strides = array<i32>} : memref<416x128xf32, #tpu.memory_space<vmem>>, vector<16xf32>,
          %get3A_220 = arith.index_cast %sub3A_209 : i32 to index
          %get3A_221 = arith.constant 32 : index
          %get3A_222 = tpu.vector_load %arg8[%get3A_220, %get3A_221] {strides = array<i32>} : memref<416x128xf32, #tpu.memory_space<vmem>>, vector<16xf32>,
          %get3A_223 = arith.index_cast %sub3A_209 : i32 to index
          %get3A_224 = arith.constant 48 : index
          %get3A_225 = tpu.vector_load %arg8[%get3A_223, %get3A_224] {strides = array<i32>} : memref<416x128xf32, #tpu.memory_space<vmem>>, vector<16xf32>,
          %get3A_226 = arith.index_cast %sub3A_209 : i32 to index
          %get3A_227 = arith.constant 64 : index
          %get3A_228 = tpu.vector_load %arg8[%get3A_226, %get3A_227] {strides = array<i32>} : memref<416x128xf32, #tpu.memory_space<vmem>>, vector<16xf32>,
          %get3A_229 = arith.index_cast %sub3A_209 : i32 to index
          %get3A_230 = arith.constant 80 : index
          %get3A_231 = tpu.vector_load %arg8[%get3A_229, %get3A_230] {strides = array<i32>} : memref<416x128xf32, #tpu.memory_space<vmem>>, vector<16xf32>,
          %get3A_232 = arith.index_cast %sub3A_209 : i32 to index
          %get3A_233 = arith.constant 96 : index
          %get3A_234 = tpu.vector_load %arg8[%get3A_232, %get3A_233] {strides = array<i32>} : memref<416x128xf32, #tpu.memory_space<vmem>>, vector<16xf32>,
          %get3A_235 = arith.index_cast %sub3A_209 : i32 to index
          %get3A_236 = arith.constant 112 : index
          %get3A_237 = tpu.vector_load %arg8[%get3A_235, %get3A_236] {strides = array<i32>} : memref<416x128xf32, #tpu.memory_space<vmem>>, vector<16xf32>,
          %get3A_238 = arith.index_cast %add3A_211 : i32 to index
          %get3A_239 = arith.constant 0 : index
          %get3A_240 = tpu.vector_load %arg8[%get3A_238, %get3A_239] {strides = array<i32>} : memref<416x128xf32, #tpu.memory_space<vmem>>, vector<16xf32>,
          %get3A_241 = arith.index_cast %add3A_211 : i32 to index
          %get3A_242 = arith.constant 16 : index
          %get3A_243 = tpu.vector_load %arg8[%get3A_241, %get3A_242] {strides = array<i32>} : memref<416x128xf32, #tpu.memory_space<vmem>>, vector<16xf32>,
          %get3A_244 = arith.index_cast %add3A_211 : i32 to index
          %get3A_245 = arith.constant 32 : index
          %get3A_246 = tpu.vector_load %arg8[%get3A_244, %get3A_245] {strides = array<i32>} : memref<416x128xf32, #tpu.memory_space<vmem>>, vector<16xf32>,
          %get3A_247 = arith.index_cast %add3A_211 : i32 to index
          %get3A_248 = arith.constant 48 : index
          %get3A_249 = tpu.vector_load %arg8[%get3A_247, %get3A_248] {strides = array<i32>} : memref<416x128xf32, #tpu.memory_space<vmem>>, vector<16xf32>,
          %get3A_250 = arith.index_cast %add3A_211 : i32 to index
          %get3A_251 = arith.constant 64 : index
          %get3A_252 = tpu.vector_load %arg8[%get3A_250, %get3A_251] {strides = array<i32>} : memref<416x128xf32, #tpu.memory_space<vmem>>, vector<16xf32>,
          %get3A_253 = arith.index_cast %add3A_211 : i32 to index
          %get3A_254 = arith.constant 80 : index
          %get3A_255 = tpu.vector_load %arg8[%get3A_253, %get3A_254] {strides = array<i32>} : memref<416x128xf32, #tpu.memory_space<vmem>>, vector<16xf32>,
          %get3A_256 = arith.index_cast %add3A_211 : i32 to index
          %get3A_257 = arith.constant 96 : index
          %get3A_258 = tpu.vector_load %arg8[%get3A_256, %get3A_257] {strides = array<i32>} : memref<416x128xf32, #tpu.memory_space<vmem>>, vector<16xf32>,
          %get3A_259 = arith.index_cast %add3A_211 : i32 to index
          %get3A_260 = arith.constant 112 : index
          %get3A_261 = tpu.vector_load %arg8[%get3A_259, %get3A_260] {strides = array<i32>} : memref<416x128xf32, #tpu.memory_space<vmem>>, vector<16xf32>,
          %mul3A_262 = arith.mulf %get3A_216, %get3A_3 : vector<16xf32>
          %mul3A_263 = arith.mulf %get3A_219, %get3A_5 : vector<16xf32>
          %add3A_264 = arith.addf %mul3A_262, %mul3A_263 : vector<16xf32>
          %mul3A_265 = arith.mulf %get3A_222, %get3A_7 : vector<16xf32>
          %add3A_266 = arith.addf %add3A_264, %mul3A_265 : vector<16xf32>
          %mul3A_267 = arith.mulf %get3A_225, %get3A_9 : vector<16xf32>
          %add3A_268 = arith.addf %add3A_266, %mul3A_267 : vector<16xf32>
          %mul3A_269 = arith.mulf %get3A_228, %get3A_11 : vector<16xf32>
          %add3A_270 = arith.addf %add3A_268, %mul3A_269 : vector<16xf32>
          %mul3A_271 = arith.mulf %get3A_231, %get3A_13 : vector<16xf32>
          %add3A_272 = arith.addf %add3A_270, %mul3A_271 : vector<16xf32>
          %mul3A_273 = arith.mulf %get3A_234, %get3A_15 : vector<16xf32>
          %add3A_274 = arith.addf %add3A_272, %mul3A_273 : vector<16xf32>
          %mul3A_275 = arith.mulf %get3A_237, %get3A_17 : vector<16xf32>
          %add3A_276 = arith.addf %add3A_274, %mul3A_275 : vector<16xf32>
          %rev3A = arith.constant 15 : i32
          %rev3A_277 = vector.broadcast %rev3A : i32 to vector<16xi32>
          %rev3A_278 = tpu.iota {dimensions = array<i32: 0>} : vector<16xi32>
          %rev3A_279 = arith.subi %rev3A_277, %rev3A_278 : vector<16xi32>
          %rev3A_280 = tpu.dynamic_gather %add3A_276[%rev3A_279] in [0] : vector<16xf32>, vector<16xi32> -> vector<16xf32>
          %add3A_281 = arith.addf %add3A_276, %rev3A_280 : vector<16xf32>
          %mul3A_282 = arith.mulf %get3A_240, %get3A_3 : vector<16xf32>
          %mul3A_283 = arith.mulf %get3A_243, %get3A_5 : vector<16xf32>
          %add3A_284 = arith.addf %mul3A_282, %mul3A_283 : vector<16xf32>
          %mul3A_285 = arith.mulf %get3A_246, %get3A_7 : vector<16xf32>
          %add3A_286 = arith.addf %add3A_284, %mul3A_285 : vector<16xf32>
          %mul3A_287 = arith.mulf %get3A_249, %get3A_9 : vector<16xf32>
          %add3A_288 = arith.addf %add3A_286, %mul3A_287 : vector<16xf32>
          %mul3A_289 = arith.mulf %get3A_252, %get3A_11 : vector<16xf32>
          %add3A_290 = arith.addf %add3A_288, %mul3A_289 : vector<16xf32>
          %mul3A_291 = arith.mulf %get3A_255, %get3A_13 : vector<16xf32>
          %add3A_292 = arith.addf %add3A_290, %mul3A_291 : vector<16xf32>
          %mul3A_293 = arith.mulf %get3A_258, %get3A_15 : vector<16xf32>
          %add3A_294 = arith.addf %add3A_292, %mul3A_293 : vector<16xf32>
          %mul3A_295 = arith.mulf %get3A_261, %get3A_17 : vector<16xf32>
          %add3A_296 = arith.addf %add3A_294, %mul3A_295 : vector<16xf32>
          %rev3A_297 = arith.constant 15 : i32
          %rev3A_298 = vector.broadcast %rev3A_297 : i32 to vector<16xi32>
          %rev3A_299 = tpu.iota {dimensions = array<i32: 0>} : vector<16xi32>
          %rev3A_300 = arith.subi %rev3A_298, %rev3A_299 : vector<16xi32>
          %rev3A_301 = tpu.dynamic_gather %add3A_296[%rev3A_300] in [0] : vector<16xf32>, vector<16xi32> -> vector<16xf32>
          %add3A_302 = arith.addf %add3A_296, %rev3A_301 : vector<16xf32>
          %select_n3A_303 = arith.select %lt3A_29, %add3A_281, %add3A_302 : vector<16xi1>, vector<16xf32>
          %broadcast_in_dim3A_304 = arith.constant true
          %broadcast_in_dim3A_305 = vector.broadcast %broadcast_in_dim3A_304 : i1 to vector<16xi1>
          %masked_cumsum3A = tpu.scan <sum>, %select_n3A_303 masked %broadcast_in_dim3A_305 : vector<16xf32>, vector<16xi1> -> vector<16xf32>
          %slice3A_306 = vector.extract_strided_slice %masked_cumsum3A {offsets = [7], sizes = [1], strides = [1]} : vector<16xf32> to vector<1xf32>
          %squeeze3A_307 = vector.extract %slice3A_306[0] : f32 from vector<1xf32>
          %slice3A_308 = vector.extract_strided_slice %masked_cumsum3A {offsets = [15], sizes = [1], strides = [1]} : vector<16xf32> to vector<1xf32>
          %squeeze3A_309 = vector.extract %slice3A_308[0] : f32 from vector<1xf32>
          %broadcast_in_dim3A_310 = vector.broadcast %squeeze3A_307 : f32 to vector<16xf32>
          %add3A_311 = arith.addf %broadcast_in_dim3A_310, %get3A_19 : vector<16xf32>
          %neg3A = arith.constant 0.000000e+00 : f32
          %neg3A_312 = vector.broadcast %neg3A : f32 to vector<16xf32>
          %neg3A_313 = arith.subf %neg3A_312, %add3A_311 : vector<16xf32>
          %exp3A = math.exp %neg3A_313 : vector<16xf32>
          %add3A_314 = arith.constant 1.000000e+00 : f32
          %add3A_315 = vector.broadcast %add3A_314 : f32 to vector<16xf32>
          %add3A_316 = arith.addf %add3A_315, %exp3A : vector<16xf32>
          %div3A_317 = arith.constant 1.000000e+00 : f32
          %div3A_318 = vector.broadcast %div3A_317 : f32 to vector<16xf32>
          %div3A_319 = arith.divf %div3A_318, %add3A_316 : vector<16xf32>
          %sub3A_320 = arith.subf %squeeze3A_309, %squeeze3A_307 : f32
          %broadcast_in_dim3A_321 = vector.broadcast %sub3A_320 : f32 to vector<16xf32>
          %add3A_322 = arith.addf %broadcast_in_dim3A_321, %get3A_19 : vector<16xf32>
          %neg3A_323 = arith.constant 0.000000e+00 : f32
          %neg3A_324 = vector.broadcast %neg3A_323 : f32 to vector<16xf32>
          %neg3A_325 = arith.subf %neg3A_324, %add3A_322 : vector<16xf32>
          %exp3A_326 = math.exp %neg3A_325 : vector<16xf32>
          %add3A_327 = arith.constant 1.000000e+00 : f32
          %add3A_328 = vector.broadcast %add3A_327 : f32 to vector<16xf32>
          %add3A_329 = arith.addf %add3A_328, %exp3A_326 : vector<16xf32>
          %div3A_330 = arith.constant 1.000000e+00 : f32
          %div3A_331 = vector.broadcast %div3A_330 : f32 to vector<16xf32>
          %div3A_332 = arith.divf %div3A_331, %add3A_329 : vector<16xf32>
          %slice3A_333 = vector.extract_strided_slice %get3A_213 {offsets = [0], sizes = [1], strides = [1]} : vector<16xi32> to vector<1xi32>
          %squeeze3A_334 = vector.extract %slice3A_333[0] : i32 from vector<1xi32>
          %sub3A_335 = arith.subi %squeeze3A_334, %mul3A_2 : i32
          %mul3A_336 = arith.mulf %get3A_216, %div3A_319 : vector<16xf32>
          %swap3A = arith.index_cast %sub3A_335 : i32 to index
          %swap3A_337 = arith.constant 0 : index
          %swap3A_338 = tpu.vector_load %arg11[%swap3A, %swap3A_337] {strides = array<i32>} : memref<128x128xf32, #tpu.memory_space<vmem>>, vector<16xf32>,
          tpu.vector_store %arg11[%swap3A, %swap3A_337], %mul3A_336 {add = true, strides = array<i32>} : memref<128x128xf32, #tpu.memory_space<vmem>>, vector<16xf32>,
          %mul3A_339 = arith.mulf %get3A_219, %div3A_319 : vector<16xf32>
          %swap3A_340 = arith.index_cast %sub3A_335 : i32 to index
          %swap3A_341 = arith.constant 16 : index
          %swap3A_342 = tpu.vector_load %arg11[%swap3A_340, %swap3A_341] {strides = array<i32>} : memref<128x128xf32, #tpu.memory_space<vmem>>, vector<16xf32>,
          tpu.vector_store %arg11[%swap3A_340, %swap3A_341], %mul3A_339 {add = true, strides = array<i32>} : memref<128x128xf32, #tpu.memory_space<vmem>>, vector<16xf32>,
          %mul3A_343 = arith.mulf %get3A_222, %div3A_319 : vector<16xf32>
          %swap3A_344 = arith.index_cast %sub3A_335 : i32 to index
          %swap3A_345 = arith.constant 32 : index
          %swap3A_346 = tpu.vector_load %arg11[%swap3A_344, %swap3A_345] {strides = array<i32>} : memref<128x128xf32, #tpu.memory_space<vmem>>, vector<16xf32>,
          tpu.vector_store %arg11[%swap3A_344, %swap3A_345], %mul3A_343 {add = true, strides = array<i32>} : memref<128x128xf32, #tpu.memory_space<vmem>>, vector<16xf32>,
          %mul3A_347 = arith.mulf %get3A_225, %div3A_319 : vector<16xf32>
          %swap3A_348 = arith.index_cast %sub3A_335 : i32 to index
          %swap3A_349 = arith.constant 48 : index
          %swap3A_350 = tpu.vector_load %arg11[%swap3A_348, %swap3A_349] {strides = array<i32>} : memref<128x128xf32, #tpu.memory_space<vmem>>, vector<16xf32>,
          tpu.vector_store %arg11[%swap3A_348, %swap3A_349], %mul3A_347 {add = true, strides = array<i32>} : memref<128x128xf32, #tpu.memory_space<vmem>>, vector<16xf32>,
          %mul3A_351 = arith.mulf %get3A_228, %div3A_319 : vector<16xf32>
          %swap3A_352 = arith.index_cast %sub3A_335 : i32 to index
          %swap3A_353 = arith.constant 64 : index
          %swap3A_354 = tpu.vector_load %arg11[%swap3A_352, %swap3A_353] {strides = array<i32>} : memref<128x128xf32, #tpu.memory_space<vmem>>, vector<16xf32>,
          tpu.vector_store %arg11[%swap3A_352, %swap3A_353], %mul3A_351 {add = true, strides = array<i32>} : memref<128x128xf32, #tpu.memory_space<vmem>>, vector<16xf32>,
          %mul3A_355 = arith.mulf %get3A_231, %div3A_319 : vector<16xf32>
          %swap3A_356 = arith.index_cast %sub3A_335 : i32 to index
          %swap3A_357 = arith.constant 80 : index
          %swap3A_358 = tpu.vector_load %arg11[%swap3A_356, %swap3A_357] {strides = array<i32>} : memref<128x128xf32, #tpu.memory_space<vmem>>, vector<16xf32>,
          tpu.vector_store %arg11[%swap3A_356, %swap3A_357], %mul3A_355 {add = true, strides = array<i32>} : memref<128x128xf32, #tpu.memory_space<vmem>>, vector<16xf32>,
          %mul3A_359 = arith.mulf %get3A_234, %div3A_319 : vector<16xf32>
          %swap3A_360 = arith.index_cast %sub3A_335 : i32 to index
          %swap3A_361 = arith.constant 96 : index
          %swap3A_362 = tpu.vector_load %arg11[%swap3A_360, %swap3A_361] {strides = array<i32>} : memref<128x128xf32, #tpu.memory_space<vmem>>, vector<16xf32>,
          tpu.vector_store %arg11[%swap3A_360, %swap3A_361], %mul3A_359 {add = true, strides = array<i32>} : memref<128x128xf32, #tpu.memory_space<vmem>>, vector<16xf32>,
          %mul3A_363 = arith.mulf %get3A_237, %div3A_319 : vector<16xf32>
          %swap3A_364 = arith.index_cast %sub3A_335 : i32 to index
          %swap3A_365 = arith.constant 112 : index
          %swap3A_366 = tpu.vector_load %arg11[%swap3A_364, %swap3A_365] {strides = array<i32>} : memref<128x128xf32, #tpu.memory_space<vmem>>, vector<16xf32>,
          tpu.vector_store %arg11[%swap3A_364, %swap3A_365], %mul3A_363 {add = true, strides = array<i32>} : memref<128x128xf32, #tpu.memory_space<vmem>>, vector<16xf32>,
          %slice3A_367 = vector.extract_strided_slice %get3A_213 {offsets = [1], sizes = [1], strides = [1]} : vector<16xi32> to vector<1xi32>
          %squeeze3A_368 = vector.extract %slice3A_367[0] : i32 from vector<1xi32>
          %sub3A_369 = arith.subi %squeeze3A_368, %mul3A_2 : i32
          %mul3A_370 = arith.mulf %get3A_240, %div3A_332 : vector<16xf32>
          %swap3A_371 = arith.index_cast %sub3A_369 : i32 to index
          %swap3A_372 = arith.constant 0 : index
          %swap3A_373 = tpu.vector_load %arg11[%swap3A_371, %swap3A_372] {strides = array<i32>} : memref<128x128xf32, #tpu.memory_space<vmem>>, vector<16xf32>,
          tpu.vector_store %arg11[%swap3A_371, %swap3A_372], %mul3A_370 {add = true, strides = array<i32>} : memref<128x128xf32, #tpu.memory_space<vmem>>, vector<16xf32>,
          %mul3A_374 = arith.mulf %get3A_243, %div3A_332 : vector<16xf32>
          %swap3A_375 = arith.index_cast %sub3A_369 : i32 to index
          %swap3A_376 = arith.constant 16 : index
          %swap3A_377 = tpu.vector_load %arg11[%swap3A_375, %swap3A_376] {strides = array<i32>} : memref<128x128xf32, #tpu.memory_space<vmem>>, vector<16xf32>,
          tpu.vector_store %arg11[%swap3A_375, %swap3A_376], %mul3A_374 {add = true, strides = array<i32>} : memref<128x128xf32, #tpu.memory_space<vmem>>, vector<16xf32>,
          %mul3A_378 = arith.mulf %get3A_246, %div3A_332 : vector<16xf32>
          %swap3A_379 = arith.index_cast %sub3A_369 : i32 to index
          %swap3A_380 = arith.constant 32 : index
          %swap3A_381 = tpu.vector_load %arg11[%swap3A_379, %swap3A_380] {strides = array<i32>} : memref<128x128xf32, #tpu.memory_space<vmem>>, vector<16xf32>,
          tpu.vector_store %arg11[%swap3A_379, %swap3A_380], %mul3A_378 {add = true, strides = array<i32>} : memref<128x128xf32, #tpu.memory_space<vmem>>, vector<16xf32>,
          %mul3A_382 = arith.mulf %get3A_249, %div3A_332 : vector<16xf32>
          %swap3A_383 = arith.index_cast %sub3A_369 : i32 to index
          %swap3A_384 = arith.constant 48 : index
          %swap3A_385 = tpu.vector_load %arg11[%swap3A_383, %swap3A_384] {strides = array<i32>} : memref<128x128xf32, #tpu.memory_space<vmem>>, vector<16xf32>,
          tpu.vector_store %arg11[%swap3A_383, %swap3A_384], %mul3A_382 {add = true, strides = array<i32>} : memref<128x128xf32, #tpu.memory_space<vmem>>, vector<16xf32>,
          %mul3A_386 = arith.mulf %get3A_252, %div3A_332 : vector<16xf32>
          %swap3A_387 = arith.index_cast %sub3A_369 : i32 to index
          %swap3A_388 = arith.constant 64 : index
          %swap3A_389 = tpu.vector_load %arg11[%swap3A_387, %swap3A_388] {strides = array<i32>} : memref<128x128xf32, #tpu.memory_space<vmem>>, vector<16xf32>,
          tpu.vector_store %arg11[%swap3A_387, %swap3A_388], %mul3A_386 {add = true, strides = array<i32>} : memref<128x128xf32, #tpu.memory_space<vmem>>, vector<16xf32>,
          %mul3A_390 = arith.mulf %get3A_255, %div3A_332 : vector<16xf32>
          %swap3A_391 = arith.index_cast %sub3A_369 : i32 to index
          %swap3A_392 = arith.constant 80 : index
          %swap3A_393 = tpu.vector_load %arg11[%swap3A_391, %swap3A_392] {strides = array<i32>} : memref<128x128xf32, #tpu.memory_space<vmem>>, vector<16xf32>,
          tpu.vector_store %arg11[%swap3A_391, %swap3A_392], %mul3A_390 {add = true, strides = array<i32>} : memref<128x128xf32, #tpu.memory_space<vmem>>, vector<16xf32>,
          %mul3A_394 = arith.mulf %get3A_258, %div3A_332 : vector<16xf32>
          %swap3A_395 = arith.index_cast %sub3A_369 : i32 to index
          %swap3A_396 = arith.constant 96 : index
          %swap3A_397 = tpu.vector_load %arg11[%swap3A_395, %swap3A_396] {strides = array<i32>} : memref<128x128xf32, #tpu.memory_space<vmem>>, vector<16xf32>,
          tpu.vector_store %arg11[%swap3A_395, %swap3A_396], %mul3A_394 {add = true, strides = array<i32>} : memref<128x128xf32, #tpu.memory_space<vmem>>, vector<16xf32>,
          %mul3A_398 = arith.mulf %get3A_261, %div3A_332 : vector<16xf32>
          %swap3A_399 = arith.index_cast %sub3A_369 : i32 to index
          %swap3A_400 = arith.constant 112 : index
          %swap3A_401 = tpu.vector_load %arg11[%swap3A_399, %swap3A_400] {strides = array<i32>} : memref<128x128xf32, #tpu.memory_space<vmem>>, vector<16xf32>,
          tpu.vector_store %arg11[%swap3A_399, %swap3A_400], %mul3A_398 {add = true, strides = array<i32>} : memref<128x128xf32, #tpu.memory_space<vmem>>, vector<16xf32>,
        }
        %mul3A_198 = arith.constant 2 : i32
        %mul3A_199 = arith.muli %mul3A_198, %select_n3A_187 : i32
        %add3A_200 = arith.addi %max3A, %mul3A_199 : i32
        %lt3A_201 = arith.cmpi slt, %add3A_200, %min3A_162 : i32
        %convert_element_type3A_202 = arith.extui %lt3A_201 : i1 to i32
        %cond3A_203 = arith.constant 0 : i32
        %cond3A_204 = arith.cmpi ne, %convert_element_type3A_202, %cond3A_203 : i32
        scf.if %cond3A_204 {
          %mul3A_205 = arith.constant 2 : i32
          %mul3A_206 = arith.muli %mul3A_205, %select_n3A_187 : i32
          %add3A_207 = arith.addi %max3A, %mul3A_206 : i32
          %sub3A_208 = arith.subi %add3A_207, %min3A_159 : i32
          %get3A_209 = arith.index_cast %sub3A_208 : i32 to index
          %get3A_210 = arith.constant 0 : index
          %get3A_211 = tpu.vector_load %arg8[%get3A_209, %get3A_210] {strides = array<i32>} : memref<416x128xf32, #tpu.memory_space<vmem>>, vector<16xf32>,
          %get3A_212 = arith.index_cast %sub3A_208 : i32 to index
          %get3A_213 = arith.constant 16 : index
          %get3A_214 = tpu.vector_load %arg8[%get3A_212, %get3A_213] {strides = array<i32>} : memref<416x128xf32, #tpu.memory_space<vmem>>, vector<16xf32>,
          %get3A_215 = arith.index_cast %sub3A_208 : i32 to index
          %get3A_216 = arith.constant 32 : index
          %get3A_217 = tpu.vector_load %arg8[%get3A_215, %get3A_216] {strides = array<i32>} : memref<416x128xf32, #tpu.memory_space<vmem>>, vector<16xf32>,
          %get3A_218 = arith.index_cast %sub3A_208 : i32 to index
          %get3A_219 = arith.constant 48 : index
          %get3A_220 = tpu.vector_load %arg8[%get3A_218, %get3A_219] {strides = array<i32>} : memref<416x128xf32, #tpu.memory_space<vmem>>, vector<16xf32>,
          %get3A_221 = arith.index_cast %sub3A_208 : i32 to index
          %get3A_222 = arith.constant 64 : index
          %get3A_223 = tpu.vector_load %arg8[%get3A_221, %get3A_222] {strides = array<i32>} : memref<416x128xf32, #tpu.memory_space<vmem>>, vector<16xf32>,
          %get3A_224 = arith.index_cast %sub3A_208 : i32 to index
          %get3A_225 = arith.constant 80 : index
          %get3A_226 = tpu.vector_load %arg8[%get3A_224, %get3A_225] {strides = array<i32>} : memref<416x128xf32, #tpu.memory_space<vmem>>, vector<16xf32>,
          %get3A_227 = arith.index_cast %sub3A_208 : i32 to index
          %get3A_228 = arith.constant 96 : index
          %get3A_229 = tpu.vector_load %arg8[%get3A_227, %get3A_228] {strides = array<i32>} : memref<416x128xf32, #tpu.memory_space<vmem>>, vector<16xf32>,
          %get3A_230 = arith.index_cast %sub3A_208 : i32 to index
          %get3A_231 = arith.constant 112 : index
          %get3A_232 = tpu.vector_load %arg8[%get3A_230, %get3A_231] {strides = array<i32>} : memref<416x128xf32, #tpu.memory_space<vmem>>, vector<16xf32>,
          %mul3A_233 = arith.mulf %get3A_211, %get3A_3 : vector<16xf32>
          %mul3A_234 = arith.mulf %get3A_214, %get3A_5 : vector<16xf32>
          %add3A_235 = arith.addf %mul3A_233, %mul3A_234 : vector<16xf32>
          %mul3A_236 = arith.mulf %get3A_217, %get3A_7 : vector<16xf32>
          %add3A_237 = arith.addf %add3A_235, %mul3A_236 : vector<16xf32>
          %mul3A_238 = arith.mulf %get3A_220, %get3A_9 : vector<16xf32>
          %add3A_239 = arith.addf %add3A_237, %mul3A_238 : vector<16xf32>
          %mul3A_240 = arith.mulf %get3A_223, %get3A_11 : vector<16xf32>
          %add3A_241 = arith.addf %add3A_239, %mul3A_240 : vector<16xf32>
          %mul3A_242 = arith.mulf %get3A_226, %get3A_13 : vector<16xf32>
          %add3A_243 = arith.addf %add3A_241, %mul3A_242 : vector<16xf32>
          %mul3A_244 = arith.mulf %get3A_229, %get3A_15 : vector<16xf32>
          %add3A_245 = arith.addf %add3A_243, %mul3A_244 : vector<16xf32>
          %mul3A_246 = arith.mulf %get3A_232, %get3A_17 : vector<16xf32>
          %add3A_247 = arith.addf %add3A_245, %mul3A_246 : vector<16xf32>
          %rev3A = arith.constant 15 : i32
          %rev3A_248 = vector.broadcast %rev3A : i32 to vector<16xi32>
          %rev3A_249 = tpu.iota {dimensions = array<i32: 0>} : vector<16xi32>
          %rev3A_250 = arith.subi %rev3A_248, %rev3A_249 : vector<16xi32>
          %rev3A_251 = tpu.dynamic_gather %add3A_247[%rev3A_250] in [0] : vector<16xf32>, vector<16xi32> -> vector<16xf32>
          %add3A_252 = arith.addf %add3A_247, %rev3A_251 : vector<16xf32>
          %broadcast_in_dim3A_253 = arith.constant true
          %broadcast_in_dim3A_254 = vector.broadcast %broadcast_in_dim3A_253 : i1 to vector<16xi1>
          %masked_cumsum3A = tpu.scan <sum>, %add3A_252 masked %broadcast_in_dim3A_254 : vector<16xf32>, vector<16xi1> -> vector<16xf32>
          %slice3A_255 = vector.extract_strided_slice %masked_cumsum3A {offsets = [7], sizes = [1], strides = [1]} : vector<16xf32> to vector<1xf32>
          %squeeze3A_256 = vector.extract %slice3A_255[0] : f32 from vector<1xf32>
          %broadcast_in_dim3A_257 = vector.broadcast %squeeze3A_256 : f32 to vector<16xf32>
          %add3A_258 = arith.addf %broadcast_in_dim3A_257, %get3A_19 : vector<16xf32>
          %neg3A = arith.constant 0.000000e+00 : f32
          %neg3A_259 = vector.broadcast %neg3A : f32 to vector<16xf32>
          %neg3A_260 = arith.subf %neg3A_259, %add3A_258 : vector<16xf32>
          %exp3A = math.exp %neg3A_260 : vector<16xf32>
          %add3A_261 = arith.constant 1.000000e+00 : f32
          %add3A_262 = vector.broadcast %add3A_261 : f32 to vector<16xf32>
          %add3A_263 = arith.addf %add3A_262, %exp3A : vector<16xf32>
          %div3A_264 = arith.constant 1.000000e+00 : f32
          %div3A_265 = vector.broadcast %div3A_264 : f32 to vector<16xf32>
          %div3A_266 = arith.divf %div3A_265, %add3A_263 : vector<16xf32>
          %get3A_267 = arith.index_cast %sub3A_208 : i32 to index
          %get3A_268 = tpu.vector_load %arg10[%get3A_267] {strides = array<i32>} : memref<432xi32, #tpu.memory_space<vmem>>, vector<16xi32>,
          %slice3A_269 = vector.extract_strided_slice %get3A_268 {offsets = [0], sizes = [1], strides = [1]} : vector<16xi32> to vector<1xi32>
          %squeeze3A_270 = vector.extract %slice3A_269[0] : i32 from vector<1xi32>
          %sub3A_271 = arith.subi %squeeze3A_270, %mul3A_2 : i32
          %mul3A_272 = arith.mulf %get3A_211, %div3A_266 : vector<16xf32>
          %swap3A = arith.index_cast %sub3A_271 : i32 to index
          %swap3A_273 = arith.constant 0 : index
          %swap3A_274 = tpu.vector_load %arg11[%swap3A, %swap3A_273] {strides = array<i32>} : memref<128x128xf32, #tpu.memory_space<vmem>>, vector<16xf32>,
          tpu.vector_store %arg11[%swap3A, %swap3A_273], %mul3A_272 {add = true, strides = array<i32>} : memref<128x128xf32, #tpu.memory_space<vmem>>, vector<16xf32>,
          %mul3A_275 = arith.mulf %get3A_214, %div3A_266 : vector<16xf32>
          %swap3A_276 = arith.index_cast %sub3A_271 : i32 to index
          %swap3A_277 = arith.constant 16 : index
          %swap3A_278 = tpu.vector_load %arg11[%swap3A_276, %swap3A_277] {strides = array<i32>} : memref<128x128xf32, #tpu.memory_space<vmem>>, vector<16xf32>,
          tpu.vector_store %arg11[%swap3A_276, %swap3A_277], %mul3A_275 {add = true, strides = array<i32>} : memref<128x128xf32, #tpu.memory_space<vmem>>, vector<16xf32>,
          %mul3A_279 = arith.mulf %get3A_217, %div3A_266 : vector<16xf32>
          %swap3A_280 = arith.index_cast %sub3A_271 : i32 to index
          %swap3A_281 = arith.constant 32 : index
          %swap3A_282 = tpu.vector_load %arg11[%swap3A_280, %swap3A_281] {strides = array<i32>} : memref<128x128xf32, #tpu.memory_space<vmem>>, vector<16xf32>,
          tpu.vector_store %arg11[%swap3A_280, %swap3A_281], %mul3A_279 {add = true, strides = array<i32>} : memref<128x128xf32, #tpu.memory_space<vmem>>, vector<16xf32>,
          %mul3A_283 = arith.mulf %get3A_220, %div3A_266 : vector<16xf32>
          %swap3A_284 = arith.index_cast %sub3A_271 : i32 to index
          %swap3A_285 = arith.constant 48 : index
          %swap3A_286 = tpu.vector_load %arg11[%swap3A_284, %swap3A_285] {strides = array<i32>} : memref<128x128xf32, #tpu.memory_space<vmem>>, vector<16xf32>,
          tpu.vector_store %arg11[%swap3A_284, %swap3A_285], %mul3A_283 {add = true, strides = array<i32>} : memref<128x128xf32, #tpu.memory_space<vmem>>, vector<16xf32>,
          %mul3A_287 = arith.mulf %get3A_223, %div3A_266 : vector<16xf32>
          %swap3A_288 = arith.index_cast %sub3A_271 : i32 to index
          %swap3A_289 = arith.constant 64 : index
          %swap3A_290 = tpu.vector_load %arg11[%swap3A_288, %swap3A_289] {strides = array<i32>} : memref<128x128xf32, #tpu.memory_space<vmem>>, vector<16xf32>,
          tpu.vector_store %arg11[%swap3A_288, %swap3A_289], %mul3A_287 {add = true, strides = array<i32>} : memref<128x128xf32, #tpu.memory_space<vmem>>, vector<16xf32>,
          %mul3A_291 = arith.mulf %get3A_226, %div3A_266 : vector<16xf32>
          %swap3A_292 = arith.index_cast %sub3A_271 : i32 to index
          %swap3A_293 = arith.constant 80 : index
          %swap3A_294 = tpu.vector_load %arg11[%swap3A_292, %swap3A_293] {strides = array<i32>} : memref<128x128xf32, #tpu.memory_space<vmem>>, vector<16xf32>,
          tpu.vector_store %arg11[%swap3A_292, %swap3A_293], %mul3A_291 {add = true, strides = array<i32>} : memref<128x128xf32, #tpu.memory_space<vmem>>, vector<16xf32>,
          %mul3A_295 = arith.mulf %get3A_229, %div3A_266 : vector<16xf32>
          %swap3A_296 = arith.index_cast %sub3A_271 : i32 to index
          %swap3A_297 = arith.constant 96 : index
          %swap3A_298 = tpu.vector_load %arg11[%swap3A_296, %swap3A_297] {strides = array<i32>} : memref<128x128xf32, #tpu.memory_space<vmem>>, vector<16xf32>,
          tpu.vector_store %arg11[%swap3A_296, %swap3A_297], %mul3A_295 {add = true, strides = array<i32>} : memref<128x128xf32, #tpu.memory_space<vmem>>, vector<16xf32>,
          %mul3A_299 = arith.mulf %get3A_232, %div3A_266 : vector<16xf32>
          %swap3A_300 = arith.index_cast %sub3A_271 : i32 to index
          %swap3A_301 = arith.constant 112 : index
          %swap3A_302 = tpu.vector_load %arg11[%swap3A_300, %swap3A_301] {strides = array<i32>} : memref<128x128xf32, #tpu.memory_space<vmem>>, vector<16xf32>,
          tpu.vector_store %arg11[%swap3A_300, %swap3A_301], %mul3A_299 {add = true, strides = array<i32>} : memref<128x128xf32, #tpu.memory_space<vmem>>, vector<16xf32>,
        } else {
        }
      } else {
      }
    }
    "tpu.region"() ({
      %run_scoped3A = tpu.sem_alloc : memref<!tpu.dma_semaphore, #tpu.memory_space<semaphore_mem>>
      %dma_start3A = arith.constant 0 : i32
      %dma_start3A_120 = tpu.memref_slice %arg6[%mul3A_2, %dma_start3A] : memref<4096x128xf32, #tpu.memory_space<hbm>> -> memref<128x128xf32, #tpu.memory_space<hbm>>
      %dma_start3A_121 = arith.constant 0 : i32
      %dma_start3A_122 = tpu.memref_slice %arg6[%mul3A_2, %dma_start3A_121] : memref<4096x128xf32, #tpu.memory_space<hbm>> -> memref<128x128xf32, #tpu.memory_space<hbm>>
      tpu.enqueue_dma source(%arg11 : memref<128x128xf32, #tpu.memory_space<vmem>>) target(%dma_start3A_122 : memref<128x128xf32, #tpu.memory_space<hbm>>) target_semaphore(%run_scoped3A : memref<!tpu.dma_semaphore, #tpu.memory_space<semaphore_mem>>)
      %dma_wait3A = arith.constant 0 : i32
      %dma_wait3A_123 = tpu.memref_slice %arg6[%mul3A_2, %dma_wait3A] : memref<4096x128xf32, #tpu.memory_space<hbm>> -> memref<128x128xf32, #tpu.memory_space<hbm>>
      %dma_wait3A_124 = arith.constant 0 : i32
      %dma_wait3A_125 = tpu.memref_slice %arg6[%mul3A_2, %dma_wait3A_124] : memref<4096x128xf32, #tpu.memory_space<hbm>> -> memref<128x128xf32, #tpu.memory_space<hbm>>
      tpu.wait_dma2 semaphore(%run_scoped3A : memref<!tpu.dma_semaphore, #tpu.memory_space<semaphore_mem>>) src(%arg11 : memref<128x128xf32, #tpu.memory_space<vmem>>) dst(%dma_wait3A_125 : memref<128x128xf32, #tpu.memory_space<hbm>>)
      tpu.yield
    }) : () -> ()
    return
  }
}

</mosaic_0001>

<sc_bundles>
// kernel: kernel.3.cloned.1.call-start
scs
__scs_entry_jumppad:
0x0: {  	(pc) =	sbr.rel $0x88, $3  }
0x1: {  	(tag) =	ssettag $0x0;
	lr =	simm.s32 $0x1  }
0x2: {  	[smem:$0x3F9D] =	sst lr;
	_ =	strace $0xD0000000  }
0x3: {  	_ = 	snop  }
0x4: {  	_ = 	snop  }
0x5: {  	_ = 	snop  }
0x6: {  	_ = 	snop  }
0x7: {  	_ = 	snop  }
__scs_overlays_trampoline_lowered:
0x8: {  	[smem:$0x3FAC] =	sst s0  }
0x9: {  	[smem:$0x3FAD] =	sst s1  }
0xa: {  	[smem:$0x3FAE] =	sst s2  }
0xb: {  	[smem:$0x3FAF] =	sst s3  }
0xc: {  	[smem:$0x3FB0] =	sst s4  }
0xd: {  	[smem:$0x3FB1] =	sst s5  }
0xe: {  	[smem:$0x3FB2] =	sst s6  }
0xf: {  	[smem:$0x3FB3] =	sst s7  }
0x10: {  	[smem:$0x3FB4] =	sst s8  }
0x11: {  	[smem:$0x3FB5] =	sst s9;
	s0 =	simm.s32 @!p0 $0x0  }
0x12: {  	s1 =	sld [smem:$0x3F9B];
	s0 =	simm.s32 @p0 $0x1  }
0x13: {  	[smem:$0x3FB6] =	sst s0;
	s0 =	simm.s32 @!p1 $0x0  }
0x14: {  	s2 =	sld [smem:$0x3F9A];
	s0 =	simm.s32 @p1 $0x1  }
0x15: {  	[smem:$0x3FB7] =	sst s0;
	s0 =	simm.s32 @!p2 $0x0  }
0x16: {  	s3 =	sld [smem:$0x3FDB];
	s0 =	simm.s32 @p2 $0x1  }
0x17: {  	s4 =	simm.s32 $0x1BF5;
	[smem:$0x3FB9] =	sst s0  }
0x18: {  	s0 =	sld [smem:$0x3F9C];
	_ =	swait.ge [sflag:s4], $0x0  }
0x19: {  	s7 =	sld [smem:$0x3F9D]  }
0x1a: {  	s8 =	sadd.s32 $0xFFFFE003, lr  }
0x1b: {  	s9 =	sadd.s32 $0xFFFFFEF7, lr;
	s5 =	simm.s32 $0xFFFFFFFF;
	p2 =	slt.u32 s8, $0xFFFFF086  }
0x1c: {  	p1 =	slt.u32 s9, $0xF7A;
	s5 =	simm.s32 @!p2 $0x0  }
0x1d: {  	s5 =	simm.s32 @p1 $0x1;
	p0 =	seq.s32 s7, s2  }
0x1e: {  	s7 =	smul.u32 @!p0 $0xF7A, s2;
	p2 =	seq.s32 @!p0 s5, $0x0  }
0x1f: {  	s9 =	smul.u32 $0xF7A, s1;
	s8 =	simm.s32 @!p0 $0x1BF5;
	p2 =	por !p2, p0  }
0x20: {  	[sflag:s8] =	ssyncset.s32 @!p0 $0xFFFFF086;
	s6 =	sadd.s32 @!p0 s3, s7;
	s7 =	simm.s32 @!p0 $0x108  }
0x21: {  	s3 =	sadd.s32 s3, s9;
	s6 =	sadd.s32 @!p0 $0x88, s6;
	s7 =	simm.s32 @p2 $0x1082  }
0x22: {  	[simem:s7], [sflag:s8] =	dma.local @!p0 [hbm:s6], $0xF7A  }
0x23: {  	s9 =	sor.u32 $0xD0000000, s2;
	s6 =	simm.s32 $0x108;
	_ =	swait.ge @!p0 [sflag:s8], $0x0  }
0x24: {  	s3 =	sadd.s32 $0x88, s3;
	s6 =	simm.s32 @!p1 $0x1082;
	[sflag:s4] =	ssyncset.s32 $0xFFFFF086  }
0x25: {  	[simem:s6], [sflag:s4] =	dma.local [hbm:s3], $0xF7A  }
0x26: {  	[smem:$0x3F9D] =	sst s1;
	(tag) =	ssettag s2;
	_ =	strace s9  }
0x27: {  	s1 =	sld [smem:$0x3FAD]  }
0x28: {  	s2 =	sld [smem:$0x3FAE]  }
0x29: {  	s4 =	sld [smem:$0x3FB0]  }
0x2a: {  	p0 =	seq.s32 s5, $0x0;
	s5 =	sld [smem:$0x3FB1]  }
0x2b: {  	s6 =	sld [smem:$0x3FB2]  }
0x2c: {  	s7 =	sld [smem:$0x3FB3]  }
0x2d: {  	s3 =	simm.s32 $0x108;
	s8 =	sld [smem:$0x3FB4]  }
0x2e: {  	s3 =	simm.s32 @!p0 $0x1082;
	s9 =	sld [smem:$0x3FB5]  }
0x2f: {  	lr =	sadd.s32 s0, s3;
	s0 =	sld [smem:$0x3FAC]  }
0x30: {  	s3 =	sld [smem:$0x3FAF]  }
0x31: {  	[smem:$0x3FB8] =	sst s10  }
0x32: {  	s10 =	sld [smem:$0x3FB6];
	_ =	sdelay $0x3  }
0x33: {  	p0 =	seq.s32 s10, $0x1;
	s10 =	sld [smem:$0x3FB8];
	_ =	sdelay $0x3  }
0x34: {  	[smem:$0x3FB8] =	sst s10  }
0x35: {  	s10 =	sld [smem:$0x3FB7];
	_ =	sdelay $0x3  }
0x36: {  	p1 =	seq.s32 s10, $0x1;
	s10 =	sld [smem:$0x3FB8];
	_ =	sdelay $0x3  }
0x37: {  	[smem:$0x3FB8] =	sst s10  }
0x38: {  	s10 =	sld [smem:$0x3FB9]  }
0x39: {  	_ = 	snop;
	(pc) =	sbr.ind lr, $3  }
0x3a: {  	_ = 	snop  }
0x3b: {  	_ = 	snop  }
0x3c: {  	p2 =	seq.s32 s10, $0x1;
	s10 =	sld [smem:$0x3FB8]  }
0x3d: {  	_ =	shalt  }
0x3e: {  	_ =	shalt  }
0x3f: {  	_ =	shalt  }
0x40: {  	_ =	shalt  }
0x41: {  	_ =	shalt  }
0x42: {  	_ =	shalt  }
0x43: {  	_ =	shalt  }
0x44: {  	_ =	shalt  }
0x45: {  	_ =	shalt  }
0x46: {  	_ =	shalt  }
0x47: {  	_ =	shalt  }
0x48: {  	_ =	shalt  }
0x49: {  	_ =	shalt  }
0x4a: {  	_ =	shalt  }
0x4b: {  	_ =	shalt  }
0x4c: {  	_ =	shalt  }
0x4d: {  	_ =	shalt  }
0x4e: {  	_ =	shalt  }
0x4f: {  	_ =	shalt  }
0x50: {  	_ =	shalt  }
0x51: {  	_ =	shalt  }
0x52: {  	_ =	shalt  }
0x53: {  	_ =	shalt  }
0x54: {  	_ =	shalt  }
0x55: {  	_ =	shalt  }
0x56: {  	_ =	shalt  }
0x57: {  	_ =	shalt  }
0x58: {  	_ =	shalt  }
0x59: {  	_ =	shalt  }
0x5a: {  	_ =	shalt  }
0x5b: {  	_ =	shalt  }
0x5c: {  	_ =	shalt  }
0x5d: {  	_ =	shalt  }
0x5e: {  	_ =	shalt  }
0x5f: {  	_ =	shalt  }
0x60: {  	_ =	shalt  }
0x61: {  	_ =	shalt  }
0x62: {  	_ =	shalt  }
0x63: {  	_ =	shalt  }
0x64: {  	_ =	shalt  }
0x65: {  	_ =	shalt  }
0x66: {  	_ =	shalt  }
0x67: {  	_ =	shalt  }
0x68: {  	_ =	shalt  }
0x69: {  	_ =	shalt  }
0x6a: {  	_ =	shalt  }
0x6b: {  	_ =	shalt  }
0x6c: {  	_ =	shalt  }
0x6d: {  	_ =	shalt  }
0x6e: {  	_ =	shalt  }
0x6f: {  	_ =	shalt  }
0x70: {  	_ =	shalt  }
0x71: {  	_ =	shalt  }
0x72: {  	_ =	shalt  }
0x73: {  	_ =	shalt  }
0x74: {  	_ =	shalt  }
0x75: {  	_ =	shalt  }
0x76: {  	_ =	shalt  }
0x77: {  	_ =	shalt  }
0x78: {  	_ =	shalt  }
0x79: {  	_ =	shalt  }
0x7a: {  	_ =	shalt  }
0x7b: {  	_ =	shalt  }
0x7c: {  	_ =	shalt  }
0x7d: {  	_ =	shalt  }
0x7e: {  	_ =	shalt  }
0x7f: {  	_ =	shalt  }
0x80: {  	_ =	shalt  }
0x81: {  	_ =	shalt  }
0x82: {  	_ =	shalt  }
0x83: {  	_ =	shalt  }
0x84: {  	_ =	shalt  }
0x85: {  	_ =	shalt  }
0x86: {  	_ =	shalt  }
0x87: {  	_ =	shalt  }
.Lfunc_end0:
.L_simem_size_0:
called_computation_lowered:
.L_overlay_start_0:
0x88: {  	s2 =	sld [smem:$0x3FD9]  }
0x89: {  	s3 =	sld [smem:$0x3FFE];
	_ =	sdelay $0x1  }
0x8a: {  	s1 =	srdreg.scid  }
0x8b: {  	s0 =	sand.u32 $0x1, s1  }
0x8c: {  	s17 =	sshll.u32 s0, $0xA;
	s2 =	sadd.s32 s3, s2  }
0x8d: {  	s2 =	sadd.s32 s2, s17  }
0x8e: {  	[smem:$0x3FC4] =	sst s2  }
0x8f: {  	_ = 	snop  }
0x90: {  	s2 =	sld [smem:$0x3FC9]  }
0x91: {  	s18 =	sld [smem:$0x3FC8]  }
0x92: {  	s4 =	sld [smem:$0x3FD0];
	(tm) =	ssettm $0x1  }
0x93: {  	s5 =	sld [smem:$0x3FFB];
	_ =	sdelay $0x3  }
0x94: {  	_ =	strace s5  }
0x95: {  	s5 =	sld [smem:$0x3FFC];
	_ =	sdelay $0x3  }
0x96: {  	_ =	strace s5  }
0x97: {  	s5 =	sld [smem:$0x3FFD];
	_ =	sdelay $0x3  }
0x98: {  	_ =	strace s5  }
0x99: {  	_ =	strace $0x8FFFFFFF  }
0x9a: {  	s19 =	sld [smem:$0x3FDB];
	_ =	sdelay $0x1  }
0x9b: {  	s6 =	simm.s32 $_scs_section_size  }
0x9c: {  	s7 =	simm.s32 $_size__tile_overlayer_lowered;
	s8 =	simm.s32 $_tile_overlayer_lowered  }
0x9d: {  	s22 =	simm.s32 $0x1BFF;
	s21 =	sshll.u32 s8, $0x1;
	s5 =	sadd.s32 s6, s19  }
0x9e: {  	s9 =	simm.s32 $0x0;
	s20 =	sshll.u32 s7, $0x1;
	s7 =	sadd.s32 s21, s5  }
0x9f: {  	[timem:s9], [sflag:s22] =	dma.local [hbm:s7], s20  }
0xa0: {  	_ =	swait.ge [sflag:s22], s20  }
0xa1: {  	s6 =	ssub.s32 $0x0, s20;
	[sflag:s22] =	ssyncset.done $0x0  }
0xa2: {  	[sflag:s22] =	ssyncadd.s32 s6;
	_ =	sdelay $0x1  }
0xa3: {  	s23 =	simm.s32 $0x1B8B  }
0xa4: {  	_ =	swait.ge [sflag:s23], $0x1  }
0xa5: {  	[sflag:s23] =	ssyncset.done $0x0  }
0xa6: {  	s25 =	simm.s32 $0x1B8E;
	s24 =	sld [smem:$0x3FFE];
	[sflag:s23] =	ssyncadd.s32 $0xFFFFFFFF  }
0xa7: {  	s26 =	simm.s32 $execute0_lowered;
	[smem:$0x3FD2] =	sst s25  }
0xa8: {  	s7 =	sshll.u32 s26, $0x1;
	_ =	strace $0x80000046;
	[dreg:$0x1] =	wrdreg $0xFFFFFFFF  }
0xa9: {  	s28 =	simm.s32 $_size_execute0_lowered;
	s5 =	sadd.s32 s5, s7;
	[dreg:$0x0] =	wrdreg $0x0  }
0xaa: {  	s7 =	sshll.u32 s28, $0x1;
	[dreg:$0x2] =	wrdreg s5  }
0xab: {  	[dreg:$0x3] =	wrdreg s7  }
0xac: {  	[dreg:$0x4] =	wrdreg $0xC0  }
0xad: {  	_ =	task [dreg:s9], $0x5FFFF  }
0xae: {  	[dreg:$0x1] =	wrdreg $0xFFFFFFFF  }
0xaf: {  	[dreg:$0x0] =	wrdreg $0x60  }
0xb0: {  	[dreg:$0x2] =	wrdreg s2  }
0xb1: {  	[dreg:$0x3] =	wrdreg s18  }
0xb2: {  	[dreg:$0x4] =	wrdreg s24  }
0xb3: {  	[dreg:$0x5] =	wrdreg s4  }
0xb4: {  	[dreg:$0x6] =	wrdreg $0x9  }
0xb5: {  	_ =	task.clear_ibuf [dreg:s9], $0x7FFFF;
	_ =	strace $0x90000046  }
0xb6: {  	s29 =	simm.s32 $0x9;
	_ =	strace $0x80000048  }
0xb7: {  	_ =	swait.ge [sflag:s29], $0x1  }
0xb8: {  	[sflag:s29] =	ssyncadd.s32 $0xFFFFFFFF  }
0xb9: {  	_ =	strace $0x90000048  }
0xba: {  	_ =	sfence  }
0xbb: {  	s30 =	sld [smem:$0x0];
	_ =	sdelay $0x2  }
0xbc: {  	s31 =	sshll.u32 s1, $0xD;
	s1 =	sshrl.u32 s1, $0x2  }
0xbd: {  	s3 =	sand.u32 $0x4000, s31;
	s1 =	sadd.s32 s1, s30  }
0xbe: {  	s0 =	sor.u32 s3, s0;
	s1 =	sshll.u32 s1, $0x11  }
0xbf: {  	s0 =	sor.u32 s1, s0  }
0xc0: {  	s0 =	sadd.s32 $0x8F2B, s0  }
0xc1: {  	[sflag:s0] =	ssyncadd.remote.s32 $0x1  }
0xc2: {  	_ =	sfence.sel $0xFFFF  }
0xc3: {  	[dreg:$0x0] =	wrdreg $0xFFFFFFFF;
	(pc) =	sbr.abs _section_cstart, $3  }
0xc4: {  	[dreg:$0x1] =	wrdreg $0xFFFFFFFF  }
0xc5: {  	_ =	task.clear_ibuf [dreg:s9], $0x2FFFF;
	_ =	strace $0x9FFFFFFF  }
0xc6: {  	(tm) =	ssettm $0x7FFFFFFF  }
0xc7: {  	_ =	shalt  }
tec
execute0_lowered:
.L_overlay_start_1:
0x0: {  	(tag) =	ssettag $0x1  }
0x1: {  	s1 =	rddreg [dreg:$0x0]  }
0x2: {  	s2 =	rddreg [dreg:$0x1]  }
0x3: {  	s0 =	rddreg [dreg:$0x2]  }
0x4: {  	s3 =	rddreg [dreg:$0x3]  }
0x5: {  	s4 =	simm.s32 $0x0;
	s5 =	srdreg.scid;
	s6 =	stileid.u32  }
0x6: {  	s12 =	simm.s32 $0x5;
	s14 =	simm.s32 $0x1;
	s15 =	simm.s32 $0x3  }
0x7: {  	s16 =	simm.s32 $0x2;
	s17 =	simm.s32 $0x4;
	[smem:$0x7FF] =	sst s4  }
0x8: {  	s5 =	sand.u32 $0x1, s5;
	s6 =	sshll.u32 s6, $0x1;
	s7 =	sadd.s32 $0xC00, s0  }
.Ltmp0:
0x9: {  	s0 =	sadd.s32 $0xA00, s0;
	_ =	strace $0x80000047;
	(pc) =	sbr.rel .LBB2_1-.Ltmp0, $4  }
0xa: {  	v0 =	vlaneseq.u32;
	s8 =	ssub.s32 $0x2, s5;
	[dreg:$0x5] =	wrdreg s7;
	s6 =	sor.u32 s5, s6  }
0xb: {  	v1 =	vmul.u32 $0xFFFFFFFF, v0;
	[dreg:$0x6] =	wrdreg s0;
	s9 =	sshrl.u32 s8, $0x1;
	s5 =	sshll.u32 s6, $0xB  }
0xc: {  	vm0 =	vmmov $0xff;
	s31 =	ssub.s32 s8, s9;
	s8 =	sshll.u32 s6, $0x7;
	s3 =	sadd.s32 s3, s5  }
0xd: {  	s19 =	simm.s32 $0x0;
	v0 =	vimm.f32 $0.0e+00;
	v1 =	vadd.s32 $0xF, v1;
	[dreg:$0x7] =	wrdreg s3;
	s10 =	smax.u32 s31, $0x1;
	v2 =	vmov s8  }
.LBB2_18:
0xe: {  	s19 =	sadd.s32 $0x1, s19  }
0xf: {  	p0 =	sne.s32 s19, s10  }
.Ltmp1:
0x10: {  	s0 =	rddreg [dreg:$0x7];
	s3 =	simm.s32 $0x1A400;
	(pc) =	sbr.rel @!p0 .LBB2_19-.Ltmp1, $4  }
0x11: {  	[hbm4b:s0+s4] =	stream.linear.scatter [tilespmem:s3], [sflag:$0x5], $0x4000, $0x38;
	[tilespmem:$0x1E580] =	vst v63  }
0x12: {  	_ =	swait.ge [sflag:s12], $0x4000  }
0x13: {  	[sflag:s12] =	ssyncset.done $0x0  }
0x14: {  	[sflag:s12] =	ssyncadd.s32 $0xFFFFC000  }
.LBB2_1:
0x15: {  	s0 =	rddreg [dreg:$0x5];
	s3 =	simm.s32 $0x1E400  }
0x16: {  	[tilespmem:s3], [sflag:$0x5] =	stream.linear.gather [hbm4b:s0+s4], $0x100, $0x38;
	[tilespmem:$0x1E580] =	vst v63  }
0x17: {  	_ =	swait.ge [sflag:s12], $0x100  }
0x18: {  	[sflag:s12] =	ssyncset.done $0x0  }
0x19: {  	s31 =	simm.s32 $0x1E500;
	s30 =	rddreg [dreg:$0x6];
	[sflag:s12] =	ssyncadd.s32 $0xFFFFFF00  }
0x1a: {  	[tilespmem:s31], [sflag:$0x5] =	stream.linear.gather [hbm4b:s30+s4], $0x80, $0x38;
	[tilespmem:$0x1E580] =	vst v63  }
0x1b: {  	_ =	swait.ge [sflag:s12], $0x80  }
0x1c: {  	[sflag:s12] =	ssyncset.done $0x0  }
0x1d: {  	[sflag:s12] =	ssyncadd.s32 $0xFFFFFF80  }
0x1e: {  	v3 =	vld [tilespmem:$0x1E400]  }
0x1f: {  	v4 =	vld [tilespmem:$0x1E410]  }
0x20: {  	v5 =	vld [tilespmem:$0x1E420]  }
0x21: {  	v6 =	vld [tilespmem:$0x1E430]  }
0x22: {  	v7 =	vld [tilespmem:$0x1E440]  }
0x23: {  	v8 =	vld [tilespmem:$0x1E450]  }
0x24: {  	v9 =	vld [tilespmem:$0x1E460]  }
0x25: {  	v10 =	vld [tilespmem:$0x1E470]  }
0x26: {  	v11 =	vld [tilespmem:$0x1E480]  }
0x27: {  	v12 =	vld [tilespmem:s6+$0x1E500]  }
0x28: {  	s0 =	simm.s32 $0x0;
	s3 =	simm.s32 $0x200;
	v13 =	vld [tilespmem:s6+$0x1E501]  }
.LBB2_2:
0x29: {  	p0 =	sne.s32 s3, $0xFE00;
	[tilespmem:s0+$0x1A470] =	vst v0  }
0x2a: {  	[tilespmem:s0+$0x1A400] =	vst v0  }
0x2b: {  	[tilespmem:s0+$0x1A410] =	vst v0  }
.Ltmp2:
0x2c: {  	[tilespmem:s0+$0x1A420] =	vst v0;
	(pc) =	sbr.rel @p0 .LBB2_2-.Ltmp2, $4  }
0x2d: {  	[tilespmem:s0+$0x1A430] =	vst v0  }
0x2e: {  	[tilespmem:s0+$0x1A440] =	vst v0  }
0x2f: {  	[tilespmem:s0+$0x1A450] =	vst v0  }
0x30: {  	[tilespmem:s0+$0x1A460] =	vst v0;
	s0 =	sshra.s32 s3, $0x2;
	s3 =	sadd.s32 $0x200, s3  }
0x31: {  	(v2sf) =	vpush v12, $0x0;
	_ =	sdelay $0x6  }
0x32: {  	(v2sf) =	vpush v13, $0x0;
	_ =	sdelay $0x7  }
0x33: {  	s20 =	spop (v2sf)  }
0x34: {  	s3 =	sand.u32 $0x7, s20  }
0x35: {  	s5 =	sshra.s32 s20, $0x1F;
	p0 =	slt.s32 s20, $0x1;
	p1 =	sne.s32 s3, $0x0  }
0x36: {  	s26 =	sshrl.u32 s5, $0x1D;
	p0 =	por !p0, !p1  }
0x37: {  	s5 =	simm.s32 $0x1;
	s3 =	sadd.s32 s26, s20;
	p0 =	por !p0, !p0  }
0x38: {  	s3 =	sshrl.u32 s3, $0x3;
	s5 =	simm.s32 @!p0 $0x0  }
0x39: {  	s3 =	ssub.s32 s3, s5  }
0x3a: {  	s21 =	spop (v2sf);
	s22 =	sshll.u32 s3, $0x3  }
0x3b: {  	s3 =	ssub.s32 s21, s22  }
0x3c: {  	s28 =	sadd.s32 $0x19F, s3  }
0x3d: {  	s11 =	smulhi.u32 $0x4EC4EC4F, s28;
	s13 =	sshra.s32 s28, $0x1F  }
0x3e: {  	s13 =	smul.u32 $0x4EC4EC4F, s13;
	_ =	sdelay $0x1  }
0x3f: {  	s11 =	sadd.s32 s13, s11  }
0x40: {  	s13 =	sshrl.u32 s11, $0x1F;
	s11 =	sshra.s32 s11, $0x7  }
0x41: {  	s11 =	sadd.s32 s13, s11  }
0x42: {  	s13 =	smul.u32 $0xFFFFFE60, s11  }
0x43: {  	s3 =	ssub.s32 $0xFFFFFE61, s3  }
0x44: {  	p3 =	slt.s32 s28, $0x1;
	p4 =	sne.s32 s13, s3  }
0x45: {  	p0 =	por !p3, !p4  }
0x46: {  	s3 =	simm.s32 $0x1;
	p0 =	por !p0, !p0  }
0x47: {  	[tilespmem:s0+$0x1A470] =	vst v0;
	s3 =	simm.s32 @!p0 $0x0  }
0x48: {  	[tilespmem:s0+$0x1A400] =	vst v0;
	s23 =	ssub.s32 s11, s3  }
0x49: {  	[tilespmem:s0+$0x1A410] =	vst v0;
	p0 =	slt.s32 s23, $0x1  }
0x4a: {  	[tilespmem:s0+$0x1A420] =	vst v0;
	p1 =	slt.s32 @!p0 s22, $0x18500  }
0x4b: {  	[tilespmem:s0+$0x1A430] =	vst v0;
	s3 =	smov.u32 s22;
	p1 =	por !p1, p0  }
0x4c: {  	[tilespmem:s0+$0x1A440] =	vst v0;
	s3 =	simm.s32 @p1 $0x18500  }
0x4d: {  	[tilespmem:s0+$0x1A450] =	vst v0;
	s5 =	sshll.u32 @!p0 s3, $0x4  }
0x4e: {  	[tilespmem:s0+$0x1A460] =	vst v0;
	s29 =	sadd.s32 $0x1, s23;
	s0 =	sadd.s32 @!p0 s1, s5;
	s5 =	simm.s32 @!p0 $0x0  }
0x4f: {  	[tilespmem:s5], [sflag:$0x1] =	stream.linear.gather @!p0 [hbm4b:s0+s5], $0xD000, $0x38;
	[tilespmem:$0x1E580] =	vst v63  }
0x50: {  	p5 =	slt.s32 s23, $0x0;
	s30 =	sand.u32 $0x1, s29;
	s0 =	sshrl.u32 @!p0 s3, $0x3  }
0x51: {  	p6 =	seq.s32 s30, $0x1;
	s3 =	simm.s32 @!p0 $0x1A000;
	s0 =	sadd.s32 @!p0 s2, s0  }
0x52: {  	[tilespmem:s3], [sflag:$0x3] =	stream.linear.gather @!p0 [hbm4b:s0+s5], $0x1A0, $0x38;
	[tilespmem:$0x1E580] =	vst v63  }
0x53: {  	s31 =	sshrl.u32 s29, $0x1F;
	p0 =	por !p5, !p6  }
0x54: {  	s0 =	sadd.s32 s31, s29;
	s3 =	simm.s32 $0x1;
	p0 =	por !p0, !p0  }
0x55: {  	s0 =	sshra.s32 s0, $0x1;
	s3 =	simm.s32 @!p0 $0x0  }
0x56: {  	s24 =	ssub.s32 s0, s3  }
0x57: {  	p0 =	slt.s32 s24, $0x1  }
.Ltmp3:
0x58: {  	_ = 	snop;
	(pc) =	sbr.rel @p0 .LBB2_18-.Ltmp3, $1  }
0x59: {  	_ =	sdelay $0x3  }
.Ltmp4:
0x5a: {  	(pc) =	sbr.rel .LBB2_5-.Ltmp4, $2  }
0x5b: {  	_ =	sdelay $0x2  }
0x5c: {  	s25 =	sadd.s32 $0x1A0, s22;
	s26 =	simm.s32 $0x0;
	s28 =	smov.u32 s22  }
.LBB2_15:
0x5d: {  	s5 =	spop (v2sf)  }
0x5e: {  	v16 =	vmul.f32 v20, v16;
	[tilespmem:s5+$0x1A470] =	vst.add.f32.msk $0xffff, v19  }
0x5f: {  	v14 =	vmul.f32 v20, v14;
	[tilespmem:s5+$0x1A400] =	vst.add.f32.msk $0xffff, v18  }
0x60: {  	v13 =	vmul.f32 v20, v13;
	[tilespmem:s5+$0x1A450] =	vst.add.f32.msk $0xffff, v16  }
0x61: {  	v15 =	vmul.f32 v20, v15;
	[tilespmem:s5+$0x1A420] =	vst.add.f32.msk $0xffff, v14  }
0x62: {  	v63 =	vmul.f32 v20, v17;
	[tilespmem:s5+$0x1A430] =	vst.add.f32.msk $0xffff, v13  }
0x63: {  	v12 =	vmul.f32 v20, v12;
	[tilespmem:s5+$0x1A440] =	vst.add.f32.msk $0xffff, v15  }
0x64: {  	[tilespmem:s5+$0x1A460] =	vst.add.f32.msk $0xffff, v63  }
0x65: {  	[tilespmem:s5+$0x1A410] =	vst.add.f32.msk $0xffff, v12  }
.LBB2_16:
0x66: {  	s5 =	sshll.u32 s11, $0x1  }
0x67: {  	p0 =	slt.s32 s29, $0x18500;
	s3 =	sadd.s32 s3, s5  }
0x68: {  	s29 =	simm.s32 @!p0 $0x18500;
	p0 =	sge.s32 s3, s0  }
0x69: {  	s0 =	ssub.s32 @!p0 s3, s29  }
0x6a: {  	s3 =	sshll.u32 @!p0 s0, $0x9  }
0x6b: {  	s3 =	sshra.s32 @!p0 s3, $0x2  }
0x6c: {  	v12 =	vld @!p0 [tilespmem:s3+$0xD000]  }
0x6d: {  	v13 =	vld @!p0 [tilespmem:s3+$0xD010];
	_ =	sdelay $0x1  }
0x6e: {  	v14 =	vld @!p0 [tilespmem:s3+$0xD020];
	_ =	sdelay $0x1  }
0x6f: {  	v15 =	vld @!p0 [tilespmem:s3+$0xD030]  }
0x70: {  	v16 =	vmul.f32 @!p0 v12, v3;
	v17 =	vmul.f32 @!p0 v13, v4  }
0x71: {  	v18 =	vld @!p0 [tilespmem:s3+$0xD040]  }
0x72: {  	v16 =	vadd.f32 @!p0 v17, v16;
	v17 =	vmul.f32 @!p0 v14, v5  }
0x73: {  	v19 =	vld @!p0 [tilespmem:s3+$0xD050]  }
0x74: {  	v16 =	vadd.f32 @!p0 v17, v16;
	v17 =	vmul.f32 @!p0 v15, v6  }
0x75: {  	v20 =	vld @!p0 [tilespmem:s3+$0xD060]  }
0x76: {  	v16 =	vadd.f32 @!p0 v17, v16;
	v17 =	vmul.f32 @!p0 v18, v7  }
0x77: {  	v21 =	vld @!p0 [tilespmem:s3+$0xD070]  }
0x78: {  	v16 =	vadd.f32 @!p0 v17, v16;
	v17 =	vmul.f32 @!p0 v19, v8;
	_ =	sdelay $0x1  }
0x79: {  	v16 =	vadd.f32 @!p0 v17, v16;
	v17 =	vmul.f32 @!p0 v20, v9;
	_ =	sdelay $0x1  }
0x7a: {  	v22 =	vlaneseq.u32 @!p0;
	v16 =	vadd.f32 @!p0 v17, v16;
	v17 =	vmul.f32 @!p0 v21, v10  }
0x7b: {  	v22 =	vmul.u32 @!p0 $0xFFFFFFFF, v22  }
0x7c: {  	v16 =	vadd.f32 @!p0 v17, v16  }
0x7d: {  	v17 =	vadd.s32 @!p0 $0xF, v22  }
0x7e: {  	v17 =	vperm.xlane @!p0 v16, v17;
	_ =	sdelay $0x1  }
0x7f: {  	v16 =	vadd.f32 @!p0 v16, v17;
	_ =	sdelay $0x1  }
0x80: {  	(xrf2) =	vadd.scan.msk.f32 @!p0 $0xffff, v16;
	_ =	sdelay $0x9  }
0x81: {  	v16, _, _ =	vpop @!p0 (xrf2)  }
0x82: {  	v16 =	vbroadcast @!p0 v16, $0x7;
	_ =	sdelay $0x1  }
0x83: {  	v16 =	vadd.f32 @!p0 v16, v11;
	_ =	sdelay $0x1  }
0x84: {  	v16 =	vsub.f32 @!p0 $0.0e+00, v16;
	_ =	sdelay $0x1  }
0x85: {  	v16 =	vmul.f32 @!p0 $1.442695020e+00, v16;
	_ =	sdelay $0x1  }
0x86: {  	(erf) = vpow2.f32 @!p0 v16;
	v16 =	vld @!p0 [tilespmem:s0+$0x1A200];
	_ =	sdelay $0x4  }
0x87: {  	(v2sf) =	vpush @!p0 v16, $0x0;
	_ =	sdelay $0x3  }
0x88: {  	v16 =	vpop @!p0 (erf)  }
0x89: {  	v16 =	vadd.f32 @!p0 $1.000000000e+00, v16;
	_ =	sdelay $0x1  }
0x8a: {  	(erf) = vrcp.f32 @!p0 v16;
	_ =	sdelay $0x7  }
0x8b: {  	s0 =	spop @!p0 (v2sf)  }
0x8c: {  	v16 =	vpop @!p0 (erf);
	s0 =	ssub.s32 @!p0 s0, s8  }
0x8d: {  	v12 =	vmul.f32 @!p0 v16, v12;
	s0 =	sshll.u32 @!p0 s0, $0x9  }
0x8e: {  	v13 =	vmul.f32 @!p0 v16, v13;
	s0 =	sshra.s32 @!p0 s0, $0x2  }
0x8f: {  	[tilespmem:s0+$0x1A400] =	vst.add.f32.msk @!p0 $0xffff, v12;
	v12 =	vmul.f32 @!p0 v16, v14  }
0x90: {  	[tilespmem:s0+$0x1A410] =	vst.add.f32.msk @!p0 $0xffff, v13;
	v13 =	vmul.f32 @!p0 v16, v15  }
0x91: {  	[tilespmem:s0+$0x1A420] =	vst.add.f32.msk @!p0 $0xffff, v12;
	v12 =	vmul.f32 @!p0 v16, v18  }
0x92: {  	[tilespmem:s0+$0x1A430] =	vst.add.f32.msk @!p0 $0xffff, v13;
	v13 =	vmul.f32 @!p0 v16, v19  }
0x93: {  	[tilespmem:s0+$0x1A440] =	vst.add.f32.msk @!p0 $0xffff, v12;
	v12 =	vmul.f32 @!p0 v16, v20  }
0x94: {  	[tilespmem:s0+$0x1A450] =	vst.add.f32.msk @!p0 $0xffff, v13;
	v13 =	vmul.f32 @!p0 v16, v21  }
0x95: {  	[tilespmem:s0+$0x1A460] =	vst.add.f32.msk @!p0 $0xffff, v12  }
0x96: {  	[tilespmem:s0+$0x1A470] =	vst.add.f32.msk @!p0 $0xffff, v13  }
.LBB2_17:
0x97: {  	s26 =	sadd.s32 $0x1, s26  }
0x98: {  	p0 =	sne.s32 s26, s24  }
.Ltmp5:
0x99: {  	_ = 	snop;
	(pc) =	sbr.rel @!p0 .LBB2_18-.Ltmp5, $2  }
0x9a: {  	_ =	sdelay $0x2  }
0x9b: {  	s28 =	sadd.s32 $0x340, s28;
	s25 =	sadd.s32 $0x340, s25  }
.LBB2_5:
0x9c: {  	s30 =	sshll.u32 s26, $0x1  }
0x9d: {  	p0 =	sge.s32 s30, s23  }
.Ltmp6:
0x9e: {  	_ = 	snop;
	(pc) =	sbr.rel @p0 .LBB2_11-.Ltmp6, $2  }
0x9f: {  	_ =	sdelay $0x2  }
0xa0: {  	s29 =	sshllo.u32 s26, $0x1  }
0xa1: {  	p0 =	sge.s32 s29, s23  }
0xa2: {  	s0 =	smul.u32 @!p0 $0x1A0, s29;
	_ =	sdelay $0x1  }
0xa3: {  	_ =	swait.ge [sflag:s14], $0xD000;
	s0 =	sadd.s32 @!p0 s22, s0  }
0xa4: {  	[sflag:s14] =	ssyncset.done $0x0;
	p1 =	slt.s32 @!p0 s0, $0x18500  }
0xa5: {  	s3 =	smul.u32 $0x340, s26;
	[sflag:s14] =	ssyncadd.s32 $0xFFFF3000;
	p1 =	por !p1, p0  }
0xa6: {  	s11 =	simm.s32 @!p0 $0x0;
	_ =	swait.ge [sflag:s15], $0x1A0;
	s0 =	simm.s32 @p1 $0x18500  }
0xa7: {  	s13 =	simm.s32 @!p0 $0xD000;
	[sflag:s15] =	ssyncset.done $0x0;
	s5 =	sshll.u32 @!p0 s0, $0x4  }
0xa8: {  	[sflag:s15] =	ssyncadd.s32 $0xFFFFFE60;
	s0 =	sshrl.u32 @!p0 s0, $0x3;
	s5 =	sadd.s32 @!p0 s1, s5  }
0xa9: {  	[tilespmem:s13], [sflag:$0x2] =	stream.linear.gather @!p0 [hbm4b:s5+s11], $0xD000, $0x38;
	[tilespmem:$0x1E580] =	vst v63  }
0xaa: {  	s31 =	sadd.s32 s22, s3;
	s3 =	simm.s32 @!p0 $0x1A200;
	s0 =	sadd.s32 @!p0 s2, s0  }
0xab: {  	[tilespmem:s3], [sflag:$0x4] =	stream.linear.gather @!p0 [hbm4b:s0+s11], $0x1A0, $0x38;
	[tilespmem:$0x1E580] =	vst v63  }
0xac: {  	s0 =	sadd.s32 $0x1A0, s31  }
0xad: {  	p0 =	sgt.s32 s20, s31;
	s3 =	smov.u32 s31;
	p1 =	slt.s32 s21, s0  }
0xae: {  	s3 =	smov.u32 @p0 s20;
	s0 =	smov.u32 @p1 s21  }
0xaf: {  	s11 =	simm.s32 $0x1;
	s5 =	ssub.s32 s0, s3;
	p0 =	sne.s32 s0, s3  }
0xb0: {  	s7 =	sshra.s32 s5, $0x1F;
	s11 =	simm.s32 @!p0 $0x0  }
0xb1: {  	s9 =	sand.u32 $0x1, s5;
	s11 =	sor.u32 s11, s7  }
0xb2: {  	p6 =	seq.s32 s9, $0x1;
	p5 =	sne.s32 s11, $0x1  }
0xb3: {  	s18 =	sshrl.u32 s5, $0x1F;
	p0 =	por !p5, !p6  }
0xb4: {  	s5 =	sadd.s32 s18, s5;
	s11 =	simm.s32 $0x1;
	p0 =	por !p0, !p0  }
0xb5: {  	s5 =	sshra.s32 s5, $0x1;
	s11 =	simm.s32 @!p0 $0x0  }
0xb6: {  	s11 =	ssub.s32 s5, s11  }
0xb7: {  	p0 =	slt.s32 s11, $0x1  }
.Ltmp7:
0xb8: {  	_ = 	snop;
	(pc) =	sbr.rel @p0 .LBB2_10-.Ltmp7, $1  }
0xb9: {  	_ =	sdelay $0x3  }
0xba: {  	p0 =	sgt.s32 s20, s28  }
0xbb: {  	s13 =	smov.u32 s28;
	p1 =	slt.s32 s28, $0x18500;
	s18 =	smov.u32 s28  }
0xbc: {  	s13 =	smov.u32 @p0 s20;
	s18 =	simm.s32 @!p1 $0x18500  }
0xbd: {  	s5 =	sshll.u32 s13, $0x9;
	s7 =	sshll.u32 s18, $0x9  }
0xbe: {  	s5 =	ssub.s32 s5, s7  }
0xbf: {  	s5 =	sshra.s32 s5, $0x2  }
0xc0: {  	s5 =	sadd.s32 $0x80, s5  }
0xc1: {  	v12 =	vld [tilespmem:s5+$0x10]  }
0xc2: {  	v18 =	vld [tilespmem:s5+$0x0]  }
0xc3: {  	v19 =	vld [tilespmem:s5+$0xFFFFFF90]  }
0xc4: {  	v20 =	vld [tilespmem:s5+$0xFFFFFF80]  }
0xc5: {  	v14 =	vld [tilespmem:s5+$0x20]  }
0xc6: {  	v21 =	vld [tilespmem:s5+$0xFFFFFFA0]  }
0xc7: {  	v13 =	vld [tilespmem:s5+$0x30]  }
0xc8: {  	v23 =	vld [tilespmem:s5+$0xFFFFFFB0];
	v17 =	vmul.f32 v12, v4;
	v22 =	vmul.f32 v18, v3  }
0xc9: {  	v15 =	vld [tilespmem:s5+$0x40];
	v24 =	vmul.f32 v20, v3;
	v25 =	vmul.f32 v19, v4  }
0xca: {  	v27 =	vld [tilespmem:s5+$0xFFFFFFC0];
	v26 =	vmul.f32 v14, v5  }
0xcb: {  	v16 =	vld [tilespmem:s5+$0x50];
	v48 =	vmul.f32 v21, v5;
	v22 =	vadd.f32 v17, v22;
	v24 =	vadd.f32 v25, v24  }
0xcc: {  	v29 =	vld [tilespmem:s5+$0xFFFFFFD0];
	v28 =	vmul.f32 v13, v6  }
0xcd: {  	v30 =	vld [tilespmem:s5+$0xFFFFFFE0];
	v49 =	vmul.f32 v23, v6;
	v22 =	vadd.f32 v26, v22;
	v24 =	vadd.f32 v48, v24  }
0xce: {  	v50 =	vmul.f32 v15, v7;
	v17 =	vld [tilespmem:s5+$0x60]  }
0xcf: {  	v31 =	vld [tilespmem:s5+$0x70];
	v51 =	vmul.f32 v27, v7;
	v22 =	vadd.f32 v28, v22;
	v24 =	vadd.f32 v49, v24  }
0xd0: {  	v32 =	vld [tilespmem:s5+$0xFFFFFFF0];
	v52 =	vmul.f32 v16, v8  }
0xd1: {  	v53 =	vmul.f32 v29, v8;
	v22 =	vadd.f32 v50, v22;
	v24 =	vadd.f32 v51, v24  }
0xd2: {  	v55 =	vmul.f32 v30, v9  }
0xd3: {  	v54 =	vmul.f32 v17, v9;
	v22 =	vadd.f32 v52, v22;
	v24 =	vadd.f32 v53, v24  }
0xd4: {  	v56 =	vmul.f32 v31, v10  }
0xd5: {  	v57 =	vmul.f32 v32, v10;
	v22 =	vadd.f32 v54, v22;
	v24 =	vadd.f32 v55, v24;
	_ =	sdelay $0x1  }
0xd6: {  	v22 =	vadd.f32 v56, v22;
	v24 =	vadd.f32 v57, v24;
	_ =	sdelay $0x1  }
0xd7: {  	v58 =	vperm.xlane v22, v1;
	v59 =	vperm.xlane v24, v1;
	_ =	sdelay $0x1  }
0xd8: {  	v22 =	vadd.f32 v58, v22;
	v24 =	vadd.f32 v59, v24;
	_ =	sdelay $0x1  }
0xd9: {  	v22 =	vsel vm0, v24, v22  }
0xda: {  	(xrf2) =	vadd.scan.msk.f32 $0xffff, v22;
	_ =	sdelay $0x9  }
0xdb: {  	v22, _, _ =	vpop (xrf2)  }
0xdc: {  	(v2sf) =	vpush v22, $0x7  }
0xdd: {  	(v2sf) =	vpush v22, $0xF  }
0xde: {  	v22 =	vbroadcast v22, $0x7;
	_ =	sdelay $0x1  }
0xdf: {  	v22 =	vadd.f32 v22, v11;
	_ =	sdelay $0x1  }
0xe0: {  	s13 =	sshll.u32 s13, $0x2;
	s9 =	sshll.u32 s18, $0x2;
	v22 =	vsub.f32 $0.0e+00, v22  }
0xe1: {  	s7 =	ssub.s32 s13, s9  }
0xe2: {  	s7 =	sshra.s32 s7, $0x2;
	v22 =	vmul.f32 $1.442695020e+00, v22  }
0xe3: {  	s13 =	sadd.s32 $0x1A000, s7  }
0xe4: {  	(erf) = vpow2.f32 v22;
	v22 =	vld [tilespmem:s13+$0x0];
	_ =	sdelay $0x4  }
0xe5: {  	v22 =	vsub.s32 v22, v2;
	s18 =	spop (v2sf)  }
0xe6: {  	v22 =	vshll.u32 v22, $0x9;
	s9 =	spop (v2sf)  }
0xe7: {  	v22 =	vshra.s32 v22, $0x2;
	s7 =	ssub.f32 s9, s18  }
0xe8: {  	(v2sf) =	vpush v22, $0x0  }
0xe9: {  	v60 =	vadd.f32 s7, v11;
	_ =	sdelay $0x1  }
0xea: {  	v61 =	vpop (erf);
	v24 =	vsub.f32 $0.0e+00, v60  }
0xeb: {  	v25 =	vadd.f32 $1.000000000e+00, v61  }
0xec: {  	v24 =	vmul.f32 $1.442695020e+00, v24  }
0xed: {  	(erf) = vrcp.f32 v25  }
0xee: {  	(erf) = vpow2.f32 v24;
	_ =	sdelay $0x7  }
0xef: {  	v62 =	vpop (erf);
	s9 =	spop (v2sf);
	(v2sf) =	vpush v22, $0x1  }
0xf0: {  	v63 =	vpop (erf)  }
0xf1: {  	v25 =	vadd.f32 $1.000000000e+00, v63;
	_ =	sdelay $0x1  }
0xf2: {  	(erf) = vrcp.f32 v25  }
0xf3: {  	v20 =	vmul.f32 v62, v20  }
0xf4: {  	v21 =	vmul.f32 v62, v21  }
0xf5: {  	[tilespmem:s9+$0x1A400] =	vst.add.f32.msk $0xffff, v20;
	v20 =	vmul.f32 v62, v27  }
0xf6: {  	v23 =	vmul.f32 v62, v23;
	[tilespmem:s9+$0x1A420] =	vst.add.f32.msk $0xffff, v21  }
0xf7: {  	p0 =	sgt.s32 s11, $0x1;
	v19 =	vmul.f32 v62, v19;
	[tilespmem:s9+$0x1A440] =	vst.add.f32.msk $0xffff, v20;
	v20 =	vmul.f32 v62, v32  }
.Ltmp8:
0xf8: {  	v21 =	vmul.f32 v62, v29;
	[tilespmem:s9+$0x1A430] =	vst.add.f32.msk $0xffff, v23;
	(pc) =	sbr.rel @!p0 .LBB2_9-.Ltmp8, $4  }
0xf9: {  	[tilespmem:s9+$0x1A410] =	vst.add.f32.msk $0xffff, v19  }
0xfa: {  	v23 =	vmul.f32 v62, v30;
	[tilespmem:s9+$0x1A450] =	vst.add.f32.msk $0xffff, v21  }
0xfb: {  	[tilespmem:s9+$0x1A470] =	vst.add.f32.msk $0xffff, v20;
	v20 =	vpop (erf)  }
0xfc: {  	s5 =	sadd.s32 $0x100, s5;
	s18 =	simm.s32 $0x1;
	[tilespmem:s9+$0x1A460] =	vst.add.f32.msk $0xffff, v23;
	v18 =	vmul.f32 v20, v18;
	v19 =	vmul.f32 v20, v31  }
.LBB2_8:
0xfd: {  	s18 =	sadd.s32 $0x1, s18;
	v14 =	vmul.f32 v20, v14;
	v16 =	vmul.f32 v20, v16;
	s13 =	sadd.s32 $0x2, s13;
	s7 =	spop (v2sf)  }
0xfe: {  	v12 =	vmul.f32 v20, v12;
	v17 =	vmul.f32 v20, v17;
	p0 =	slt.s32 s18, s11;
	[tilespmem:s7+$0x1A470] =	vst.add.f32.msk $0xffff, v19  }
0xff: {  	v13 =	vmul.f32 v20, v13;
	v15 =	vmul.f32 v20, v15;
	[tilespmem:s7+$0x1A400] =	vst.add.f32.msk $0xffff, v18  }
0x100: {  	[tilespmem:s7+$0x1A450] =	vst.add.f32.msk $0xffff, v16  }
0x101: {  	[tilespmem:s7+$0x1A420] =	vst.add.f32.msk $0xffff, v14  }
0x102: {  	[tilespmem:s7+$0x1A430] =	vst.add.f32.msk $0xffff, v13  }
0x103: {  	[tilespmem:s7+$0x1A440] =	vst.add.f32.msk $0xffff, v15  }
0x104: {  	[tilespmem:s7+$0x1A460] =	vst.add.f32.msk $0xffff, v17  }
0x105: {  	[tilespmem:s7+$0x1A410] =	vst.add.f32.msk $0xffff, v12  }
0x106: {  	v14 =	vld [tilespmem:s5+$0x20]  }
0x107: {  	v12 =	vld [tilespmem:s5+$0x10]  }
0x108: {  	v18 =	vld [tilespmem:s5+$0x0]  }
0x109: {  	v20 =	vld [tilespmem:s5+$0xFFFFFF90]  }
0x10a: {  	v21 =	vld [tilespmem:s5+$0xFFFFFF80]  }
0x10b: {  	v13 =	vld [tilespmem:s5+$0x30]  }
0x10c: {  	v22 =	vld [tilespmem:s5+$0xFFFFFFA0];
	v17 =	vmul.f32 v12, v4  }
0x10d: {  	v15 =	vld [tilespmem:s5+$0x40];
	v19 =	vmul.f32 v18, v3  }
0x10e: {  	v25 =	vmul.f32 v14, v5;
	v23 =	vld [tilespmem:s5+$0xFFFFFFB0]  }
0x10f: {  	v27 =	vmul.f32 v20, v4;
	v16 =	vld [tilespmem:s5+$0x50];
	v26 =	vmul.f32 v21, v3;
	v19 =	vadd.f32 v17, v19  }
0x110: {  	v24 =	vld [tilespmem:s5+$0xFFFFFFC0];
	v28 =	vmul.f32 v13, v6  }
0x111: {  	v17 =	vld [tilespmem:s5+$0x60];
	v26 =	vadd.f32 v27, v26;
	v27 =	vmul.f32 v22, v5;
	v25 =	vadd.f32 v25, v19  }
0x112: {  	v29 =	vld [tilespmem:s5+$0xFFFFFFD0];
	v30 =	vmul.f32 v15, v7  }
0x113: {  	v19 =	vld [tilespmem:s5+$0x70];
	v26 =	vadd.f32 v27, v26;
	v27 =	vmul.f32 v23, v6;
	v25 =	vadd.f32 v28, v25  }
0x114: {  	v28 =	vld [tilespmem:s5+$0xFFFFFFE0];
	v31 =	vmul.f32 v16, v8  }
0x115: {  	v26 =	vadd.f32 v27, v26;
	v27 =	vmul.f32 v24, v7;
	v25 =	vadd.f32 v30, v25  }
0x116: {  	v30 =	vld [tilespmem:s5+$0xFFFFFFF0];
	v32 =	vmul.f32 v17, v9  }
0x117: {  	v26 =	vadd.f32 v27, v26;
	v27 =	vmul.f32 v29, v8;
	v25 =	vadd.f32 v31, v25  }
0x118: {  	v31 =	vmul.f32 v19, v10  }
0x119: {  	v26 =	vadd.f32 v27, v26;
	v27 =	vmul.f32 v28, v9;
	v25 =	vadd.f32 v32, v25;
	_ =	sdelay $0x1  }
0x11a: {  	v26 =	vadd.f32 v27, v26;
	v27 =	vmul.f32 v30, v10;
	v25 =	vadd.f32 v31, v25;
	_ =	sdelay $0x1  }
0x11b: {  	v26 =	vadd.f32 v27, v26;
	v27 =	vperm.xlane v25, v1;
	_ =	sdelay $0x1  }
0x11c: {  	v31 =	vperm.xlane v26, v1;
	v25 =	vadd.f32 v27, v25;
	_ =	sdelay $0x1  }
0x11d: {  	v26 =	vadd.f32 v31, v26;
	_ =	sdelay $0x1  }
0x11e: {  	v25 =	vsel vm0, v26, v25  }
0x11f: {  	(xrf2) =	vadd.scan.msk.f32 $0xffff, v25;
	_ =	sdelay $0x9  }
0x120: {  	v25, _, _ =	vpop (xrf2)  }
0x121: {  	v26 =	vbroadcast v25, $0x7;
	(v2sf) =	vpush v25, $0x7  }
0x122: {  	(v2sf) =	vpush v25, $0xF  }
0x123: {  	v25 =	vadd.f32 v26, v11;
	_ =	sdelay $0x1  }
0x124: {  	v25 =	vsub.f32 $0.0e+00, v25;
	_ =	sdelay $0x1  }
0x125: {  	v25 =	vmul.f32 $1.442695020e+00, v25;
	_ =	sdelay $0x1  }
0x126: {  	v26 =	vld [tilespmem:s13+$0x0];
	(erf) = vpow2.f32 v25;
	_ =	sdelay $0x4  }
0x127: {  	v25 =	vsub.s32 v26, v2  }
0x128: {  	v25 =	vshll.u32 v25, $0x9  }
0x129: {  	v25 =	vshra.s32 v25, $0x2;
	s7 =	spop (v2sf)  }
0x12a: {  	s9 =	spop (v2sf);
	(v2sf) =	vpush v25, $0x0  }
0x12b: {  	s7 =	ssub.f32 s9, s7;
	v26 =	vpop (erf)  }
0x12c: {  	v26 =	vadd.f32 $1.000000000e+00, v26  }
0x12d: {  	v27 =	vadd.f32 s7, v11  }
0x12e: {  	(erf) = vrcp.f32 v26  }
0x12f: {  	v26 =	vsub.f32 $0.0e+00, v27;
	_ =	sdelay $0x1  }
0x130: {  	v26 =	vmul.f32 $1.442695020e+00, v26;
	_ =	sdelay $0x1  }
0x131: {  	(erf) = vpow2.f32 v26;
	_ =	sdelay $0x3  }
0x132: {  	v26 =	vpop (erf)  }
0x133: {  	v21 =	vmul.f32 v26, v21;
	v20 =	vmul.f32 v26, v20  }
0x134: {  	v22 =	vmul.f32 v26, v22;
	v27 =	vmul.f32 v26, v23;
	s7 =	spop (v2sf)  }
0x135: {  	[tilespmem:s7+$0x1A400] =	vst.add.f32.msk $0xffff, v21;
	v21 =	vmul.f32 v26, v24;
	v24 =	vmul.f32 v26, v29  }
0x136: {  	[tilespmem:s7+$0x1A420] =	vst.add.f32.msk $0xffff, v22;
	v22 =	vmul.f32 v26, v28;
	v26 =	vmul.f32 v26, v30;
	(v2sf) =	vpush v25, $0x1  }
0x137: {  	[tilespmem:s7+$0x1A430] =	vst.add.f32.msk $0xffff, v27;
	v23 =	vpop (erf)  }
0x138: {  	v23 =	vadd.f32 $1.000000000e+00, v23;
	[tilespmem:s7+$0x1A440] =	vst.add.f32.msk $0xffff, v21  }
0x139: {  	[tilespmem:s7+$0x1A450] =	vst.add.f32.msk $0xffff, v24  }
0x13a: {  	[tilespmem:s7+$0x1A460] =	vst.add.f32.msk $0xffff, v22;
	(erf) = vrcp.f32 v23  }
0x13b: {  	[tilespmem:s7+$0x1A470] =	vst.add.f32.msk $0xffff, v26  }
0x13c: {  	[tilespmem:s7+$0x1A410] =	vst.add.f32.msk $0xffff, v20;
	_ =	sdelay $0x3  }
.Ltmp9:
0x13d: {  	(pc) =	sbr.rel @p0 .LBB2_8-.Ltmp9, $3  }
0x13e: {  	_ =	sdelay $0x1  }
0x13f: {  	v20 =	vpop (erf)  }
0x140: {  	s5 =	sadd.s32 $0x100, s5;
	v18 =	vmul.f32 v20, v18;
	v19 =	vmul.f32 v20, v19  }
.LBB2_9:
0x141: {  	s5 =	spop (v2sf)  }
0x142: {  	v16 =	vmul.f32 v20, v16;
	[tilespmem:s5+$0x1A470] =	vst.add.f32.msk $0xffff, v19  }
0x143: {  	v14 =	vmul.f32 v20, v14;
	[tilespmem:s5+$0x1A400] =	vst.add.f32.msk $0xffff, v18  }
0x144: {  	v13 =	vmul.f32 v20, v13;
	[tilespmem:s5+$0x1A450] =	vst.add.f32.msk $0xffff, v16  }
0x145: {  	v15 =	vmul.f32 v20, v15;
	[tilespmem:s5+$0x1A420] =	vst.add.f32.msk $0xffff, v14  }
0x146: {  	v63 =	vmul.f32 v20, v17;
	[tilespmem:s5+$0x1A430] =	vst.add.f32.msk $0xffff, v13  }
0x147: {  	v12 =	vmul.f32 v20, v12;
	[tilespmem:s5+$0x1A440] =	vst.add.f32.msk $0xffff, v15  }
0x148: {  	[tilespmem:s5+$0x1A460] =	vst.add.f32.msk $0xffff, v63  }
0x149: {  	[tilespmem:s5+$0x1A410] =	vst.add.f32.msk $0xffff, v12  }
.LBB2_10:
0x14a: {  	s5 =	sshll.u32 s11, $0x1  }
0x14b: {  	p0 =	slt.s32 s31, $0x18500;
	s3 =	sadd.s32 s3, s5  }
0x14c: {  	s31 =	simm.s32 @!p0 $0x18500;
	p0 =	sge.s32 s3, s0  }
0x14d: {  	s0 =	ssub.s32 @!p0 s3, s31  }
0x14e: {  	s3 =	sshll.u32 @!p0 s0, $0x9  }
0x14f: {  	s3 =	sshra.s32 @!p0 s3, $0x2  }
0x150: {  	v12 =	vld @!p0 [tilespmem:s3+$0x0]  }
0x151: {  	v13 =	vld @!p0 [tilespmem:s3+$0x10];
	_ =	sdelay $0x1  }
0x152: {  	v14 =	vld @!p0 [tilespmem:s3+$0x20];
	_ =	sdelay $0x1  }
0x153: {  	v15 =	vld @!p0 [tilespmem:s3+$0x30]  }
0x154: {  	v16 =	vmul.f32 @!p0 v12, v3;
	v17 =	vmul.f32 @!p0 v13, v4  }
0x155: {  	v18 =	vld @!p0 [tilespmem:s3+$0x40]  }
0x156: {  	v16 =	vadd.f32 @!p0 v17, v16;
	v17 =	vmul.f32 @!p0 v14, v5  }
0x157: {  	v19 =	vld @!p0 [tilespmem:s3+$0x50]  }
0x158: {  	v16 =	vadd.f32 @!p0 v17, v16;
	v17 =	vmul.f32 @!p0 v15, v6  }
0x159: {  	v20 =	vld @!p0 [tilespmem:s3+$0x60]  }
0x15a: {  	v16 =	vadd.f32 @!p0 v17, v16;
	v17 =	vmul.f32 @!p0 v18, v7  }
0x15b: {  	v21 =	vld @!p0 [tilespmem:s3+$0x70]  }
0x15c: {  	v16 =	vadd.f32 @!p0 v17, v16;
	v17 =	vmul.f32 @!p0 v19, v8;
	_ =	sdelay $0x1  }
0x15d: {  	v16 =	vadd.f32 @!p0 v17, v16;
	v17 =	vmul.f32 @!p0 v20, v9;
	_ =	sdelay $0x1  }
0x15e: {  	v22 =	vlaneseq.u32 @!p0;
	v16 =	vadd.f32 @!p0 v17, v16;
	v17 =	vmul.f32 @!p0 v21, v10  }
0x15f: {  	v22 =	vmul.u32 @!p0 $0xFFFFFFFF, v22  }
0x160: {  	v16 =	vadd.f32 @!p0 v17, v16  }
0x161: {  	v17 =	vadd.s32 @!p0 $0xF, v22  }
0x162: {  	v17 =	vperm.xlane @!p0 v16, v17;
	_ =	sdelay $0x1  }
0x163: {  	v16 =	vadd.f32 @!p0 v16, v17;
	_ =	sdelay $0x1  }
0x164: {  	(xrf2) =	vadd.scan.msk.f32 @!p0 $0xffff, v16;
	_ =	sdelay $0x9  }
0x165: {  	v16, _, _ =	vpop @!p0 (xrf2)  }
0x166: {  	v16 =	vbroadcast @!p0 v16, $0x7;
	_ =	sdelay $0x1  }
0x167: {  	v16 =	vadd.f32 @!p0 v16, v11;
	_ =	sdelay $0x1  }
0x168: {  	v16 =	vsub.f32 @!p0 $0.0e+00, v16;
	_ =	sdelay $0x1  }
0x169: {  	v16 =	vmul.f32 @!p0 $1.442695020e+00, v16;
	_ =	sdelay $0x1  }
0x16a: {  	(erf) = vpow2.f32 @!p0 v16;
	v16 =	vld @!p0 [tilespmem:s0+$0x1A000];
	_ =	sdelay $0x4  }
0x16b: {  	(v2sf) =	vpush @!p0 v16, $0x0;
	_ =	sdelay $0x3  }
0x16c: {  	v16 =	vpop @!p0 (erf)  }
0x16d: {  	v16 =	vadd.f32 @!p0 $1.000000000e+00, v16;
	_ =	sdelay $0x1  }
0x16e: {  	(erf) = vrcp.f32 @!p0 v16;
	_ =	sdelay $0x7  }
0x16f: {  	s0 =	spop @!p0 (v2sf)  }
0x170: {  	v16 =	vpop @!p0 (erf);
	s0 =	ssub.s32 @!p0 s0, s8  }
0x171: {  	v12 =	vmul.f32 @!p0 v16, v12;
	s0 =	sshll.u32 @!p0 s0, $0x9  }
0x172: {  	v13 =	vmul.f32 @!p0 v16, v13;
	s0 =	sshra.s32 @!p0 s0, $0x2  }
0x173: {  	[tilespmem:s0+$0x1A400] =	vst.add.f32.msk @!p0 $0xffff, v12;
	v12 =	vmul.f32 @!p0 v16, v14  }
0x174: {  	[tilespmem:s0+$0x1A410] =	vst.add.f32.msk @!p0 $0xffff, v13;
	v13 =	vmul.f32 @!p0 v16, v15  }
0x175: {  	[tilespmem:s0+$0x1A420] =	vst.add.f32.msk @!p0 $0xffff, v12;
	v12 =	vmul.f32 @!p0 v16, v18  }
0x176: {  	[tilespmem:s0+$0x1A430] =	vst.add.f32.msk @!p0 $0xffff, v13;
	v13 =	vmul.f32 @!p0 v16, v19  }
0x177: {  	[tilespmem:s0+$0x1A440] =	vst.add.f32.msk @!p0 $0xffff, v12;
	v12 =	vmul.f32 @!p0 v16, v20  }
0x178: {  	[tilespmem:s0+$0x1A450] =	vst.add.f32.msk @!p0 $0xffff, v13;
	v13 =	vmul.f32 @!p0 v16, v21  }
0x179: {  	[tilespmem:s0+$0x1A460] =	vst.add.f32.msk @!p0 $0xffff, v12  }
0x17a: {  	[tilespmem:s0+$0x1A470] =	vst.add.f32.msk @!p0 $0xffff, v13  }
.LBB2_11:
0x17b: {  	p0 =	sge.s32 s29, s23  }
.Ltmp10:
0x17c: {  	_ = 	snop;
	(pc) =	sbr.rel @p0 .LBB2_17-.Ltmp10, $1  }
0x17d: {  	_ =	sdelay $0x3  }
0x17e: {  	s0 =	sadd.s32 $0x2, s30  }
0x17f: {  	p0 =	sge.s32 s0, s23  }
0x180: {  	s0 =	smul.u32 @!p0 $0x1A0, s0;
	_ =	sdelay $0x1  }
0x181: {  	_ =	swait.ge [sflag:s16], $0xD000;
	s0 =	sadd.s32 @!p0 s22, s0  }
0x182: {  	[sflag:s16] =	ssyncset.done $0x0;
	p1 =	slt.s32 @!p0 s0, $0x18500  }
0x183: {  	[sflag:s16] =	ssyncadd.s32 $0xFFFF3000;
	p1 =	por !p1, p0  }
0x184: {  	s3 =	smul.u32 $0x1A0, s29;
	_ =	swait.ge [sflag:s17], $0x1A0;
	s0 =	simm.s32 @p1 $0x18500  }
0x185: {  	s7 =	simm.s32 @!p0 $0x0;
	[sflag:s17] =	ssyncset.done $0x0;
	s5 =	sshll.u32 @!p0 s0, $0x4  }
0x186: {  	[sflag:s17] =	ssyncadd.s32 $0xFFFFFE60;
	s0 =	sshrl.u32 @!p0 s0, $0x3;
	s5 =	sadd.s32 @!p0 s1, s5  }
0x187: {  	[tilespmem:s7], [sflag:$0x1] =	stream.linear.gather @!p0 [hbm4b:s5+s7], $0xD000, $0x38;
	[tilespmem:$0x1E580] =	vst v63  }
0x188: {  	s29 =	sadd.s32 s22, s3;
	s3 =	simm.s32 @!p0 $0x1A000;
	s0 =	sadd.s32 @!p0 s2, s0  }
0x189: {  	[tilespmem:s3], [sflag:$0x3] =	stream.linear.gather @!p0 [hbm4b:s0+s7], $0x1A0, $0x38;
	[tilespmem:$0x1E580] =	vst v63  }
0x18a: {  	s0 =	sadd.s32 $0x1A0, s29  }
0x18b: {  	p0 =	sgt.s32 s20, s29;
	s3 =	smov.u32 s29;
	p1 =	slt.s32 s21, s0  }
0x18c: {  	s3 =	smov.u32 @p0 s20;
	s0 =	smov.u32 @p1 s21  }
0x18d: {  	s7 =	simm.s32 $0x1;
	s18 =	ssub.s32 s0, s3;
	p0 =	sne.s32 s0, s3  }
0x18e: {  	s9 =	sshra.s32 s18, $0x1F;
	s7 =	simm.s32 @!p0 $0x0  }
0x18f: {  	s30 =	sand.u32 $0x1, s18;
	s7 =	sor.u32 s7, s9  }
0x190: {  	p6 =	seq.s32 s30, $0x1;
	p5 =	sne.s32 s7, $0x1  }
0x191: {  	s31 =	sshrl.u32 s18, $0x1F;
	p0 =	por !p5, !p6  }
0x192: {  	s5 =	sadd.s32 s31, s18;
	s7 =	simm.s32 $0x1;
	p0 =	por !p0, !p0  }
0x193: {  	s5 =	sshra.s32 s5, $0x1;
	s7 =	simm.s32 @!p0 $0x0  }
0x194: {  	s11 =	ssub.s32 s5, s7  }
0x195: {  	p0 =	slt.s32 s11, $0x1  }
.Ltmp11:
0x196: {  	_ = 	snop;
	(pc) =	sbr.rel @p0 .LBB2_16-.Ltmp11, $1  }
0x197: {  	_ =	sdelay $0x3  }
0x198: {  	p0 =	sgt.s32 s20, s25  }
0x199: {  	s13 =	smov.u32 s25;
	p1 =	slt.s32 s25, $0x18500;
	s18 =	smov.u32 s25  }
0x19a: {  	s13 =	smov.u32 @p0 s20;
	s18 =	simm.s32 @!p1 $0x18500  }
0x19b: {  	s5 =	sshll.u32 s13, $0x9;
	s7 =	sshll.u32 s18, $0x9  }
0x19c: {  	s5 =	ssub.s32 s5, s7  }
0x19d: {  	s5 =	sshra.s32 s5, $0x2  }
0x19e: {  	s5 =	sadd.s32 $0xD080, s5  }
0x19f: {  	v12 =	vld [tilespmem:s5+$0x10]  }
0x1a0: {  	v18 =	vld [tilespmem:s5+$0x0]  }
0x1a1: {  	v19 =	vld [tilespmem:s5+$0xFFFFFF90]  }
0x1a2: {  	v20 =	vld [tilespmem:s5+$0xFFFFFF80]  }
0x1a3: {  	v14 =	vld [tilespmem:s5+$0x20]  }
0x1a4: {  	v21 =	vld [tilespmem:s5+$0xFFFFFFA0]  }
0x1a5: {  	v13 =	vld [tilespmem:s5+$0x30]  }
0x1a6: {  	v23 =	vld [tilespmem:s5+$0xFFFFFFB0];
	v17 =	vmul.f32 v12, v4;
	v22 =	vmul.f32 v18, v3  }
0x1a7: {  	v15 =	vld [tilespmem:s5+$0x40];
	v24 =	vmul.f32 v20, v3;
	v25 =	vmul.f32 v19, v4  }
0x1a8: {  	v27 =	vld [tilespmem:s5+$0xFFFFFFC0];
	v26 =	vmul.f32 v14, v5  }
0x1a9: {  	v16 =	vld [tilespmem:s5+$0x50];
	v48 =	vmul.f32 v21, v5;
	v22 =	vadd.f32 v17, v22;
	v24 =	vadd.f32 v25, v24  }
0x1aa: {  	v29 =	vld [tilespmem:s5+$0xFFFFFFD0];
	v28 =	vmul.f32 v13, v6  }
0x1ab: {  	v30 =	vld [tilespmem:s5+$0xFFFFFFE0];
	v49 =	vmul.f32 v23, v6;
	v22 =	vadd.f32 v26, v22;
	v24 =	vadd.f32 v48, v24  }
0x1ac: {  	v50 =	vmul.f32 v15, v7;
	v17 =	vld [tilespmem:s5+$0x60]  }
0x1ad: {  	v31 =	vld [tilespmem:s5+$0x70];
	v51 =	vmul.f32 v27, v7;
	v22 =	vadd.f32 v28, v22;
	v24 =	vadd.f32 v49, v24  }
0x1ae: {  	v32 =	vld [tilespmem:s5+$0xFFFFFFF0];
	v52 =	vmul.f32 v16, v8  }
0x1af: {  	v53 =	vmul.f32 v29, v8;
	v22 =	vadd.f32 v50, v22;
	v24 =	vadd.f32 v51, v24  }
0x1b0: {  	v55 =	vmul.f32 v30, v9  }
0x1b1: {  	v54 =	vmul.f32 v17, v9;
	v22 =	vadd.f32 v52, v22;
	v24 =	vadd.f32 v53, v24  }
0x1b2: {  	v56 =	vmul.f32 v31, v10  }
0x1b3: {  	v57 =	vmul.f32 v32, v10;
	v22 =	vadd.f32 v54, v22;
	v24 =	vadd.f32 v55, v24;
	_ =	sdelay $0x1  }
0x1b4: {  	v22 =	vadd.f32 v56, v22;
	v24 =	vadd.f32 v57, v24;
	_ =	sdelay $0x1  }
0x1b5: {  	v58 =	vperm.xlane v22, v1;
	v59 =	vperm.xlane v24, v1;
	_ =	sdelay $0x1  }
0x1b6: {  	v22 =	vadd.f32 v58, v22;
	v24 =	vadd.f32 v59, v24;
	_ =	sdelay $0x1  }
0x1b7: {  	v22 =	vsel vm0, v24, v22  }
0x1b8: {  	(xrf2) =	vadd.scan.msk.f32 $0xffff, v22;
	_ =	sdelay $0x9  }
0x1b9: {  	v22, _, _ =	vpop (xrf2)  }
0x1ba: {  	(v2sf) =	vpush v22, $0x7  }
0x1bb: {  	(v2sf) =	vpush v22, $0xF  }
0x1bc: {  	v22 =	vbroadcast v22, $0x7;
	_ =	sdelay $0x1  }
0x1bd: {  	v22 =	vadd.f32 v22, v11;
	_ =	sdelay $0x1  }
0x1be: {  	s13 =	sshll.u32 s13, $0x2;
	s9 =	sshll.u32 s18, $0x2;
	v22 =	vsub.f32 $0.0e+00, v22  }
0x1bf: {  	s7 =	ssub.s32 s13, s9  }
0x1c0: {  	s7 =	sshra.s32 s7, $0x2;
	v22 =	vmul.f32 $1.442695020e+00, v22  }
0x1c1: {  	s13 =	sadd.s32 $0x1A200, s7  }
0x1c2: {  	(erf) = vpow2.f32 v22;
	v22 =	vld [tilespmem:s13+$0x0];
	_ =	sdelay $0x4  }
0x1c3: {  	v22 =	vsub.s32 v22, v2;
	s18 =	spop (v2sf)  }
0x1c4: {  	v22 =	vshll.u32 v22, $0x9;
	s30 =	spop (v2sf)  }
0x1c5: {  	v22 =	vshra.s32 v22, $0x2;
	s7 =	ssub.f32 s30, s18  }
0x1c6: {  	(v2sf) =	vpush v22, $0x0  }
0x1c7: {  	v60 =	vadd.f32 s7, v11;
	_ =	sdelay $0x1  }
0x1c8: {  	v61 =	vpop (erf);
	v24 =	vsub.f32 $0.0e+00, v60  }
0x1c9: {  	v25 =	vadd.f32 $1.000000000e+00, v61  }
0x1ca: {  	v24 =	vmul.f32 $1.442695020e+00, v24  }
0x1cb: {  	(erf) = vrcp.f32 v25  }
0x1cc: {  	(erf) = vpow2.f32 v24;
	_ =	sdelay $0x7  }
0x1cd: {  	v62 =	vpop (erf);
	s31 =	spop (v2sf);
	(v2sf) =	vpush v22, $0x1  }
0x1ce: {  	v63 =	vpop (erf)  }
0x1cf: {  	v25 =	vadd.f32 $1.000000000e+00, v63;
	_ =	sdelay $0x1  }
0x1d0: {  	(erf) = vrcp.f32 v25  }
0x1d1: {  	v20 =	vmul.f32 v62, v20  }
0x1d2: {  	v21 =	vmul.f32 v62, v21  }
0x1d3: {  	[tilespmem:s31+$0x1A400] =	vst.add.f32.msk $0xffff, v20;
	v20 =	vmul.f32 v62, v27  }
0x1d4: {  	v23 =	vmul.f32 v62, v23;
	[tilespmem:s31+$0x1A420] =	vst.add.f32.msk $0xffff, v21  }
0x1d5: {  	p0 =	sgt.s32 s11, $0x1;
	v19 =	vmul.f32 v62, v19;
	[tilespmem:s31+$0x1A440] =	vst.add.f32.msk $0xffff, v20;
	v20 =	vmul.f32 v62, v32  }
.Ltmp12:
0x1d6: {  	v21 =	vmul.f32 v62, v29;
	[tilespmem:s31+$0x1A430] =	vst.add.f32.msk $0xffff, v23;
	(pc) =	sbr.rel @!p0 .LBB2_15-.Ltmp12, $4  }
0x1d7: {  	[tilespmem:s31+$0x1A410] =	vst.add.f32.msk $0xffff, v19  }
0x1d8: {  	v23 =	vmul.f32 v62, v30;
	[tilespmem:s31+$0x1A450] =	vst.add.f32.msk $0xffff, v21  }
0x1d9: {  	[tilespmem:s31+$0x1A470] =	vst.add.f32.msk $0xffff, v20;
	v20 =	vpop (erf)  }
0x1da: {  	s5 =	sadd.s32 $0x100, s5;
	s18 =	simm.s32 $0x1;
	[tilespmem:s31+$0x1A460] =	vst.add.f32.msk $0xffff, v23;
	v18 =	vmul.f32 v20, v18;
	v19 =	vmul.f32 v20, v31  }
.LBB2_14:
0x1db: {  	s18 =	sadd.s32 $0x1, s18;
	v14 =	vmul.f32 v20, v14;
	v16 =	vmul.f32 v20, v16;
	s13 =	sadd.s32 $0x2, s13;
	s7 =	spop (v2sf)  }
0x1dc: {  	v12 =	vmul.f32 v20, v12;
	v17 =	vmul.f32 v20, v17;
	p0 =	slt.s32 s18, s11;
	[tilespmem:s7+$0x1A470] =	vst.add.f32.msk $0xffff, v19  }
0x1dd: {  	v13 =	vmul.f32 v20, v13;
	v15 =	vmul.f32 v20, v15;
	[tilespmem:s7+$0x1A400] =	vst.add.f32.msk $0xffff, v18  }
0x1de: {  	[tilespmem:s7+$0x1A450] =	vst.add.f32.msk $0xffff, v16  }
0x1df: {  	[tilespmem:s7+$0x1A420] =	vst.add.f32.msk $0xffff, v14  }
0x1e0: {  	[tilespmem:s7+$0x1A430] =	vst.add.f32.msk $0xffff, v13  }
0x1e1: {  	[tilespmem:s7+$0x1A440] =	vst.add.f32.msk $0xffff, v15  }
0x1e2: {  	[tilespmem:s7+$0x1A460] =	vst.add.f32.msk $0xffff, v17  }
0x1e3: {  	[tilespmem:s7+$0x1A410] =	vst.add.f32.msk $0xffff, v12  }
0x1e4: {  	v14 =	vld [tilespmem:s5+$0x20]  }
0x1e5: {  	v12 =	vld [tilespmem:s5+$0x10]  }
0x1e6: {  	v18 =	vld [tilespmem:s5+$0x0]  }
0x1e7: {  	v20 =	vld [tilespmem:s5+$0xFFFFFF90]  }
0x1e8: {  	v21 =	vld [tilespmem:s5+$0xFFFFFF80]  }
0x1e9: {  	v13 =	vld [tilespmem:s5+$0x30]  }
0x1ea: {  	v22 =	vld [tilespmem:s5+$0xFFFFFFA0];
	v17 =	vmul.f32 v12, v4  }
0x1eb: {  	v15 =	vld [tilespmem:s5+$0x40];
	v19 =	vmul.f32 v18, v3  }
0x1ec: {  	v25 =	vmul.f32 v14, v5;
	v23 =	vld [tilespmem:s5+$0xFFFFFFB0]  }
0x1ed: {  	v27 =	vmul.f32 v20, v4;
	v16 =	vld [tilespmem:s5+$0x50];
	v26 =	vmul.f32 v21, v3;
	v19 =	vadd.f32 v17, v19  }
0x1ee: {  	v24 =	vld [tilespmem:s5+$0xFFFFFFC0];
	v28 =	vmul.f32 v13, v6  }
0x1ef: {  	v17 =	vld [tilespmem:s5+$0x60];
	v26 =	vadd.f32 v27, v26;
	v27 =	vmul.f32 v22, v5;
	v25 =	vadd.f32 v25, v19  }
0x1f0: {  	v29 =	vld [tilespmem:s5+$0xFFFFFFD0];
	v30 =	vmul.f32 v15, v7  }
0x1f1: {  	v19 =	vld [tilespmem:s5+$0x70];
	v26 =	vadd.f32 v27, v26;
	v27 =	vmul.f32 v23, v6;
	v25 =	vadd.f32 v28, v25  }
0x1f2: {  	v28 =	vld [tilespmem:s5+$0xFFFFFFE0];
	v31 =	vmul.f32 v16, v8  }
0x1f3: {  	v26 =	vadd.f32 v27, v26;
	v27 =	vmul.f32 v24, v7;
	v25 =	vadd.f32 v30, v25  }
0x1f4: {  	v30 =	vld [tilespmem:s5+$0xFFFFFFF0];
	v32 =	vmul.f32 v17, v9  }
0x1f5: {  	v26 =	vadd.f32 v27, v26;
	v27 =	vmul.f32 v29, v8;
	v25 =	vadd.f32 v31, v25  }
0x1f6: {  	v31 =	vmul.f32 v19, v10  }
0x1f7: {  	v26 =	vadd.f32 v27, v26;
	v27 =	vmul.f32 v28, v9;
	v25 =	vadd.f32 v32, v25;
	_ =	sdelay $0x1  }
0x1f8: {  	v26 =	vadd.f32 v27, v26;
	v27 =	vmul.f32 v30, v10;
	v25 =	vadd.f32 v31, v25;
	_ =	sdelay $0x1  }
0x1f9: {  	v26 =	vadd.f32 v27, v26;
	v27 =	vperm.xlane v25, v1;
	_ =	sdelay $0x1  }
0x1fa: {  	v31 =	vperm.xlane v26, v1;
	v25 =	vadd.f32 v27, v25;
	_ =	sdelay $0x1  }
0x1fb: {  	v26 =	vadd.f32 v31, v26;
	_ =	sdelay $0x1  }
0x1fc: {  	v25 =	vsel vm0, v26, v25  }
0x1fd: {  	(xrf2) =	vadd.scan.msk.f32 $0xffff, v25;
	_ =	sdelay $0x9  }
0x1fe: {  	v25, _, _ =	vpop (xrf2)  }
0x1ff: {  	v26 =	vbroadcast v25, $0x7;
	(v2sf) =	vpush v25, $0x7  }
0x200: {  	(v2sf) =	vpush v25, $0xF  }
0x201: {  	v25 =	vadd.f32 v26, v11;
	_ =	sdelay $0x1  }
0x202: {  	v25 =	vsub.f32 $0.0e+00, v25;
	_ =	sdelay $0x1  }
0x203: {  	v25 =	vmul.f32 $1.442695020e+00, v25;
	_ =	sdelay $0x1  }
0x204: {  	v26 =	vld [tilespmem:s13+$0x0];
	(erf) = vpow2.f32 v25;
	_ =	sdelay $0x4  }
0x205: {  	v25 =	vsub.s32 v26, v2  }
0x206: {  	v25 =	vshll.u32 v25, $0x9  }
0x207: {  	v25 =	vshra.s32 v25, $0x2;
	s7 =	spop (v2sf)  }
0x208: {  	s9 =	spop (v2sf);
	(v2sf) =	vpush v25, $0x0  }
0x209: {  	s7 =	ssub.f32 s9, s7;
	v26 =	vpop (erf)  }
0x20a: {  	v26 =	vadd.f32 $1.000000000e+00, v26  }
0x20b: {  	v27 =	vadd.f32 s7, v11  }
0x20c: {  	(erf) = vrcp.f32 v26  }
0x20d: {  	v26 =	vsub.f32 $0.0e+00, v27;
	_ =	sdelay $0x1  }
0x20e: {  	v26 =	vmul.f32 $1.442695020e+00, v26;
	_ =	sdelay $0x1  }
0x20f: {  	(erf) = vpow2.f32 v26;
	_ =	sdelay $0x3  }
0x210: {  	v26 =	vpop (erf)  }
0x211: {  	v21 =	vmul.f32 v26, v21;
	v20 =	vmul.f32 v26, v20  }
0x212: {  	v22 =	vmul.f32 v26, v22;
	v27 =	vmul.f32 v26, v23;
	s7 =	spop (v2sf)  }
0x213: {  	[tilespmem:s7+$0x1A400] =	vst.add.f32.msk $0xffff, v21;
	v21 =	vmul.f32 v26, v24;
	v24 =	vmul.f32 v26, v29  }
0x214: {  	[tilespmem:s7+$0x1A420] =	vst.add.f32.msk $0xffff, v22;
	v22 =	vmul.f32 v26, v28;
	v26 =	vmul.f32 v26, v30;
	(v2sf) =	vpush v25, $0x1  }
0x215: {  	[tilespmem:s7+$0x1A430] =	vst.add.f32.msk $0xffff, v27;
	v23 =	vpop (erf)  }
0x216: {  	v23 =	vadd.f32 $1.000000000e+00, v23;
	[tilespmem:s7+$0x1A440] =	vst.add.f32.msk $0xffff, v21  }
0x217: {  	[tilespmem:s7+$0x1A450] =	vst.add.f32.msk $0xffff, v24  }
0x218: {  	[tilespmem:s7+$0x1A460] =	vst.add.f32.msk $0xffff, v22;
	(erf) = vrcp.f32 v23  }
0x219: {  	[tilespmem:s7+$0x1A470] =	vst.add.f32.msk $0xffff, v26  }
0x21a: {  	[tilespmem:s7+$0x1A410] =	vst.add.f32.msk $0xffff, v20;
	_ =	sdelay $0x3  }
.Ltmp13:
0x21b: {  	(pc) =	sbr.rel @p0 .LBB2_14-.Ltmp13, $3  }
0x21c: {  	_ =	sdelay $0x1  }
0x21d: {  	v20 =	vpop (erf)  }
0x21e: {  	s5 =	sadd.s32 $0x100, s5;
	v18 =	vmul.f32 v20, v18;
	v19 =	vmul.f32 v20, v19  }
.Ltmp14:
0x21f: {  	_ = 	snop;
	(pc) =	sbr.rel .LBB2_15-.Ltmp14, $1  }
0x220: {  	_ =	sdelay $0x3  }
.LBB2_19:
0x221: {  	_ =	sfence.sel $0x180000  }
0x222: {  	[bflag:$0x0] =	sbarrier.arrive $0xFFFF  }
0x223: {  	_ =	strace $0x90000047  }
0x224: {  	s0 =	stileid.u32;
	[bflag:$0x2] =	sbarrier.arrive $0xFFFF  }
0x225: {  	p0 =	sne.s32 s0, $0x0;
	s0 =	rddreg [dreg:$0x4]  }
0x226: {  	s0 =	sadd.s32 @!p0 $0x100000, s0  }
0x227: {  	[sflag:s0] =	ssyncadd.tile.s32 @!p0 $0x1;
	_ =	shalt  }
.Lfunc_end2:
_tile_overlayer_lowered:
.L_overlay_start_2:
0x228: {  	(tag) =	ssettag $0x2  }
0x229: {  	s0 =	rddreg [dreg:$0x0];
	s2 =	stileid.u32  }
0x22a: {  	s1 =	rddreg [dreg:$0x1];
	p0 =	sne.s32 s2, $0x0  }
0x22b: {  	s3 =	rddreg [dreg:$0x2];
	[bflag:$0x3] =	sbarrier.arrive $0xFFFF;
	s2 =	simm.s32 @!p0 $0x1C05  }
0x22c: {  	[timem:s3], [sflag:s2] =	dma.local @!p0 [hbm:s0], s1  }
0x22d: {  	s0 =	simm.s32 @!p0 $0x5  }
0x22e: {  	_ =	swait.ge @!p0 [sflag:s0], s1  }
0x22f: {  	s1 =	ssub.s32 @!p0 $0x0, s1;
	[sflag:s0] =	ssyncset.done @!p0 $0x0  }
0x230: {  	[sflag:s0] =	ssyncadd.s32 @!p0 s1  }
0x231: {  	[bflag:$0x3] =	sbarrier.arrive $0xFFFF  }
0x232: {  	_ =	shalt  }

</sc_bundles>
